<compile_context>
chip_gen: v7x
topology: tpu7x:2x2x1
jax: 0.10.2.dev20260603
libtpu: 0.0.44.dev20260713+nightly
codegen_flags: <defaults>
</compile_context>

<pallas_src>
import functools

import jax
import jax.numpy as jnp
import numpy as np
from jax.experimental import pallas as pl
from jax.experimental.pallas import tpu as pltpu
from jax.experimental.pallas import tpu_sc as plsc

N_NODES = 10000
N_EDGES = 320000
D_FEAT = 128
D_EDGE = 16
D_HID = 128
D_OUT = 16

_W = 128
_NPAD = 327680
_GRID = _NPAD // _W
_B3 = 8000
_LANES = 16
_HALF = D_HID // 2

_EF = np.concatenate([np.arange(0, D_HID, 2), np.arange(1, D_HID, 2)])

_NWORK = 32
_WIN_PER = _GRID // _NWORK
_WIN_C0 = 48
_WIN_C1 = 112


def _node_proj(node_attr, w1ab):
    def body(n_ref, w_ref, p_ref, q_ref):
        n = n_ref[...]
        p_ref[...] = jnp.dot(n, w_ref[:D_FEAT, :],
                             preferred_element_type=jnp.float32)
        q_ref[...] = jnp.dot(n, w_ref[D_FEAT:, :],
                             preferred_element_type=jnp.float32)

    return pl.pallas_call(
        body,
        out_shape=[
            jax.ShapeDtypeStruct((N_NODES, D_HID), jnp.float32),
            jax.ShapeDtypeStruct((N_NODES, D_HID), jnp.float32),
        ],
    )(node_attr, w1ab)


def _sc_gather_add(p, q, sidx, ridx):
    mesh = plsc.VectorSubcoreMesh(core_axis_name="c", subcore_axis_name="s")
    cp = pltpu.CompilerParams(needs_layout_passes=False)

    @functools.partial(
        pl.kernel,
        out_type=jax.ShapeDtypeStruct((_NPAD, _HALF), jnp.int32),
        mesh=mesh,
        compiler_params=cp,
        scratch_types=[
            pltpu.VMEM((2, _W), jnp.int32),
            pltpu.VMEM((2, _W), jnp.int32),
            pltpu.VMEM((2, _W, D_HID), jnp.float32),
            pltpu.VMEM((2, _W, D_HID), jnp.float32),
            pltpu.VMEM((2, _W, _HALF), jnp.int32),
            pltpu.SemaphoreType.DMA,
            pltpu.SemaphoreType.DMA,
            pltpu.SemaphoreType.DMA,
            pltpu.SemaphoreType.DMA,
            pltpu.SemaphoreType.DMA,
            pltpu.SemaphoreType.DMA,
        ],
    )
    def k(p_hbm, q_hbm, si_hbm, ri_hbm, o_hbm, si_v, ri_v, gp_v, gq_v, out_v,
          s_i0, s_i1, s_g0, s_g1, s_o0, s_o1):
        sem_i = (s_i0, s_i1)
        sem_g = (s_g0, s_g1)
        sem_o = (s_o0, s_o1)
        c = jax.lax.axis_index("c")
        s = jax.lax.axis_index("s")
        n_win = _WIN_C0 + c * (_WIN_C1 - _WIN_C0)
        w0 = s * (_WIN_C0 + _WIN_C1) + c * _WIN_C0

        def fire_idx(j, b):
            pltpu.make_async_copy(si_hbm.at[w0 + j], si_v.at[b], sem_i[b]).start()
            pltpu.make_async_copy(ri_hbm.at[w0 + j], ri_v.at[b], sem_i[b]).start()

        def wait_idx(j, b):
            pltpu.make_async_copy(si_hbm.at[w0 + j], si_v.at[b], sem_i[b]).wait()
            pltpu.make_async_copy(ri_hbm.at[w0 + j], ri_v.at[b], sem_i[b]).wait()

        def fire_gathers(b):
            pltpu.make_async_copy(p_hbm.at[si_v.at[b]], gp_v.at[b], sem_g[b]).start()
            pltpu.make_async_copy(q_hbm.at[ri_v.at[b]], gq_v.at[b], sem_g[b]).start()

        def wait_gathers(b):
            pltpu.make_async_copy(p_hbm.at[si_v.at[b]], gp_v.at[b], sem_g[b]).wait()
            pltpu.make_async_copy(q_hbm.at[ri_v.at[b]], gq_v.at[b], sem_g[b]).wait()

        def out_copy(j, b):
            return pltpu.make_async_copy(
                out_v.at[b],
                o_hbm.at[pl.ds((w0 + j) * _W, _W), :],
                sem_o[b])

        def rne_bf16(u):
            lsb = (u >> 16) & jnp.uint32(1)
            return (u + lsb + jnp.uint32(0x7FFF)) >> 16

        fire_idx(0, 0)
        wait_idx(0, 0)
        fire_gathers(0)
        fire_idx(1, 1)

        @pl.loop(0, n_win, step=2)
        def _(j0):
            for b in (0, 1):
                j = j0 + b
                nb = 1 - b

                @pl.when(jnp.logical_and(j >= 1, j + 1 < n_win))
                def _():
                    out_copy(j - 1, nb).wait()

                @pl.when(j + 1 < n_win)
                def _():
                    wait_idx(j + 1, nb)
                    fire_gathers(nb)

                wait_gathers(b)

                @pl.when(j + 2 < n_win)
                def _():
                    fire_idx(j + 2, b)

                @pl.loop(0, _W)
                def _(e):
                    for cg in range(0, _HALF, _LANES):
                        lo = pl.ds(cg, _LANES)
                        hi = pl.ds(_HALF + cg, _LANES)
                        s_lo = gp_v.at[b, e, lo][...] + gq_v.at[b, e, lo][...]
                        s_hi = gp_v.at[b, e, hi][...] + gq_v.at[b, e, hi][...]
                        u_lo = rne_bf16(plsc.bitcast(s_lo, jnp.uint32))
                        u_hi = rne_bf16(plsc.bitcast(s_hi, jnp.uint32))
                        word = u_lo | (u_hi << 16)
                        out_v.at[b, e, lo][...] = plsc.bitcast(word, jnp.int32)

                out_copy(j, b).start()

        out_copy(n_win - 2, 0).wait()
        out_copy(n_win - 1, 1).wait()

    return k(p, q, sidx, ridx)


def _epilogue(g32, edge_attr, w1c_e, w1c_o, b1_e, b1_o, w2_e, w2_o, b2):
    def body(g_ref, e_ref, w1ce_ref, w1co_ref, b1e_ref, b1o_ref,
             w2e_ref, w2o_ref, b2_ref, o_ref):
        w = g_ref[...]
        x_even = jax.lax.bitcast_convert_type(
            jnp.left_shift(w, 16), jnp.float32)
        x_odd = jax.lax.bitcast_convert_type(
            jnp.bitwise_and(w, jnp.int32(-65536)), jnp.float32)
        e = e_ref[...]
        pre_e = x_even + jnp.dot(e, w1ce_ref[...],
                                 preferred_element_type=jnp.float32) + b1e_ref[...]
        pre_o = x_odd + jnp.dot(e, w1co_ref[...],
                                preferred_element_type=jnp.float32) + b1o_ref[...]
        h_e = jnp.maximum(pre_e, 0.0)
        h_o = jnp.maximum(pre_o, 0.0)
        o_ref[...] = (jnp.dot(h_e, w2e_ref[...],
                              preferred_element_type=jnp.float32)
                      + jnp.dot(h_o, w2o_ref[...],
                                preferred_element_type=jnp.float32)
                      + b2_ref[...])

    return pl.pallas_call(
        body,
        grid=(N_EDGES // _B3,),
        in_specs=[
            pl.BlockSpec((_B3, _HALF), lambda i: (i, 0)),
            pl.BlockSpec((_B3, D_EDGE), lambda i: (i, 0)),
            pl.BlockSpec((D_EDGE, _HALF), lambda i: (0, 0)),
            pl.BlockSpec((D_EDGE, _HALF), lambda i: (0, 0)),
            pl.BlockSpec((1, _HALF), lambda i: (0, 0)),
            pl.BlockSpec((1, _HALF), lambda i: (0, 0)),
            pl.BlockSpec((_HALF, D_OUT), lambda i: (0, 0)),
            pl.BlockSpec((_HALF, D_OUT), lambda i: (0, 0)),
            pl.BlockSpec((1, D_OUT), lambda i: (0, 0)),
        ],
        out_specs=pl.BlockSpec((_B3, D_OUT), lambda i: (i, 0)),
        out_shape=jax.ShapeDtypeStruct((N_EDGES, D_OUT), jnp.float32),
    )(g32, edge_attr, w1c_e, w1c_o, b1_e, b1_o, w2_e, w2_o, b2)


def kernel(node_attr, edge_attr, edge_index, edge_contact_attr,
           edge_contact_index, W1, b1, W2, b2):
    idx = edge_index.astype(jnp.int32)
    idx = jnp.pad(idx, ((0, 0), (0, _NPAD - N_EDGES)))
    sidx = idx[0].reshape(_GRID, _W)
    ridx = idx[1].reshape(_GRID, _W)

    ef = jnp.asarray(_EF)
    w1ab_p = W1[: 2 * D_FEAT, :][:, ef]
    p, q = _node_proj(node_attr, w1ab_p)
    g32 = _sc_gather_add(p, q, sidx, ridx)

    w1c = W1[2 * D_FEAT:, :]
    out = _epilogue(
        g32, edge_attr,
        w1c[:, 0::2], w1c[:, 1::2],
        b1[0::2].reshape(1, _HALF), b1[1::2].reshape(1, _HALF),
        W2[0::2, :], W2[1::2, :],
        b2.reshape(1, D_OUT))
    return (node_attr, out, edge_index, edge_contact_attr, edge_contact_index)

# --- scband reference (transcript-rebuilt; emitter-appended) ---
"""Pipeline reference for scband-edge-mesh-processor-contact-module-87608742903958 (READ-ONLY COPY).

The authoritative reference and input builder live on the scoring server;
editing this copy changes nothing except your own understanding.
"""

import jax, jax.numpy as jnp
import numpy as np

N_NODES = 10000
N_EDGES = 320000
N_CONTACT = 32000
D_FEAT = 128
D_EDGE = 16
D_IN = 2 * D_FEAT + D_EDGE  # 272
D_HID = 128
D_OUT = 16


def setup_inputs(seed: int = 0) -> dict:
    key = jax.random.key(seed)
    ks = jax.random.split(key, 9)
    node_attr = jax.random.normal(ks[0], (N_NODES, D_FEAT), dtype=jnp.float32)
    edge_attr = jax.random.normal(ks[1], (N_EDGES, D_EDGE), dtype=jnp.float32)
    edge_index = jax.random.randint(ks[2], (2, N_EDGES), 0, N_NODES, dtype=jnp.int64)
    edge_contact_attr = jax.random.normal(ks[3], (N_CONTACT, D_EDGE), dtype=jnp.float32)
    edge_contact_index = jax.random.randint(ks[4], (2, N_CONTACT), 0, N_NODES, dtype=jnp.int64)
    # MLP parameters (nn.Linear-style: y = x @ W.T + b; here stored pre-transposed)
    W1 = jax.random.normal(ks[5], (D_IN, D_HID), dtype=jnp.float32) * (1.0 / np.sqrt(D_IN))
    b1 = jnp.zeros((D_HID,), dtype=jnp.float32)
    W2 = jax.random.normal(ks[6], (D_HID, D_OUT), dtype=jnp.float32) * (1.0 / np.sqrt(D_HID))
    b2 = jnp.zeros((D_OUT,), dtype=jnp.float32)
    return {
        "node_attr": node_attr,
        "edge_attr": edge_attr,
        "edge_index": edge_index,
        "edge_contact_attr": edge_contact_attr,
        "edge_contact_index": edge_contact_index,
        "W1": W1, "b1": b1, "W2": W2, "b2": b2,
    }


def reference(node_attr, edge_attr, edge_index, edge_contact_attr, edge_contact_index, W1, b1, W2, b2):
    # decompose_meshgraph_graph: fields already split into separate arrays
    senders_idx = edge_index[0]
    receivers_idx = edge_index[1]
    senders_attr = jnp.take(node_attr, senders_idx, axis=0)
    receivers_attr = jnp.take(node_attr, receivers_idx, axis=0)
    edge_messages = jnp.concatenate([senders_attr, receivers_attr, edge_attr], axis=1)
    # mlp_model forward
    h = jnp.maximum(edge_messages @ W1 + b1, 0.0)
    edge_mesh_attr = h @ W2 + b2
    # Data(x=node_attr, edge_attr=edge_mesh_attr, edge_index=..., edge_contact_attr=..., edge_contact_index=...)
    return (node_attr, edge_mesh_attr, edge_index, edge_contact_attr, edge_contact_index)

if __name__ == "__main__":
    import jax
    _d = setup_inputs()
    print(jax.jit(kernel)(*tuple(_d.values())))

</pallas_src>

<mosaic_0001>
#map = affine_map<(d0, d1) -> (0, 0)>
module attributes {stable_mosaic.version = 14 : i64} {
  func.func @k(%arg0: i32, %arg1: i32, %arg2: memref<10000x128xf32, #tpu.memory_space<hbm>>, %arg3: memref<10000x128xf32, #tpu.memory_space<hbm>>, %arg4: memref<2560x128xi32, #tpu.memory_space<hbm>>, %arg5: memref<2560x128xi32, #tpu.memory_space<hbm>>, %arg6: memref<327680x64xi32, #tpu.memory_space<hbm>>, %arg7: memref<2x128xi32, #tpu.memory_space<vmem>>, %arg8: memref<2x128xi32, #tpu.memory_space<vmem>>, %arg9: memref<2x128x128xf32, #tpu.memory_space<vmem>>, %arg10: memref<2x128x128xf32, #tpu.memory_space<vmem>>, %arg11: memref<2x128x64xi32, #tpu.memory_space<vmem>>, %arg12: memref<!tpu.dma_semaphore, #tpu.memory_space<semaphore_mem>>, %arg13: memref<!tpu.dma_semaphore, #tpu.memory_space<semaphore_mem>>, %arg14: memref<!tpu.dma_semaphore, #tpu.memory_space<semaphore_mem>>, %arg15: memref<!tpu.dma_semaphore, #tpu.memory_space<semaphore_mem>>, %arg16: memref<!tpu.dma_semaphore, #tpu.memory_space<semaphore_mem>>, %arg17: memref<!tpu.dma_semaphore, #tpu.memory_space<semaphore_mem>>) attributes {dimension_semantics = [#tpu.dimension_semantics<core_parallel>, #tpu.dimension_semantics<subcore_parallel>], iteration_bounds = array<i64: 2, 16>, scalar_prefetch = 0 : i64, scratch_operands = 11 : i64, tpu.core_type = #tpu.core_type<sc_vector_subcore>, window_params = [{transform_indices = #map}, {transform_indices = #map}, {transform_indices = #map}, {transform_indices = #map}, {transform_indices = #map}]} {
    %mul3A = arith.constant 64 : i32
    %mul3A_0 = arith.muli %arg0, %mul3A : i32
    %add3A = arith.constant 48 : i32
    %add3A_1 = arith.addi %add3A, %mul3A_0 : i32
    %mul3A_2 = arith.constant 160 : i32
    %mul3A_3 = arith.muli %arg1, %mul3A_2 : i32
    %mul3A_4 = arith.constant 48 : i32
    %mul3A_5 = arith.muli %arg0, %mul3A_4 : i32
    %add3A_6 = arith.addi %mul3A_3, %mul3A_5 : i32
    %add3A_7 = arith.constant 0 : i32
    %add3A_8 = arith.addi %add3A_6, %add3A_7 : i32
    %dma_start3A = arith.constant 0 : i32
    %dma_start3A_9 = arith.constant 0 : i32
    %dma_start3A_10 = tpu.memref_slice %arg7[%dma_start3A, %dma_start3A_9] : memref<2x128xi32, #tpu.memory_space<vmem>> -> memref<1x128xi32, #tpu.memory_space<vmem>>
    %dma_start3A_11 = tpu.memref_squeeze %dma_start3A_10 : memref<1x128xi32, #tpu.memory_space<vmem>> -> memref<128xi32, #tpu.memory_space<vmem>>
    %dma_start3A_12 = arith.constant 0 : i32
    %dma_start3A_13 = tpu.memref_slice %arg4[%add3A_8, %dma_start3A_12] : memref<2560x128xi32, #tpu.memory_space<hbm>> -> memref<1x128xi32, #tpu.memory_space<hbm>>
    %dma_start3A_14 = tpu.memref_squeeze %dma_start3A_13 : memref<1x128xi32, #tpu.memory_space<hbm>> -> memref<128xi32, #tpu.memory_space<hbm>>
    %dma_start3A_15 = arith.constant 0 : i32
    %dma_start3A_16 = tpu.memref_slice %arg7[%dma_start3A, %dma_start3A_15] : memref<2x128xi32, #tpu.memory_space<vmem>> -> memref<1x128xi32, #tpu.memory_space<vmem>>
    %dma_start3A_17 = tpu.memref_squeeze %dma_start3A_16 : memref<1x128xi32, #tpu.memory_space<vmem>> -> memref<128xi32, #tpu.memory_space<vmem>>
    %dma_start3A_18 = arith.constant 0 : i32
    %dma_start3A_19 = tpu.memref_slice %arg4[%add3A_8, %dma_start3A_18] : memref<2560x128xi32, #tpu.memory_space<hbm>> -> memref<1x128xi32, #tpu.memory_space<hbm>>
    %dma_start3A_20 = tpu.memref_squeeze %dma_start3A_19 : memref<1x128xi32, #tpu.memory_space<hbm>> -> memref<128xi32, #tpu.memory_space<hbm>>
    tpu.enqueue_dma source(%dma_start3A_20 : memref<128xi32, #tpu.memory_space<hbm>>) target(%dma_start3A_17 : memref<128xi32, #tpu.memory_space<vmem>>) target_semaphore(%arg12 : memref<!tpu.dma_semaphore, #tpu.memory_space<semaphore_mem>>)
    %add3A_21 = arith.constant 0 : i32
    %add3A_22 = arith.addi %add3A_6, %add3A_21 : i32
    %dma_start3A_23 = arith.constant 0 : i32
    %dma_start3A_24 = arith.constant 0 : i32
    %dma_start3A_25 = tpu.memref_slice %arg8[%dma_start3A_23, %dma_start3A_24] : memref<2x128xi32, #tpu.memory_space<vmem>> -> memref<1x128xi32, #tpu.memory_space<vmem>>
    %dma_start3A_26 = tpu.memref_squeeze %dma_start3A_25 : memref<1x128xi32, #tpu.memory_space<vmem>> -> memref<128xi32, #tpu.memory_space<vmem>>
    %dma_start3A_27 = arith.constant 0 : i32
    %dma_start3A_28 = tpu.memref_slice %arg5[%add3A_22, %dma_start3A_27] : memref<2560x128xi32, #tpu.memory_space<hbm>> -> memref<1x128xi32, #tpu.memory_space<hbm>>
    %dma_start3A_29 = tpu.memref_squeeze %dma_start3A_28 : memref<1x128xi32, #tpu.memory_space<hbm>> -> memref<128xi32, #tpu.memory_space<hbm>>
    %dma_start3A_30 = arith.constant 0 : i32
    %dma_start3A_31 = tpu.memref_slice %arg8[%dma_start3A_23, %dma_start3A_30] : memref<2x128xi32, #tpu.memory_space<vmem>> -> memref<1x128xi32, #tpu.memory_space<vmem>>
    %dma_start3A_32 = tpu.memref_squeeze %dma_start3A_31 : memref<1x128xi32, #tpu.memory_space<vmem>> -> memref<128xi32, #tpu.memory_space<vmem>>
    %dma_start3A_33 = arith.constant 0 : i32
    %dma_start3A_34 = tpu.memref_slice %arg5[%add3A_22, %dma_start3A_33] : memref<2560x128xi32, #tpu.memory_space<hbm>> -> memref<1x128xi32, #tpu.memory_space<hbm>>
    %dma_start3A_35 = tpu.memref_squeeze %dma_start3A_34 : memref<1x128xi32, #tpu.memory_space<hbm>> -> memref<128xi32, #tpu.memory_space<hbm>>
    tpu.enqueue_dma source(%dma_start3A_35 : memref<128xi32, #tpu.memory_space<hbm>>) target(%dma_start3A_32 : memref<128xi32, #tpu.memory_space<vmem>>) target_semaphore(%arg12 : memref<!tpu.dma_semaphore, #tpu.memory_space<semaphore_mem>>)
    %add3A_36 = arith.constant 0 : i32
    %add3A_37 = arith.addi %add3A_6, %add3A_36 : i32
    %dma_wait3A = arith.constant 0 : i32
    %dma_wait3A_38 = arith.constant 0 : i32
    %dma_wait3A_39 = tpu.memref_slice %arg7[%dma_wait3A, %dma_wait3A_38] : memref<2x128xi32, #tpu.memory_space<vmem>> -> memref<1x128xi32, #tpu.memory_space<vmem>>
    %dma_wait3A_40 = tpu.memref_squeeze %dma_wait3A_39 : memref<1x128xi32, #tpu.memory_space<vmem>> -> memref<128xi32, #tpu.memory_space<vmem>>
    %dma_wait3A_41 = arith.constant 0 : i32
    %dma_wait3A_42 = tpu.memref_slice %arg4[%add3A_37, %dma_wait3A_41] : memref<2560x128xi32, #tpu.memory_space<hbm>> -> memref<1x128xi32, #tpu.memory_space<hbm>>
    %dma_wait3A_43 = tpu.memref_squeeze %dma_wait3A_42 : memref<1x128xi32, #tpu.memory_space<hbm>> -> memref<128xi32, #tpu.memory_space<hbm>>
    %dma_wait3A_44 = arith.constant 0 : i32
    %dma_wait3A_45 = tpu.memref_slice %arg7[%dma_wait3A, %dma_wait3A_44] : memref<2x128xi32, #tpu.memory_space<vmem>> -> memref<1x128xi32, #tpu.memory_space<vmem>>
    %dma_wait3A_46 = tpu.memref_squeeze %dma_wait3A_45 : memref<1x128xi32, #tpu.memory_space<vmem>> -> memref<128xi32, #tpu.memory_space<vmem>>
    %dma_wait3A_47 = arith.constant 0 : i32
    %dma_wait3A_48 = tpu.memref_slice %arg4[%add3A_37, %dma_wait3A_47] : memref<2560x128xi32, #tpu.memory_space<hbm>> -> memref<1x128xi32, #tpu.memory_space<hbm>>
    %dma_wait3A_49 = tpu.memref_squeeze %dma_wait3A_48 : memref<1x128xi32, #tpu.memory_space<hbm>> -> memref<128xi32, #tpu.memory_space<hbm>>
    tpu.wait_dma2 semaphore(%arg12 : memref<!tpu.dma_semaphore, #tpu.memory_space<semaphore_mem>>) src(%dma_wait3A_49 : memref<128xi32, #tpu.memory_space<hbm>>) dst(%dma_wait3A_46 : memref<128xi32, #tpu.memory_space<vmem>>)
    %add3A_50 = arith.constant 0 : i32
    %add3A_51 = arith.addi %add3A_6, %add3A_50 : i32
    %dma_wait3A_52 = arith.constant 0 : i32
    %dma_wait3A_53 = arith.constant 0 : i32
    %dma_wait3A_54 = tpu.memref_slice %arg8[%dma_wait3A_52, %dma_wait3A_53] : memref<2x128xi32, #tpu.memory_space<vmem>> -> memref<1x128xi32, #tpu.memory_space<vmem>>
    %dma_wait3A_55 = tpu.memref_squeeze %dma_wait3A_54 : memref<1x128xi32, #tpu.memory_space<vmem>> -> memref<128xi32, #tpu.memory_space<vmem>>
    %dma_wait3A_56 = arith.constant 0 : i32
    %dma_wait3A_57 = tpu.memref_slice %arg5[%add3A_51, %dma_wait3A_56] : memref<2560x128xi32, #tpu.memory_space<hbm>> -> memref<1x128xi32, #tpu.memory_space<hbm>>
    %dma_wait3A_58 = tpu.memref_squeeze %dma_wait3A_57 : memref<1x128xi32, #tpu.memory_space<hbm>> -> memref<128xi32, #tpu.memory_space<hbm>>
    %dma_wait3A_59 = arith.constant 0 : i32
    %dma_wait3A_60 = tpu.memref_slice %arg8[%dma_wait3A_52, %dma_wait3A_59] : memref<2x128xi32, #tpu.memory_space<vmem>> -> memref<1x128xi32, #tpu.memory_space<vmem>>
    %dma_wait3A_61 = tpu.memref_squeeze %dma_wait3A_60 : memref<1x128xi32, #tpu.memory_space<vmem>> -> memref<128xi32, #tpu.memory_space<vmem>>
    %dma_wait3A_62 = arith.constant 0 : i32
    %dma_wait3A_63 = tpu.memref_slice %arg5[%add3A_51, %dma_wait3A_62] : memref<2560x128xi32, #tpu.memory_space<hbm>> -> memref<1x128xi32, #tpu.memory_space<hbm>>
    %dma_wait3A_64 = tpu.memref_squeeze %dma_wait3A_63 : memref<1x128xi32, #tpu.memory_space<hbm>> -> memref<128xi32, #tpu.memory_space<hbm>>
    tpu.wait_dma2 semaphore(%arg12 : memref<!tpu.dma_semaphore, #tpu.memory_space<semaphore_mem>>) src(%dma_wait3A_64 : memref<128xi32, #tpu.memory_space<hbm>>) dst(%dma_wait3A_61 : memref<128xi32, #tpu.memory_space<vmem>>)
    %dma_start3A_65 = arith.constant 0 : i32
    %dma_start3A_66 = arith.constant 0 : i32
    %dma_start3A_67 = arith.constant 0 : i32
    %dma_start3A_68 = arith.constant 0 : i32
    %dma_start3A_69 = tpu.memref_slice %arg9[%dma_start3A_66, %dma_start3A_67, %dma_start3A_68] : memref<2x128x128xf32, #tpu.memory_space<vmem>> -> memref<1x128x128xf32, #tpu.memory_space<vmem>>
    %dma_start3A_70 = tpu.memref_squeeze %dma_start3A_69 : memref<1x128x128xf32, #tpu.memory_space<vmem>> -> memref<128x128xf32, #tpu.memory_space<vmem>>
    %dma_start3A_71 = arith.constant 0 : i32
    %dma_start3A_72 = tpu.memref_slice %arg7[%dma_start3A_65, %dma_start3A_71] : memref<2x128xi32, #tpu.memory_space<vmem>> -> memref<1x128xi32, #tpu.memory_space<vmem>>
    %dma_start3A_73 = tpu.memref_squeeze %dma_start3A_72 : memref<1x128xi32, #tpu.memory_space<vmem>> -> memref<128xi32, #tpu.memory_space<vmem>>
    %dma_start3A_74 = arith.constant 0 : i32
    %dma_start3A_75 = arith.constant 0 : i32
    %dma_start3A_76 = tpu.memref_slice %arg2[%dma_start3A_74, %dma_start3A_75] : memref<10000x128xf32, #tpu.memory_space<hbm>> -> memref<10000x128xf32, #tpu.memory_space<hbm>>
    tpu.enqueue_indirect_dma source(%dma_start3A_76 : memref<10000x128xf32, #tpu.memory_space<hbm>>) target(%dma_start3A_70 : memref<128x128xf32, #tpu.memory_space<vmem>>) offsets(%dma_start3A_73 : memref<128xi32, #tpu.memory_space<vmem>>) semaphore(%arg14 : memref<!tpu.dma_semaphore, #tpu.memory_space<semaphore_mem>>)
    %dma_start3A_77 = arith.constant 0 : i32
    %dma_start3A_78 = arith.constant 0 : i32
    %dma_start3A_79 = arith.constant 0 : i32
    %dma_start3A_80 = arith.constant 0 : i32
    %dma_start3A_81 = tpu.memref_slice %arg10[%dma_start3A_78, %dma_start3A_79, %dma_start3A_80] : memref<2x128x128xf32, #tpu.memory_space<vmem>> -> memref<1x128x128xf32, #tpu.memory_space<vmem>>
    %dma_start3A_82 = tpu.memref_squeeze %dma_start3A_81 : memref<1x128x128xf32, #tpu.memory_space<vmem>> -> memref<128x128xf32, #tpu.memory_space<vmem>>
    %dma_start3A_83 = arith.constant 0 : i32
    %dma_start3A_84 = tpu.memref_slice %arg8[%dma_start3A_77, %dma_start3A_83] : memref<2x128xi32, #tpu.memory_space<vmem>> -> memref<1x128xi32, #tpu.memory_space<vmem>>
    %dma_start3A_85 = tpu.memref_squeeze %dma_start3A_84 : memref<1x128xi32, #tpu.memory_space<vmem>> -> memref<128xi32, #tpu.memory_space<vmem>>
    %dma_start3A_86 = arith.constant 0 : i32
    %dma_start3A_87 = arith.constant 0 : i32
    %dma_start3A_88 = tpu.memref_slice %arg3[%dma_start3A_86, %dma_start3A_87] : memref<10000x128xf32, #tpu.memory_space<hbm>> -> memref<10000x128xf32, #tpu.memory_space<hbm>>
    tpu.enqueue_indirect_dma source(%dma_start3A_88 : memref<10000x128xf32, #tpu.memory_space<hbm>>) target(%dma_start3A_82 : memref<128x128xf32, #tpu.memory_space<vmem>>) offsets(%dma_start3A_85 : memref<128xi32, #tpu.memory_space<vmem>>) semaphore(%arg14 : memref<!tpu.dma_semaphore, #tpu.memory_space<semaphore_mem>>)
    %add3A_89 = arith.constant 1 : i32
    %add3A_90 = arith.addi %add3A_6, %add3A_89 : i32
    %dma_start3A_91 = arith.constant 1 : i32
    %dma_start3A_92 = arith.constant 0 : i32
    %dma_start3A_93 = tpu.memref_slice %arg7[%dma_start3A_91, %dma_start3A_92] : memref<2x128xi32, #tpu.memory_space<vmem>> -> memref<1x128xi32, #tpu.memory_space<vmem>>
    %dma_start3A_94 = tpu.memref_squeeze %dma_start3A_93 : memref<1x128xi32, #tpu.memory_space<vmem>> -> memref<128xi32, #tpu.memory_space<vmem>>
    %dma_start3A_95 = arith.constant 0 : i32
    %dma_start3A_96 = tpu.memref_slice %arg4[%add3A_90, %dma_start3A_95] : memref<2560x128xi32, #tpu.memory_space<hbm>> -> memref<1x128xi32, #tpu.memory_space<hbm>>
    %dma_start3A_97 = tpu.memref_squeeze %dma_start3A_96 : memref<1x128xi32, #tpu.memory_space<hbm>> -> memref<128xi32, #tpu.memory_space<hbm>>
    %dma_start3A_98 = arith.constant 0 : i32
    %dma_start3A_99 = tpu.memref_slice %arg7[%dma_start3A_91, %dma_start3A_98] : memref<2x128xi32, #tpu.memory_space<vmem>> -> memref<1x128xi32, #tpu.memory_space<vmem>>
    %dma_start3A_100 = tpu.memref_squeeze %dma_start3A_99 : memref<1x128xi32, #tpu.memory_space<vmem>> -> memref<128xi32, #tpu.memory_space<vmem>>
    %dma_start3A_101 = arith.constant 0 : i32
    %dma_start3A_102 = tpu.memref_slice %arg4[%add3A_90, %dma_start3A_101] : memref<2560x128xi32, #tpu.memory_space<hbm>> -> memref<1x128xi32, #tpu.memory_space<hbm>>
    %dma_start3A_103 = tpu.memref_squeeze %dma_start3A_102 : memref<1x128xi32, #tpu.memory_space<hbm>> -> memref<128xi32, #tpu.memory_space<hbm>>
    tpu.enqueue_dma source(%dma_start3A_103 : memref<128xi32, #tpu.memory_space<hbm>>) target(%dma_start3A_100 : memref<128xi32, #tpu.memory_space<vmem>>) target_semaphore(%arg13 : memref<!tpu.dma_semaphore, #tpu.memory_space<semaphore_mem>>)
    %add3A_104 = arith.constant 1 : i32
    %add3A_105 = arith.addi %add3A_6, %add3A_104 : i32
    %dma_start3A_106 = arith.constant 1 : i32
    %dma_start3A_107 = arith.constant 0 : i32
    %dma_start3A_108 = tpu.memref_slice %arg8[%dma_start3A_106, %dma_start3A_107] : memref<2x128xi32, #tpu.memory_space<vmem>> -> memref<1x128xi32, #tpu.memory_space<vmem>>
    %dma_start3A_109 = tpu.memref_squeeze %dma_start3A_108 : memref<1x128xi32, #tpu.memory_space<vmem>> -> memref<128xi32, #tpu.memory_space<vmem>>
    %dma_start3A_110 = arith.constant 0 : i32
    %dma_start3A_111 = tpu.memref_slice %arg5[%add3A_105, %dma_start3A_110] : memref<2560x128xi32, #tpu.memory_space<hbm>> -> memref<1x128xi32, #tpu.memory_space<hbm>>
    %dma_start3A_112 = tpu.memref_squeeze %dma_start3A_111 : memref<1x128xi32, #tpu.memory_space<hbm>> -> memref<128xi32, #tpu.memory_space<hbm>>
    %dma_start3A_113 = arith.constant 0 : i32
    %dma_start3A_114 = tpu.memref_slice %arg8[%dma_start3A_106, %dma_start3A_113] : memref<2x128xi32, #tpu.memory_space<vmem>> -> memref<1x128xi32, #tpu.memory_space<vmem>>
    %dma_start3A_115 = tpu.memref_squeeze %dma_start3A_114 : memref<1x128xi32, #tpu.memory_space<vmem>> -> memref<128xi32, #tpu.memory_space<vmem>>
    %dma_start3A_116 = arith.constant 0 : i32
    %dma_start3A_117 = tpu.memref_slice %arg5[%add3A_105, %dma_start3A_116] : memref<2560x128xi32, #tpu.memory_space<hbm>> -> memref<1x128xi32, #tpu.memory_space<hbm>>
    %dma_start3A_118 = tpu.memref_squeeze %dma_start3A_117 : memref<1x128xi32, #tpu.memory_space<hbm>> -> memref<128xi32, #tpu.memory_space<hbm>>
    tpu.enqueue_dma source(%dma_start3A_118 : memref<128xi32, #tpu.memory_space<hbm>>) target(%dma_start3A_115 : memref<128xi32, #tpu.memory_space<vmem>>) target_semaphore(%arg13 : memref<!tpu.dma_semaphore, #tpu.memory_space<semaphore_mem>>)
    %sub3A = arith.constant 0 : i32
    %sub3A_119 = arith.subi %add3A_1, %sub3A : i32
    %sub3A_120 = arith.constant 2 : i32
    %sub3A_121 = arith.constant 1 : i32
    %sub3A_122 = arith.subi %sub3A_120, %sub3A_121 : i32
    %add3A_123 = arith.addi %sub3A_119, %sub3A_122 : i32
    %div3A = arith.constant 2 : i32
    %div3A_124 = arith.divsi %add3A_123, %div3A : i32
    %while3A = arith.constant 2 : i32
    %while3A_125 = arith.constant 0 : i32
    %while3A_126 = arith.constant 0 : i32
    %while3A_127 = arith.subi %div3A_124, %while3A_126 : i32
    %while3A_128 = arith.addi %while3A_126, %while3A_127 : i32
    %while3A_129 = arith.constant 1 : i32
    %while3A_130 = arith.divsi %while3A_127, %while3A_129 : i32
    %while3A_131 = arith.muli %while3A_130, %while3A_129 : i32
    %while3A_132 = arith.addi %while3A_126, %while3A_131 : i32
    %while3A_133 = arith.constant 1 : i32
    scf.for %while3A_171 = %while3A_126 to %while3A_132 step %while3A_133  : i32 {
      %mul3A_172 = arith.muli %while3A_171, %while3A : i32
      %add3A_173 = arith.addi %while3A_125, %mul3A_172 : i32
      %add3A_174 = arith.constant 0 : i32
      %add3A_175 = arith.addi %add3A_173, %add3A_174 : i32
      %ge3A = arith.constant 1 : i32
      %ge3A_176 = arith.cmpi sge, %add3A_175, %ge3A : i32
      %add3A_177 = arith.constant 1 : i32
      %add3A_178 = arith.addi %add3A_175, %add3A_177 : i32
      %lt3A = arith.cmpi slt, %add3A_178, %add3A_1 : i32
      %and3A = arith.andi %ge3A_176, %lt3A : i1
      %convert_element_type3A = arith.extui %and3A : i1 to i32
      %cond3A = arith.constant 0 : i32
      %cond3A_179 = arith.cmpi ne, %convert_element_type3A, %cond3A : i32
      scf.if %cond3A_179 {
        %sub3A_304 = arith.constant 1 : i32
        %sub3A_305 = arith.subi %add3A_175, %sub3A_304 : i32
        %add3A_306 = arith.addi %add3A_6, %sub3A_305 : i32
        %mul3A_307 = arith.constant 128 : i32
        %mul3A_308 = arith.muli %add3A_306, %mul3A_307 : i32
        %dma_wait3A_309 = arith.constant 1 : i32
        %dma_wait3A_310 = arith.constant 0 : i32
        %dma_wait3A_311 = arith.constant 0 : i32
        %dma_wait3A_312 = tpu.memref_slice %arg11[%dma_wait3A_309, %dma_wait3A_310, %dma_wait3A_311] : memref<2x128x64xi32, #tpu.memory_space<vmem>> -> memref<1x128x64xi32, #tpu.memory_space<vmem>>
        %dma_wait3A_313 = tpu.memref_squeeze %dma_wait3A_312 : memref<1x128x64xi32, #tpu.memory_space<vmem>> -> memref<128x64xi32, #tpu.memory_space<vmem>>
        %dma_wait3A_314 = arith.constant 0 : i32
        %dma_wait3A_315 = tpu.memref_slice %arg6[%mul3A_308, %dma_wait3A_314] : memref<327680x64xi32, #tpu.memory_space<hbm>> -> memref<128x64xi32, #tpu.memory_space<hbm>>
        %dma_wait3A_316 = arith.constant 0 : i32
        %dma_wait3A_317 = tpu.memref_slice %arg6[%mul3A_308, %dma_wait3A_316] : memref<327680x64xi32, #tpu.memory_space<hbm>> -> memref<128x64xi32, #tpu.memory_space<hbm>>
        %dma_wait3A_318 = arith.constant 0 : i32
        %dma_wait3A_319 = arith.constant 0 : i32
        %dma_wait3A_320 = tpu.memref_slice %arg11[%dma_wait3A_309, %dma_wait3A_318, %dma_wait3A_319] : memref<2x128x64xi32, #tpu.memory_space<vmem>> -> memref<1x128x64xi32, #tpu.memory_space<vmem>>
        %dma_wait3A_321 = tpu.memref_squeeze %dma_wait3A_320 : memref<1x128x64xi32, #tpu.memory_space<vmem>> -> memref<128x64xi32, #tpu.memory_space<vmem>>
        tpu.wait_dma2 semaphore(%arg17 : memref<!tpu.dma_semaphore, #tpu.memory_space<semaphore_mem>>) src(%dma_wait3A_321 : memref<128x64xi32, #tpu.memory_space<vmem>>) dst(%dma_wait3A_317 : memref<128x64xi32, #tpu.memory_space<hbm>>)
      } else {
      }
      %add3A_180 = arith.constant 1 : i32
      %add3A_181 = arith.addi %add3A_175, %add3A_180 : i32
      %lt3A_182 = arith.cmpi slt, %add3A_181, %add3A_1 : i32
      %convert_element_type3A_183 = arith.extui %lt3A_182 : i1 to i32
      %cond3A_184 = arith.constant 0 : i32
      %cond3A_185 = arith.cmpi ne, %convert_element_type3A_183, %cond3A_184 : i32
      scf.if %cond3A_185 {
        %add3A_304 = arith.constant 1 : i32
        %add3A_305 = arith.addi %add3A_175, %add3A_304 : i32
        %add3A_306 = arith.addi %add3A_6, %add3A_305 : i32
        %dma_wait3A_307 = arith.constant 1 : i32
        %dma_wait3A_308 = arith.constant 0 : i32
        %dma_wait3A_309 = tpu.memref_slice %arg7[%dma_wait3A_307, %dma_wait3A_308] : memref<2x128xi32, #tpu.memory_space<vmem>> -> memref<1x128xi32, #tpu.memory_space<vmem>>
        %dma_wait3A_310 = tpu.memref_squeeze %dma_wait3A_309 : memref<1x128xi32, #tpu.memory_space<vmem>> -> memref<128xi32, #tpu.memory_space<vmem>>
        %dma_wait3A_311 = arith.constant 0 : i32
        %dma_wait3A_312 = tpu.memref_slice %arg4[%add3A_306, %dma_wait3A_311] : memref<2560x128xi32, #tpu.memory_space<hbm>> -> memref<1x128xi32, #tpu.memory_space<hbm>>
        %dma_wait3A_313 = tpu.memref_squeeze %dma_wait3A_312 : memref<1x128xi32, #tpu.memory_space<hbm>> -> memref<128xi32, #tpu.memory_space<hbm>>
        %dma_wait3A_314 = arith.constant 0 : i32
        %dma_wait3A_315 = tpu.memref_slice %arg7[%dma_wait3A_307, %dma_wait3A_314] : memref<2x128xi32, #tpu.memory_space<vmem>> -> memref<1x128xi32, #tpu.memory_space<vmem>>
        %dma_wait3A_316 = tpu.memref_squeeze %dma_wait3A_315 : memref<1x128xi32, #tpu.memory_space<vmem>> -> memref<128xi32, #tpu.memory_space<vmem>>
        %dma_wait3A_317 = arith.constant 0 : i32
        %dma_wait3A_318 = tpu.memref_slice %arg4[%add3A_306, %dma_wait3A_317] : memref<2560x128xi32, #tpu.memory_space<hbm>> -> memref<1x128xi32, #tpu.memory_space<hbm>>
        %dma_wait3A_319 = tpu.memref_squeeze %dma_wait3A_318 : memref<1x128xi32, #tpu.memory_space<hbm>> -> memref<128xi32, #tpu.memory_space<hbm>>
        tpu.wait_dma2 semaphore(%arg13 : memref<!tpu.dma_semaphore, #tpu.memory_space<semaphore_mem>>) src(%dma_wait3A_319 : memref<128xi32, #tpu.memory_space<hbm>>) dst(%dma_wait3A_316 : memref<128xi32, #tpu.memory_space<vmem>>)
        %add3A_320 = arith.addi %add3A_6, %add3A_305 : i32
        %dma_wait3A_321 = arith.constant 1 : i32
        %dma_wait3A_322 = arith.constant 0 : i32
        %dma_wait3A_323 = tpu.memref_slice %arg8[%dma_wait3A_321, %dma_wait3A_322] : memref<2x128xi32, #tpu.memory_space<vmem>> -> memref<1x128xi32, #tpu.memory_space<vmem>>
        %dma_wait3A_324 = tpu.memref_squeeze %dma_wait3A_323 : memref<1x128xi32, #tpu.memory_space<vmem>> -> memref<128xi32, #tpu.memory_space<vmem>>
        %dma_wait3A_325 = arith.constant 0 : i32
        %dma_wait3A_326 = tpu.memref_slice %arg5[%add3A_320, %dma_wait3A_325] : memref<2560x128xi32, #tpu.memory_space<hbm>> -> memref<1x128xi32, #tpu.memory_space<hbm>>
        %dma_wait3A_327 = tpu.memref_squeeze %dma_wait3A_326 : memref<1x128xi32, #tpu.memory_space<hbm>> -> memref<128xi32, #tpu.memory_space<hbm>>
        %dma_wait3A_328 = arith.constant 0 : i32
        %dma_wait3A_329 = tpu.memref_slice %arg8[%dma_wait3A_321, %dma_wait3A_328] : memref<2x128xi32, #tpu.memory_space<vmem>> -> memref<1x128xi32, #tpu.memory_space<vmem>>
        %dma_wait3A_330 = tpu.memref_squeeze %dma_wait3A_329 : memref<1x128xi32, #tpu.memory_space<vmem>> -> memref<128xi32, #tpu.memory_space<vmem>>
        %dma_wait3A_331 = arith.constant 0 : i32
        %dma_wait3A_332 = tpu.memref_slice %arg5[%add3A_320, %dma_wait3A_331] : memref<2560x128xi32, #tpu.memory_space<hbm>> -> memref<1x128xi32, #tpu.memory_space<hbm>>
        %dma_wait3A_333 = tpu.memref_squeeze %dma_wait3A_332 : memref<1x128xi32, #tpu.memory_space<hbm>> -> memref<128xi32, #tpu.memory_space<hbm>>
        tpu.wait_dma2 semaphore(%arg13 : memref<!tpu.dma_semaphore, #tpu.memory_space<semaphore_mem>>) src(%dma_wait3A_333 : memref<128xi32, #tpu.memory_space<hbm>>) dst(%dma_wait3A_330 : memref<128xi32, #tpu.memory_space<vmem>>)
        %dma_start3A_334 = arith.constant 1 : i32
        %dma_start3A_335 = arith.constant 1 : i32
        %dma_start3A_336 = arith.constant 0 : i32
        %dma_start3A_337 = arith.constant 0 : i32
        %dma_start3A_338 = tpu.memref_slice %arg9[%dma_start3A_335, %dma_start3A_336, %dma_start3A_337] : memref<2x128x128xf32, #tpu.memory_space<vmem>> -> memref<1x128x128xf32, #tpu.memory_space<vmem>>
        %dma_start3A_339 = tpu.memref_squeeze %dma_start3A_338 : memref<1x128x128xf32, #tpu.memory_space<vmem>> -> memref<128x128xf32, #tpu.memory_space<vmem>>
        %dma_start3A_340 = arith.constant 0 : i32
        %dma_start3A_341 = tpu.memref_slice %arg7[%dma_start3A_334, %dma_start3A_340] : memref<2x128xi32, #tpu.memory_space<vmem>> -> memref<1x128xi32, #tpu.memory_space<vmem>>
        %dma_start3A_342 = tpu.memref_squeeze %dma_start3A_341 : memref<1x128xi32, #tpu.memory_space<vmem>> -> memref<128xi32, #tpu.memory_space<vmem>>
        %dma_start3A_343 = arith.constant 0 : i32
        %dma_start3A_344 = arith.constant 0 : i32
        %dma_start3A_345 = tpu.memref_slice %arg2[%dma_start3A_343, %dma_start3A_344] : memref<10000x128xf32, #tpu.memory_space<hbm>> -> memref<10000x128xf32, #tpu.memory_space<hbm>>
        tpu.enqueue_indirect_dma source(%dma_start3A_345 : memref<10000x128xf32, #tpu.memory_space<hbm>>) target(%dma_start3A_339 : memref<128x128xf32, #tpu.memory_space<vmem>>) offsets(%dma_start3A_342 : memref<128xi32, #tpu.memory_space<vmem>>) semaphore(%arg15 : memref<!tpu.dma_semaphore, #tpu.memory_space<semaphore_mem>>)
        %dma_start3A_346 = arith.constant 1 : i32
        %dma_start3A_347 = arith.constant 1 : i32
        %dma_start3A_348 = arith.constant 0 : i32
        %dma_start3A_349 = arith.constant 0 : i32
        %dma_start3A_350 = tpu.memref_slice %arg10[%dma_start3A_347, %dma_start3A_348, %dma_start3A_349] : memref<2x128x128xf32, #tpu.memory_space<vmem>> -> memref<1x128x128xf32, #tpu.memory_space<vmem>>
        %dma_start3A_351 = tpu.memref_squeeze %dma_start3A_350 : memref<1x128x128xf32, #tpu.memory_space<vmem>> -> memref<128x128xf32, #tpu.memory_space<vmem>>
        %dma_start3A_352 = arith.constant 0 : i32
        %dma_start3A_353 = tpu.memref_slice %arg8[%dma_start3A_346, %dma_start3A_352] : memref<2x128xi32, #tpu.memory_space<vmem>> -> memref<1x128xi32, #tpu.memory_space<vmem>>
        %dma_start3A_354 = tpu.memref_squeeze %dma_start3A_353 : memref<1x128xi32, #tpu.memory_space<vmem>> -> memref<128xi32, #tpu.memory_space<vmem>>
        %dma_start3A_355 = arith.constant 0 : i32
        %dma_start3A_356 = arith.constant 0 : i32
        %dma_start3A_357 = tpu.memref_slice %arg3[%dma_start3A_355, %dma_start3A_356] : memref<10000x128xf32, #tpu.memory_space<hbm>> -> memref<10000x128xf32, #tpu.memory_space<hbm>>
        tpu.enqueue_indirect_dma source(%dma_start3A_357 : memref<10000x128xf32, #tpu.memory_space<hbm>>) target(%dma_start3A_351 : memref<128x128xf32, #tpu.memory_space<vmem>>) offsets(%dma_start3A_354 : memref<128xi32, #tpu.memory_space<vmem>>) semaphore(%arg15 : memref<!tpu.dma_semaphore, #tpu.memory_space<semaphore_mem>>)
      } else {
      }
      %dma_wait3A_186 = arith.constant 0 : i32
      %dma_wait3A_187 = arith.constant 0 : i32
      %dma_wait3A_188 = arith.constant 0 : i32
      %dma_wait3A_189 = arith.constant 0 : i32
      %dma_wait3A_190 = tpu.memref_slice %arg9[%dma_wait3A_187, %dma_wait3A_188, %dma_wait3A_189] : memref<2x128x128xf32, #tpu.memory_space<vmem>> -> memref<1x128x128xf32, #tpu.memory_space<vmem>>
      %dma_wait3A_191 = tpu.memref_squeeze %dma_wait3A_190 : memref<1x128x128xf32, #tpu.memory_space<vmem>> -> memref<128x128xf32, #tpu.memory_space<vmem>>
      %dma_wait3A_192 = arith.constant 0 : i32
      %dma_wait3A_193 = tpu.memref_slice %arg7[%dma_wait3A_186, %dma_wait3A_192] : memref<2x128xi32, #tpu.memory_space<vmem>> -> memref<1x128xi32, #tpu.memory_space<vmem>>
      %dma_wait3A_194 = tpu.memref_squeeze %dma_wait3A_193 : memref<1x128xi32, #tpu.memory_space<vmem>> -> memref<128xi32, #tpu.memory_space<vmem>>
      %dma_wait3A_195 = arith.constant 0 : i32
      %dma_wait3A_196 = arith.constant 0 : i32
      %dma_wait3A_197 = tpu.memref_slice %arg2[%dma_wait3A_195, %dma_wait3A_196] : memref<10000x128xf32, #tpu.memory_space<hbm>> -> memref<10000x128xf32, #tpu.memory_space<hbm>>
      tpu.wait_indirect_dma semaphore(%arg14 : memref<!tpu.dma_semaphore, #tpu.memory_space<semaphore_mem>>) src(%dma_wait3A_197 : memref<10000x128xf32, #tpu.memory_space<hbm>>) dst(%dma_wait3A_191 : memref<128x128xf32, #tpu.memory_space<vmem>>)
      %dma_wait3A_198 = arith.constant 0 : i32
      %dma_wait3A_199 = arith.constant 0 : i32
      %dma_wait3A_200 = arith.constant 0 : i32
      %dma_wait3A_201 = arith.constant 0 : i32
      %dma_wait3A_202 = tpu.memref_slice %arg10[%dma_wait3A_199, %dma_wait3A_200, %dma_wait3A_201] : memref<2x128x128xf32, #tpu.memory_space<vmem>> -> memref<1x128x128xf32, #tpu.memory_space<vmem>>
      %dma_wait3A_203 = tpu.memref_squeeze %dma_wait3A_202 : memref<1x128x128xf32, #tpu.memory_space<vmem>> -> memref<128x128xf32, #tpu.memory_space<vmem>>
      %dma_wait3A_204 = arith.constant 0 : i32
      %dma_wait3A_205 = tpu.memref_slice %arg8[%dma_wait3A_198, %dma_wait3A_204] : memref<2x128xi32, #tpu.memory_space<vmem>> -> memref<1x128xi32, #tpu.memory_space<vmem>>
      %dma_wait3A_206 = tpu.memref_squeeze %dma_wait3A_205 : memref<1x128xi32, #tpu.memory_space<vmem>> -> memref<128xi32, #tpu.memory_space<vmem>>
      %dma_wait3A_207 = arith.constant 0 : i32
      %dma_wait3A_208 = arith.constant 0 : i32
      %dma_wait3A_209 = tpu.memref_slice %arg3[%dma_wait3A_207, %dma_wait3A_208] : memref<10000x128xf32, #tpu.memory_space<hbm>> -> memref<10000x128xf32, #tpu.memory_space<hbm>>
      tpu.wait_indirect_dma semaphore(%arg14 : memref<!tpu.dma_semaphore, #tpu.memory_space<semaphore_mem>>) src(%dma_wait3A_209 : memref<10000x128xf32, #tpu.memory_space<hbm>>) dst(%dma_wait3A_203 : memref<128x128xf32, #tpu.memory_space<vmem>>)
      %add3A_210 = arith.constant 2 : i32
      %add3A_211 = arith.addi %add3A_175, %add3A_210 : i32
      %lt3A_212 = arith.cmpi slt, %add3A_211, %add3A_1 : i32
      %convert_element_type3A_213 = arith.extui %lt3A_212 : i1 to i32
      %cond3A_214 = arith.constant 0 : i32
      %cond3A_215 = arith.cmpi ne, %convert_element_type3A_213, %cond3A_214 : i32
      scf.if %cond3A_215 {
        %add3A_304 = arith.constant 2 : i32
        %add3A_305 = arith.addi %add3A_175, %add3A_304 : i32
        %add3A_306 = arith.addi %add3A_6, %add3A_305 : i32
        %dma_start3A_307 = arith.constant 0 : i32
        %dma_start3A_308 = arith.constant 0 : i32
        %dma_start3A_309 = tpu.memref_slice %arg7[%dma_start3A_307, %dma_start3A_308] : memref<2x128xi32, #tpu.memory_space<vmem>> -> memref<1x128xi32, #tpu.memory_space<vmem>>
        %dma_start3A_310 = tpu.memref_squeeze %dma_start3A_309 : memref<1x128xi32, #tpu.memory_space<vmem>> -> memref<128xi32, #tpu.memory_space<vmem>>
        %dma_start3A_311 = arith.constant 0 : i32
        %dma_start3A_312 = tpu.memref_slice %arg4[%add3A_306, %dma_start3A_311] : memref<2560x128xi32, #tpu.memory_space<hbm>> -> memref<1x128xi32, #tpu.memory_space<hbm>>
        %dma_start3A_313 = tpu.memref_squeeze %dma_start3A_312 : memref<1x128xi32, #tpu.memory_space<hbm>> -> memref<128xi32, #tpu.memory_space<hbm>>
        %dma_start3A_314 = arith.constant 0 : i32
        %dma_start3A_315 = tpu.memref_slice %arg7[%dma_start3A_307, %dma_start3A_314] : memref<2x128xi32, #tpu.memory_space<vmem>> -> memref<1x128xi32, #tpu.memory_space<vmem>>
        %dma_start3A_316 = tpu.memref_squeeze %dma_start3A_315 : memref<1x128xi32, #tpu.memory_space<vmem>> -> memref<128xi32, #tpu.memory_space<vmem>>
        %dma_start3A_317 = arith.constant 0 : i32
        %dma_start3A_318 = tpu.memref_slice %arg4[%add3A_306, %dma_start3A_317] : memref<2560x128xi32, #tpu.memory_space<hbm>> -> memref<1x128xi32, #tpu.memory_space<hbm>>
        %dma_start3A_319 = tpu.memref_squeeze %dma_start3A_318 : memref<1x128xi32, #tpu.memory_space<hbm>> -> memref<128xi32, #tpu.memory_space<hbm>>
        tpu.enqueue_dma source(%dma_start3A_319 : memref<128xi32, #tpu.memory_space<hbm>>) target(%dma_start3A_316 : memref<128xi32, #tpu.memory_space<vmem>>) target_semaphore(%arg12 : memref<!tpu.dma_semaphore, #tpu.memory_space<semaphore_mem>>)
        %add3A_320 = arith.addi %add3A_6, %add3A_305 : i32
        %dma_start3A_321 = arith.constant 0 : i32
        %dma_start3A_322 = arith.constant 0 : i32
        %dma_start3A_323 = tpu.memref_slice %arg8[%dma_start3A_321, %dma_start3A_322] : memref<2x128xi32, #tpu.memory_space<vmem>> -> memref<1x128xi32, #tpu.memory_space<vmem>>
        %dma_start3A_324 = tpu.memref_squeeze %dma_start3A_323 : memref<1x128xi32, #tpu.memory_space<vmem>> -> memref<128xi32, #tpu.memory_space<vmem>>
        %dma_start3A_325 = arith.constant 0 : i32
        %dma_start3A_326 = tpu.memref_slice %arg5[%add3A_320, %dma_start3A_325] : memref<2560x128xi32, #tpu.memory_space<hbm>> -> memref<1x128xi32, #tpu.memory_space<hbm>>
        %dma_start3A_327 = tpu.memref_squeeze %dma_start3A_326 : memref<1x128xi32, #tpu.memory_space<hbm>> -> memref<128xi32, #tpu.memory_space<hbm>>
        %dma_start3A_328 = arith.constant 0 : i32
        %dma_start3A_329 = tpu.memref_slice %arg8[%dma_start3A_321, %dma_start3A_328] : memref<2x128xi32, #tpu.memory_space<vmem>> -> memref<1x128xi32, #tpu.memory_space<vmem>>
        %dma_start3A_330 = tpu.memref_squeeze %dma_start3A_329 : memref<1x128xi32, #tpu.memory_space<vmem>> -> memref<128xi32, #tpu.memory_space<vmem>>
        %dma_start3A_331 = arith.constant 0 : i32
        %dma_start3A_332 = tpu.memref_slice %arg5[%add3A_320, %dma_start3A_331] : memref<2560x128xi32, #tpu.memory_space<hbm>> -> memref<1x128xi32, #tpu.memory_space<hbm>>
        %dma_start3A_333 = tpu.memref_squeeze %dma_start3A_332 : memref<1x128xi32, #tpu.memory_space<hbm>> -> memref<128xi32, #tpu.memory_space<hbm>>
        tpu.enqueue_dma source(%dma_start3A_333 : memref<128xi32, #tpu.memory_space<hbm>>) target(%dma_start3A_330 : memref<128xi32, #tpu.memory_space<vmem>>) target_semaphore(%arg12 : memref<!tpu.dma_semaphore, #tpu.memory_space<semaphore_mem>>)
      } else {
      }
      %scan3A = arith.constant 0 : i32
      %scan3A_216 = arith.constant 128 : i32
      %scan3A_217 = arith.addi %scan3A, %scan3A_216 : i32
      %scan3A_218 = arith.constant 1 : i32
      scf.for %scan3A_304 = %scan3A to %scan3A_217 step %scan3A_218  : i32 {
        %mul3A_305 = arith.constant 1 : i32
        %mul3A_306 = arith.muli %scan3A_304, %mul3A_305 : i32
        %add3A_307 = arith.constant 0 : i32
        %add3A_308 = arith.addi %add3A_307, %mul3A_306 : i32
        %get3A = arith.constant 0 : i32
        %get3A_309 = arith.index_cast %get3A : i32 to index
        %get3A_310 = arith.index_cast %add3A_308 : i32 to index
        %get3A_311 = arith.constant 0 : index
        %get3A_312 = tpu.vector_load %arg9[%get3A_309, %get3A_310, %get3A_311] {strides = array<i32>} : memref<2x128x128xf32, #tpu.memory_space<vmem>>, vector<16xf32>,
        %get3A_313 = arith.constant 0 : i32
        %get3A_314 = arith.index_cast %get3A_313 : i32 to index
        %get3A_315 = arith.index_cast %add3A_308 : i32 to index
        %get3A_316 = arith.constant 0 : index
        %get3A_317 = tpu.vector_load %arg10[%get3A_314, %get3A_315, %get3A_316] {strides = array<i32>} : memref<2x128x128xf32, #tpu.memory_space<vmem>>, vector<16xf32>,
        %add3A_318 = arith.addf %get3A_312, %get3A_317 : vector<16xf32>
        %get3A_319 = arith.constant 0 : i32
        %get3A_320 = arith.index_cast %get3A_319 : i32 to index
        %get3A_321 = arith.index_cast %add3A_308 : i32 to index
        %get3A_322 = arith.constant 64 : index
        %get3A_323 = tpu.vector_load %arg9[%get3A_320, %get3A_321, %get3A_322] {strides = array<i32>} : memref<2x128x128xf32, #tpu.memory_space<vmem>>, vector<16xf32>,
        %get3A_324 = arith.constant 0 : i32
        %get3A_325 = arith.index_cast %get3A_324 : i32 to index
        %get3A_326 = arith.index_cast %add3A_308 : i32 to index
        %get3A_327 = arith.constant 64 : index
        %get3A_328 = tpu.vector_load %arg10[%get3A_325, %get3A_326, %get3A_327] {strides = array<i32>} : memref<2x128x128xf32, #tpu.memory_space<vmem>>, vector<16xf32>,
        %add3A_329 = arith.addf %get3A_323, %get3A_328 : vector<16xf32>
        %bitcast3A = vector.bitcast %add3A_318 : vector<16xf32> to vector<16xi32>
        %shift_right_logical3A = arith.constant 16 : i32
        %shift_right_logical3A_330 = vector.broadcast %shift_right_logical3A : i32 to vector<16xi32>
        %shift_right_logical3A_331 = arith.shrui %bitcast3A, %shift_right_logical3A_330 : vector<16xi32>
        %and3A_332 = arith.constant 1 : i32
        %and3A_333 = vector.broadcast %and3A_332 : i32 to vector<16xi32>
        %and3A_334 = arith.andi %shift_right_logical3A_331, %and3A_333 : vector<16xi32>
        %add3A_335 = arith.addi %bitcast3A, %and3A_334 : vector<16xi32>
        %add3A_336 = arith.constant 32767 : i32
        %add3A_337 = vector.broadcast %add3A_336 : i32 to vector<16xi32>
        %add3A_338 = arith.addi %add3A_335, %add3A_337 : vector<16xi32>
        %shift_right_logical3A_339 = arith.constant 16 : i32
        %shift_right_logical3A_340 = vector.broadcast %shift_right_logical3A_339 : i32 to vector<16xi32>
        %shift_right_logical3A_341 = arith.shrui %add3A_338, %shift_right_logical3A_340 : vector<16xi32>
        %bitcast3A_342 = vector.bitcast %add3A_329 : vector<16xf32> to vector<16xi32>
        %shift_right_logical3A_343 = arith.constant 16 : i32
        %shift_right_logical3A_344 = vector.broadcast %shift_right_logical3A_343 : i32 to vector<16xi32>
        %shift_right_logical3A_345 = arith.shrui %bitcast3A_342, %shift_right_logical3A_344 : vector<16xi32>
        %and3A_346 = arith.constant 1 : i32
        %and3A_347 = vector.broadcast %and3A_346 : i32 to vector<16xi32>
        %and3A_348 = arith.andi %shift_right_logical3A_345, %and3A_347 : vector<16xi32>
        %add3A_349 = arith.addi %bitcast3A_342, %and3A_348 : vector<16xi32>
        %add3A_350 = arith.constant 32767 : i32
        %add3A_351 = vector.broadcast %add3A_350 : i32 to vector<16xi32>
        %add3A_352 = arith.addi %add3A_349, %add3A_351 : vector<16xi32>
        %shift_right_logical3A_353 = arith.constant 16 : i32
        %shift_right_logical3A_354 = vector.broadcast %shift_right_logical3A_353 : i32 to vector<16xi32>
        %shift_right_logical3A_355 = arith.shrui %add3A_352, %shift_right_logical3A_354 : vector<16xi32>
        %shift_left3A = arith.constant 16 : i32
        %shift_left3A_356 = vector.broadcast %shift_left3A : i32 to vector<16xi32>
        %shift_left3A_357 = arith.shli %shift_right_logical3A_355, %shift_left3A_356 : vector<16xi32>
        %or3A = arith.ori %shift_right_logical3A_341, %shift_left3A_357 : vector<16xi32>
        %bitcast3A_358 = vector.bitcast %or3A : vector<16xi32> to vector<16xi32>
        %swap3A = arith.constant 0 : i32
        %swap3A_359 = arith.index_cast %swap3A : i32 to index
        %swap3A_360 = arith.index_cast %add3A_308 : i32 to index
        %swap3A_361 = arith.constant 0 : index
        %swap3A_362 = tpu.vector_load %arg11[%swap3A_359, %swap3A_360, %swap3A_361] {strides = array<i32>} : memref<2x128x64xi32, #tpu.memory_space<vmem>>, vector<16xi32>,
        tpu.vector_store %arg11[%swap3A_359, %swap3A_360, %swap3A_361], %bitcast3A_358 {strides = array<i32>} : memref<2x128x64xi32, #tpu.memory_space<vmem>>, vector<16xi32>,
        %get3A_363 = arith.constant 0 : i32
        %get3A_364 = arith.index_cast %get3A_363 : i32 to index
        %get3A_365 = arith.index_cast %add3A_308 : i32 to index
        %get3A_366 = arith.constant 16 : index
        %get3A_367 = tpu.vector_load %arg9[%get3A_364, %get3A_365, %get3A_366] {strides = array<i32>} : memref<2x128x128xf32, #tpu.memory_space<vmem>>, vector<16xf32>,
        %get3A_368 = arith.constant 0 : i32
        %get3A_369 = arith.index_cast %get3A_368 : i32 to index
        %get3A_370 = arith.index_cast %add3A_308 : i32 to index
        %get3A_371 = arith.constant 16 : index
        %get3A_372 = tpu.vector_load %arg10[%get3A_369, %get3A_370, %get3A_371] {strides = array<i32>} : memref<2x128x128xf32, #tpu.memory_space<vmem>>, vector<16xf32>,
        %add3A_373 = arith.addf %get3A_367, %get3A_372 : vector<16xf32>
        %get3A_374 = arith.constant 0 : i32
        %get3A_375 = arith.index_cast %get3A_374 : i32 to index
        %get3A_376 = arith.index_cast %add3A_308 : i32 to index
        %get3A_377 = arith.constant 80 : index
        %get3A_378 = tpu.vector_load %arg9[%get3A_375, %get3A_376, %get3A_377] {strides = array<i32>} : memref<2x128x128xf32, #tpu.memory_space<vmem>>, vector<16xf32>,
        %get3A_379 = arith.constant 0 : i32
        %get3A_380 = arith.index_cast %get3A_379 : i32 to index
        %get3A_381 = arith.index_cast %add3A_308 : i32 to index
        %get3A_382 = arith.constant 80 : index
        %get3A_383 = tpu.vector_load %arg10[%get3A_380, %get3A_381, %get3A_382] {strides = array<i32>} : memref<2x128x128xf32, #tpu.memory_space<vmem>>, vector<16xf32>,
        %add3A_384 = arith.addf %get3A_378, %get3A_383 : vector<16xf32>
        %bitcast3A_385 = vector.bitcast %add3A_373 : vector<16xf32> to vector<16xi32>
        %shift_right_logical3A_386 = arith.constant 16 : i32
        %shift_right_logical3A_387 = vector.broadcast %shift_right_logical3A_386 : i32 to vector<16xi32>
        %shift_right_logical3A_388 = arith.shrui %bitcast3A_385, %shift_right_logical3A_387 : vector<16xi32>
        %and3A_389 = arith.constant 1 : i32
        %and3A_390 = vector.broadcast %and3A_389 : i32 to vector<16xi32>
        %and3A_391 = arith.andi %shift_right_logical3A_388, %and3A_390 : vector<16xi32>
        %add3A_392 = arith.addi %bitcast3A_385, %and3A_391 : vector<16xi32>
        %add3A_393 = arith.constant 32767 : i32
        %add3A_394 = vector.broadcast %add3A_393 : i32 to vector<16xi32>
        %add3A_395 = arith.addi %add3A_392, %add3A_394 : vector<16xi32>
        %shift_right_logical3A_396 = arith.constant 16 : i32
        %shift_right_logical3A_397 = vector.broadcast %shift_right_logical3A_396 : i32 to vector<16xi32>
        %shift_right_logical3A_398 = arith.shrui %add3A_395, %shift_right_logical3A_397 : vector<16xi32>
        %bitcast3A_399 = vector.bitcast %add3A_384 : vector<16xf32> to vector<16xi32>
        %shift_right_logical3A_400 = arith.constant 16 : i32
        %shift_right_logical3A_401 = vector.broadcast %shift_right_logical3A_400 : i32 to vector<16xi32>
        %shift_right_logical3A_402 = arith.shrui %bitcast3A_399, %shift_right_logical3A_401 : vector<16xi32>
        %and3A_403 = arith.constant 1 : i32
        %and3A_404 = vector.broadcast %and3A_403 : i32 to vector<16xi32>
        %and3A_405 = arith.andi %shift_right_logical3A_402, %and3A_404 : vector<16xi32>
        %add3A_406 = arith.addi %bitcast3A_399, %and3A_405 : vector<16xi32>
        %add3A_407 = arith.constant 32767 : i32
        %add3A_408 = vector.broadcast %add3A_407 : i32 to vector<16xi32>
        %add3A_409 = arith.addi %add3A_406, %add3A_408 : vector<16xi32>
        %shift_right_logical3A_410 = arith.constant 16 : i32
        %shift_right_logical3A_411 = vector.broadcast %shift_right_logical3A_410 : i32 to vector<16xi32>
        %shift_right_logical3A_412 = arith.shrui %add3A_409, %shift_right_logical3A_411 : vector<16xi32>
        %shift_left3A_413 = arith.constant 16 : i32
        %shift_left3A_414 = vector.broadcast %shift_left3A_413 : i32 to vector<16xi32>
        %shift_left3A_415 = arith.shli %shift_right_logical3A_412, %shift_left3A_414 : vector<16xi32>
        %or3A_416 = arith.ori %shift_right_logical3A_398, %shift_left3A_415 : vector<16xi32>
        %bitcast3A_417 = vector.bitcast %or3A_416 : vector<16xi32> to vector<16xi32>
        %swap3A_418 = arith.constant 0 : i32
        %swap3A_419 = arith.index_cast %swap3A_418 : i32 to index
        %swap3A_420 = arith.index_cast %add3A_308 : i32 to index
        %swap3A_421 = arith.constant 16 : index
        %swap3A_422 = tpu.vector_load %arg11[%swap3A_419, %swap3A_420, %swap3A_421] {strides = array<i32>} : memref<2x128x64xi32, #tpu.memory_space<vmem>>, vector<16xi32>,
        tpu.vector_store %arg11[%swap3A_419, %swap3A_420, %swap3A_421], %bitcast3A_417 {strides = array<i32>} : memref<2x128x64xi32, #tpu.memory_space<vmem>>, vector<16xi32>,
        %get3A_423 = arith.constant 0 : i32
        %get3A_424 = arith.index_cast %get3A_423 : i32 to index
        %get3A_425 = arith.index_cast %add3A_308 : i32 to index
        %get3A_426 = arith.constant 32 : index
        %get3A_427 = tpu.vector_load %arg9[%get3A_424, %get3A_425, %get3A_426] {strides = array<i32>} : memref<2x128x128xf32, #tpu.memory_space<vmem>>, vector<16xf32>,
        %get3A_428 = arith.constant 0 : i32
        %get3A_429 = arith.index_cast %get3A_428 : i32 to index
        %get3A_430 = arith.index_cast %add3A_308 : i32 to index
        %get3A_431 = arith.constant 32 : index
        %get3A_432 = tpu.vector_load %arg10[%get3A_429, %get3A_430, %get3A_431] {strides = array<i32>} : memref<2x128x128xf32, #tpu.memory_space<vmem>>, vector<16xf32>,
        %add3A_433 = arith.addf %get3A_427, %get3A_432 : vector<16xf32>
        %get3A_434 = arith.constant 0 : i32
        %get3A_435 = arith.index_cast %get3A_434 : i32 to index
        %get3A_436 = arith.index_cast %add3A_308 : i32 to index
        %get3A_437 = arith.constant 96 : index
        %get3A_438 = tpu.vector_load %arg9[%get3A_435, %get3A_436, %get3A_437] {strides = array<i32>} : memref<2x128x128xf32, #tpu.memory_space<vmem>>, vector<16xf32>,
        %get3A_439 = arith.constant 0 : i32
        %get3A_440 = arith.index_cast %get3A_439 : i32 to index
        %get3A_441 = arith.index_cast %add3A_308 : i32 to index
        %get3A_442 = arith.constant 96 : index
        %get3A_443 = tpu.vector_load %arg10[%get3A_440, %get3A_441, %get3A_442] {strides = array<i32>} : memref<2x128x128xf32, #tpu.memory_space<vmem>>, vector<16xf32>,
        %add3A_444 = arith.addf %get3A_438, %get3A_443 : vector<16xf32>
        %bitcast3A_445 = vector.bitcast %add3A_433 : vector<16xf32> to vector<16xi32>
        %shift_right_logical3A_446 = arith.constant 16 : i32
        %shift_right_logical3A_447 = vector.broadcast %shift_right_logical3A_446 : i32 to vector<16xi32>
        %shift_right_logical3A_448 = arith.shrui %bitcast3A_445, %shift_right_logical3A_447 : vector<16xi32>
        %and3A_449 = arith.constant 1 : i32
        %and3A_450 = vector.broadcast %and3A_449 : i32 to vector<16xi32>
        %and3A_451 = arith.andi %shift_right_logical3A_448, %and3A_450 : vector<16xi32>
        %add3A_452 = arith.addi %bitcast3A_445, %and3A_451 : vector<16xi32>
        %add3A_453 = arith.constant 32767 : i32
        %add3A_454 = vector.broadcast %add3A_453 : i32 to vector<16xi32>
        %add3A_455 = arith.addi %add3A_452, %add3A_454 : vector<16xi32>
        %shift_right_logical3A_456 = arith.constant 16 : i32
        %shift_right_logical3A_457 = vector.broadcast %shift_right_logical3A_456 : i32 to vector<16xi32>
        %shift_right_logical3A_458 = arith.shrui %add3A_455, %shift_right_logical3A_457 : vector<16xi32>
        %bitcast3A_459 = vector.bitcast %add3A_444 : vector<16xf32> to vector<16xi32>
        %shift_right_logical3A_460 = arith.constant 16 : i32
        %shift_right_logical3A_461 = vector.broadcast %shift_right_logical3A_460 : i32 to vector<16xi32>
        %shift_right_logical3A_462 = arith.shrui %bitcast3A_459, %shift_right_logical3A_461 : vector<16xi32>
        %and3A_463 = arith.constant 1 : i32
        %and3A_464 = vector.broadcast %and3A_463 : i32 to vector<16xi32>
        %and3A_465 = arith.andi %shift_right_logical3A_462, %and3A_464 : vector<16xi32>
        %add3A_466 = arith.addi %bitcast3A_459, %and3A_465 : vector<16xi32>
        %add3A_467 = arith.constant 32767 : i32
        %add3A_468 = vector.broadcast %add3A_467 : i32 to vector<16xi32>
        %add3A_469 = arith.addi %add3A_466, %add3A_468 : vector<16xi32>
        %shift_right_logical3A_470 = arith.constant 16 : i32
        %shift_right_logical3A_471 = vector.broadcast %shift_right_logical3A_470 : i32 to vector<16xi32>
        %shift_right_logical3A_472 = arith.shrui %add3A_469, %shift_right_logical3A_471 : vector<16xi32>
        %shift_left3A_473 = arith.constant 16 : i32
        %shift_left3A_474 = vector.broadcast %shift_left3A_473 : i32 to vector<16xi32>
        %shift_left3A_475 = arith.shli %shift_right_logical3A_472, %shift_left3A_474 : vector<16xi32>
        %or3A_476 = arith.ori %shift_right_logical3A_458, %shift_left3A_475 : vector<16xi32>
        %bitcast3A_477 = vector.bitcast %or3A_476 : vector<16xi32> to vector<16xi32>
        %swap3A_478 = arith.constant 0 : i32
        %swap3A_479 = arith.index_cast %swap3A_478 : i32 to index
        %swap3A_480 = arith.index_cast %add3A_308 : i32 to index
        %swap3A_481 = arith.constant 32 : index
        %swap3A_482 = tpu.vector_load %arg11[%swap3A_479, %swap3A_480, %swap3A_481] {strides = array<i32>} : memref<2x128x64xi32, #tpu.memory_space<vmem>>, vector<16xi32>,
        tpu.vector_store %arg11[%swap3A_479, %swap3A_480, %swap3A_481], %bitcast3A_477 {strides = array<i32>} : memref<2x128x64xi32, #tpu.memory_space<vmem>>, vector<16xi32>,
        %get3A_483 = arith.constant 0 : i32
        %get3A_484 = arith.index_cast %get3A_483 : i32 to index
        %get3A_485 = arith.index_cast %add3A_308 : i32 to index
        %get3A_486 = arith.constant 48 : index
        %get3A_487 = tpu.vector_load %arg9[%get3A_484, %get3A_485, %get3A_486] {strides = array<i32>} : memref<2x128x128xf32, #tpu.memory_space<vmem>>, vector<16xf32>,
        %get3A_488 = arith.constant 0 : i32
        %get3A_489 = arith.index_cast %get3A_488 : i32 to index
        %get3A_490 = arith.index_cast %add3A_308 : i32 to index
        %get3A_491 = arith.constant 48 : index
        %get3A_492 = tpu.vector_load %arg10[%get3A_489, %get3A_490, %get3A_491] {strides = array<i32>} : memref<2x128x128xf32, #tpu.memory_space<vmem>>, vector<16xf32>,
        %add3A_493 = arith.addf %get3A_487, %get3A_492 : vector<16xf32>
        %get3A_494 = arith.constant 0 : i32
        %get3A_495 = arith.index_cast %get3A_494 : i32 to index
        %get3A_496 = arith.index_cast %add3A_308 : i32 to index
        %get3A_497 = arith.constant 112 : index
        %get3A_498 = tpu.vector_load %arg9[%get3A_495, %get3A_496, %get3A_497] {strides = array<i32>} : memref<2x128x128xf32, #tpu.memory_space<vmem>>, vector<16xf32>,
        %get3A_499 = arith.constant 0 : i32
        %get3A_500 = arith.index_cast %get3A_499 : i32 to index
        %get3A_501 = arith.index_cast %add3A_308 : i32 to index
        %get3A_502 = arith.constant 112 : index
        %get3A_503 = tpu.vector_load %arg10[%get3A_500, %get3A_501, %get3A_502] {strides = array<i32>} : memref<2x128x128xf32, #tpu.memory_space<vmem>>, vector<16xf32>,
        %add3A_504 = arith.addf %get3A_498, %get3A_503 : vector<16xf32>
        %bitcast3A_505 = vector.bitcast %add3A_493 : vector<16xf32> to vector<16xi32>
        %shift_right_logical3A_506 = arith.constant 16 : i32
        %shift_right_logical3A_507 = vector.broadcast %shift_right_logical3A_506 : i32 to vector<16xi32>
        %shift_right_logical3A_508 = arith.shrui %bitcast3A_505, %shift_right_logical3A_507 : vector<16xi32>
        %and3A_509 = arith.constant 1 : i32
        %and3A_510 = vector.broadcast %and3A_509 : i32 to vector<16xi32>
        %and3A_511 = arith.andi %shift_right_logical3A_508, %and3A_510 : vector<16xi32>
        %add3A_512 = arith.addi %bitcast3A_505, %and3A_511 : vector<16xi32>
        %add3A_513 = arith.constant 32767 : i32
        %add3A_514 = vector.broadcast %add3A_513 : i32 to vector<16xi32>
        %add3A_515 = arith.addi %add3A_512, %add3A_514 : vector<16xi32>
        %shift_right_logical3A_516 = arith.constant 16 : i32
        %shift_right_logical3A_517 = vector.broadcast %shift_right_logical3A_516 : i32 to vector<16xi32>
        %shift_right_logical3A_518 = arith.shrui %add3A_515, %shift_right_logical3A_517 : vector<16xi32>
        %bitcast3A_519 = vector.bitcast %add3A_504 : vector<16xf32> to vector<16xi32>
        %shift_right_logical3A_520 = arith.constant 16 : i32
        %shift_right_logical3A_521 = vector.broadcast %shift_right_logical3A_520 : i32 to vector<16xi32>
        %shift_right_logical3A_522 = arith.shrui %bitcast3A_519, %shift_right_logical3A_521 : vector<16xi32>
        %and3A_523 = arith.constant 1 : i32
        %and3A_524 = vector.broadcast %and3A_523 : i32 to vector<16xi32>
        %and3A_525 = arith.andi %shift_right_logical3A_522, %and3A_524 : vector<16xi32>
        %add3A_526 = arith.addi %bitcast3A_519, %and3A_525 : vector<16xi32>
        %add3A_527 = arith.constant 32767 : i32
        %add3A_528 = vector.broadcast %add3A_527 : i32 to vector<16xi32>
        %add3A_529 = arith.addi %add3A_526, %add3A_528 : vector<16xi32>
        %shift_right_logical3A_530 = arith.constant 16 : i32
        %shift_right_logical3A_531 = vector.broadcast %shift_right_logical3A_530 : i32 to vector<16xi32>
        %shift_right_logical3A_532 = arith.shrui %add3A_529, %shift_right_logical3A_531 : vector<16xi32>
        %shift_left3A_533 = arith.constant 16 : i32
        %shift_left3A_534 = vector.broadcast %shift_left3A_533 : i32 to vector<16xi32>
        %shift_left3A_535 = arith.shli %shift_right_logical3A_532, %shift_left3A_534 : vector<16xi32>
        %or3A_536 = arith.ori %shift_right_logical3A_518, %shift_left3A_535 : vector<16xi32>
        %bitcast3A_537 = vector.bitcast %or3A_536 : vector<16xi32> to vector<16xi32>
        %swap3A_538 = arith.constant 0 : i32
        %swap3A_539 = arith.index_cast %swap3A_538 : i32 to index
        %swap3A_540 = arith.index_cast %add3A_308 : i32 to index
        %swap3A_541 = arith.constant 48 : index
        %swap3A_542 = tpu.vector_load %arg11[%swap3A_539, %swap3A_540, %swap3A_541] {strides = array<i32>} : memref<2x128x64xi32, #tpu.memory_space<vmem>>, vector<16xi32>,
        tpu.vector_store %arg11[%swap3A_539, %swap3A_540, %swap3A_541], %bitcast3A_537 {strides = array<i32>} : memref<2x128x64xi32, #tpu.memory_space<vmem>>, vector<16xi32>,
      }
      %scan3A_219 = arith.constant 128 : i32
      %add3A_220 = arith.addi %add3A_6, %add3A_175 : i32
      %mul3A_221 = arith.constant 128 : i32
      %mul3A_222 = arith.muli %add3A_220, %mul3A_221 : i32
      %dma_start3A_223 = arith.constant 0 : i32
      %dma_start3A_224 = arith.constant 0 : i32
      %dma_start3A_225 = arith.constant 0 : i32
      %dma_start3A_226 = tpu.memref_slice %arg11[%dma_start3A_223, %dma_start3A_224, %dma_start3A_225] : memref<2x128x64xi32, #tpu.memory_space<vmem>> -> memref<1x128x64xi32, #tpu.memory_space<vmem>>
      %dma_start3A_227 = tpu.memref_squeeze %dma_start3A_226 : memref<1x128x64xi32, #tpu.memory_space<vmem>> -> memref<128x64xi32, #tpu.memory_space<vmem>>
      %dma_start3A_228 = arith.constant 0 : i32
      %dma_start3A_229 = tpu.memref_slice %arg6[%mul3A_222, %dma_start3A_228] : memref<327680x64xi32, #tpu.memory_space<hbm>> -> memref<128x64xi32, #tpu.memory_space<hbm>>
      %dma_start3A_230 = arith.constant 0 : i32
      %dma_start3A_231 = tpu.memref_slice %arg6[%mul3A_222, %dma_start3A_230] : memref<327680x64xi32, #tpu.memory_space<hbm>> -> memref<128x64xi32, #tpu.memory_space<hbm>>
      %dma_start3A_232 = arith.constant 0 : i32
      %dma_start3A_233 = arith.constant 0 : i32
      %dma_start3A_234 = tpu.memref_slice %arg11[%dma_start3A_223, %dma_start3A_232, %dma_start3A_233] : memref<2x128x64xi32, #tpu.memory_space<vmem>> -> memref<1x128x64xi32, #tpu.memory_space<vmem>>
      %dma_start3A_235 = tpu.memref_squeeze %dma_start3A_234 : memref<1x128x64xi32, #tpu.memory_space<vmem>> -> memref<128x64xi32, #tpu.memory_space<vmem>>
      tpu.enqueue_dma source(%dma_start3A_235 : memref<128x64xi32, #tpu.memory_space<vmem>>) target(%dma_start3A_231 : memref<128x64xi32, #tpu.memory_space<hbm>>) target_semaphore(%arg16 : memref<!tpu.dma_semaphore, #tpu.memory_space<semaphore_mem>>)
      %add3A_236 = arith.constant 1 : i32
      %add3A_237 = arith.addi %add3A_173, %add3A_236 : i32
      %ge3A_238 = arith.constant 1 : i32
      %ge3A_239 = arith.cmpi sge, %add3A_237, %ge3A_238 : i32
      %add3A_240 = arith.constant 1 : i32
      %add3A_241 = arith.addi %add3A_237, %add3A_240 : i32
      %lt3A_242 = arith.cmpi slt, %add3A_241, %add3A_1 : i32
      %and3A_243 = arith.andi %ge3A_239, %lt3A_242 : i1
      %convert_element_type3A_244 = arith.extui %and3A_243 : i1 to i32
      %cond3A_245 = arith.constant 0 : i32
      %cond3A_246 = arith.cmpi ne, %convert_element_type3A_244, %cond3A_245 : i32
      scf.if %cond3A_246 {
        %sub3A_304 = arith.constant 1 : i32
        %sub3A_305 = arith.subi %add3A_237, %sub3A_304 : i32
        %add3A_306 = arith.addi %add3A_6, %sub3A_305 : i32
        %mul3A_307 = arith.constant 128 : i32
        %mul3A_308 = arith.muli %add3A_306, %mul3A_307 : i32
        %dma_wait3A_309 = arith.constant 0 : i32
        %dma_wait3A_310 = arith.constant 0 : i32
        %dma_wait3A_311 = arith.constant 0 : i32
        %dma_wait3A_312 = tpu.memref_slice %arg11[%dma_wait3A_309, %dma_wait3A_310, %dma_wait3A_311] : memref<2x128x64xi32, #tpu.memory_space<vmem>> -> memref<1x128x64xi32, #tpu.memory_space<vmem>>
        %dma_wait3A_313 = tpu.memref_squeeze %dma_wait3A_312 : memref<1x128x64xi32, #tpu.memory_space<vmem>> -> memref<128x64xi32, #tpu.memory_space<vmem>>
        %dma_wait3A_314 = arith.constant 0 : i32
        %dma_wait3A_315 = tpu.memref_slice %arg6[%mul3A_308, %dma_wait3A_314] : memref<327680x64xi32, #tpu.memory_space<hbm>> -> memref<128x64xi32, #tpu.memory_space<hbm>>
        %dma_wait3A_316 = arith.constant 0 : i32
        %dma_wait3A_317 = tpu.memref_slice %arg6[%mul3A_308, %dma_wait3A_316] : memref<327680x64xi32, #tpu.memory_space<hbm>> -> memref<128x64xi32, #tpu.memory_space<hbm>>
        %dma_wait3A_318 = arith.constant 0 : i32
        %dma_wait3A_319 = arith.constant 0 : i32
        %dma_wait3A_320 = tpu.memref_slice %arg11[%dma_wait3A_309, %dma_wait3A_318, %dma_wait3A_319] : memref<2x128x64xi32, #tpu.memory_space<vmem>> -> memref<1x128x64xi32, #tpu.memory_space<vmem>>
        %dma_wait3A_321 = tpu.memref_squeeze %dma_wait3A_320 : memref<1x128x64xi32, #tpu.memory_space<vmem>> -> memref<128x64xi32, #tpu.memory_space<vmem>>
        tpu.wait_dma2 semaphore(%arg16 : memref<!tpu.dma_semaphore, #tpu.memory_space<semaphore_mem>>) src(%dma_wait3A_321 : memref<128x64xi32, #tpu.memory_space<vmem>>) dst(%dma_wait3A_317 : memref<128x64xi32, #tpu.memory_space<hbm>>)
      } else {
      }
      %add3A_247 = arith.constant 1 : i32
      %add3A_248 = arith.addi %add3A_237, %add3A_247 : i32
      %lt3A_249 = arith.cmpi slt, %add3A_248, %add3A_1 : i32
      %convert_element_type3A_250 = arith.extui %lt3A_249 : i1 to i32
      %cond3A_251 = arith.constant 0 : i32
      %cond3A_252 = arith.cmpi ne, %convert_element_type3A_250, %cond3A_251 : i32
      scf.if %cond3A_252 {
        %add3A_304 = arith.constant 1 : i32
        %add3A_305 = arith.addi %add3A_237, %add3A_304 : i32
        %add3A_306 = arith.addi %add3A_6, %add3A_305 : i32
        %dma_wait3A_307 = arith.constant 0 : i32
        %dma_wait3A_308 = arith.constant 0 : i32
        %dma_wait3A_309 = tpu.memref_slice %arg7[%dma_wait3A_307, %dma_wait3A_308] : memref<2x128xi32, #tpu.memory_space<vmem>> -> memref<1x128xi32, #tpu.memory_space<vmem>>
        %dma_wait3A_310 = tpu.memref_squeeze %dma_wait3A_309 : memref<1x128xi32, #tpu.memory_space<vmem>> -> memref<128xi32, #tpu.memory_space<vmem>>
        %dma_wait3A_311 = arith.constant 0 : i32
        %dma_wait3A_312 = tpu.memref_slice %arg4[%add3A_306, %dma_wait3A_311] : memref<2560x128xi32, #tpu.memory_space<hbm>> -> memref<1x128xi32, #tpu.memory_space<hbm>>
        %dma_wait3A_313 = tpu.memref_squeeze %dma_wait3A_312 : memref<1x128xi32, #tpu.memory_space<hbm>> -> memref<128xi32, #tpu.memory_space<hbm>>
        %dma_wait3A_314 = arith.constant 0 : i32
        %dma_wait3A_315 = tpu.memref_slice %arg7[%dma_wait3A_307, %dma_wait3A_314] : memref<2x128xi32, #tpu.memory_space<vmem>> -> memref<1x128xi32, #tpu.memory_space<vmem>>
        %dma_wait3A_316 = tpu.memref_squeeze %dma_wait3A_315 : memref<1x128xi32, #tpu.memory_space<vmem>> -> memref<128xi32, #tpu.memory_space<vmem>>
        %dma_wait3A_317 = arith.constant 0 : i32
        %dma_wait3A_318 = tpu.memref_slice %arg4[%add3A_306, %dma_wait3A_317] : memref<2560x128xi32, #tpu.memory_space<hbm>> -> memref<1x128xi32, #tpu.memory_space<hbm>>
        %dma_wait3A_319 = tpu.memref_squeeze %dma_wait3A_318 : memref<1x128xi32, #tpu.memory_space<hbm>> -> memref<128xi32, #tpu.memory_space<hbm>>
        tpu.wait_dma2 semaphore(%arg12 : memref<!tpu.dma_semaphore, #tpu.memory_space<semaphore_mem>>) src(%dma_wait3A_319 : memref<128xi32, #tpu.memory_space<hbm>>) dst(%dma_wait3A_316 : memref<128xi32, #tpu.memory_space<vmem>>)
        %add3A_320 = arith.addi %add3A_6, %add3A_305 : i32
        %dma_wait3A_321 = arith.constant 0 : i32
        %dma_wait3A_322 = arith.constant 0 : i32
        %dma_wait3A_323 = tpu.memref_slice %arg8[%dma_wait3A_321, %dma_wait3A_322] : memref<2x128xi32, #tpu.memory_space<vmem>> -> memref<1x128xi32, #tpu.memory_space<vmem>>
        %dma_wait3A_324 = tpu.memref_squeeze %dma_wait3A_323 : memref<1x128xi32, #tpu.memory_space<vmem>> -> memref<128xi32, #tpu.memory_space<vmem>>
        %dma_wait3A_325 = arith.constant 0 : i32
        %dma_wait3A_326 = tpu.memref_slice %arg5[%add3A_320, %dma_wait3A_325] : memref<2560x128xi32, #tpu.memory_space<hbm>> -> memref<1x128xi32, #tpu.memory_space<hbm>>
        %dma_wait3A_327 = tpu.memref_squeeze %dma_wait3A_326 : memref<1x128xi32, #tpu.memory_space<hbm>> -> memref<128xi32, #tpu.memory_space<hbm>>
        %dma_wait3A_328 = arith.constant 0 : i32
        %dma_wait3A_329 = tpu.memref_slice %arg8[%dma_wait3A_321, %dma_wait3A_328] : memref<2x128xi32, #tpu.memory_space<vmem>> -> memref<1x128xi32, #tpu.memory_space<vmem>>
        %dma_wait3A_330 = tpu.memref_squeeze %dma_wait3A_329 : memref<1x128xi32, #tpu.memory_space<vmem>> -> memref<128xi32, #tpu.memory_space<vmem>>
        %dma_wait3A_331 = arith.constant 0 : i32
        %dma_wait3A_332 = tpu.memref_slice %arg5[%add3A_320, %dma_wait3A_331] : memref<2560x128xi32, #tpu.memory_space<hbm>> -> memref<1x128xi32, #tpu.memory_space<hbm>>
        %dma_wait3A_333 = tpu.memref_squeeze %dma_wait3A_332 : memref<1x128xi32, #tpu.memory_space<hbm>> -> memref<128xi32, #tpu.memory_space<hbm>>
        tpu.wait_dma2 semaphore(%arg12 : memref<!tpu.dma_semaphore, #tpu.memory_space<semaphore_mem>>) src(%dma_wait3A_333 : memref<128xi32, #tpu.memory_space<hbm>>) dst(%dma_wait3A_330 : memref<128xi32, #tpu.memory_space<vmem>>)
        %dma_start3A_334 = arith.constant 0 : i32
        %dma_start3A_335 = arith.constant 0 : i32
        %dma_start3A_336 = arith.constant 0 : i32
        %dma_start3A_337 = arith.constant 0 : i32
        %dma_start3A_338 = tpu.memref_slice %arg9[%dma_start3A_335, %dma_start3A_336, %dma_start3A_337] : memref<2x128x128xf32, #tpu.memory_space<vmem>> -> memref<1x128x128xf32, #tpu.memory_space<vmem>>
        %dma_start3A_339 = tpu.memref_squeeze %dma_start3A_338 : memref<1x128x128xf32, #tpu.memory_space<vmem>> -> memref<128x128xf32, #tpu.memory_space<vmem>>
        %dma_start3A_340 = arith.constant 0 : i32
        %dma_start3A_341 = tpu.memref_slice %arg7[%dma_start3A_334, %dma_start3A_340] : memref<2x128xi32, #tpu.memory_space<vmem>> -> memref<1x128xi32, #tpu.memory_space<vmem>>
        %dma_start3A_342 = tpu.memref_squeeze %dma_start3A_341 : memref<1x128xi32, #tpu.memory_space<vmem>> -> memref<128xi32, #tpu.memory_space<vmem>>
        %dma_start3A_343 = arith.constant 0 : i32
        %dma_start3A_344 = arith.constant 0 : i32
        %dma_start3A_345 = tpu.memref_slice %arg2[%dma_start3A_343, %dma_start3A_344] : memref<10000x128xf32, #tpu.memory_space<hbm>> -> memref<10000x128xf32, #tpu.memory_space<hbm>>
        tpu.enqueue_indirect_dma source(%dma_start3A_345 : memref<10000x128xf32, #tpu.memory_space<hbm>>) target(%dma_start3A_339 : memref<128x128xf32, #tpu.memory_space<vmem>>) offsets(%dma_start3A_342 : memref<128xi32, #tpu.memory_space<vmem>>) semaphore(%arg14 : memref<!tpu.dma_semaphore, #tpu.memory_space<semaphore_mem>>)
        %dma_start3A_346 = arith.constant 0 : i32
        %dma_start3A_347 = arith.constant 0 : i32
        %dma_start3A_348 = arith.constant 0 : i32
        %dma_start3A_349 = arith.constant 0 : i32
        %dma_start3A_350 = tpu.memref_slice %arg10[%dma_start3A_347, %dma_start3A_348, %dma_start3A_349] : memref<2x128x128xf32, #tpu.memory_space<vmem>> -> memref<1x128x128xf32, #tpu.memory_space<vmem>>
        %dma_start3A_351 = tpu.memref_squeeze %dma_start3A_350 : memref<1x128x128xf32, #tpu.memory_space<vmem>> -> memref<128x128xf32, #tpu.memory_space<vmem>>
        %dma_start3A_352 = arith.constant 0 : i32
        %dma_start3A_353 = tpu.memref_slice %arg8[%dma_start3A_346, %dma_start3A_352] : memref<2x128xi32, #tpu.memory_space<vmem>> -> memref<1x128xi32, #tpu.memory_space<vmem>>
        %dma_start3A_354 = tpu.memref_squeeze %dma_start3A_353 : memref<1x128xi32, #tpu.memory_space<vmem>> -> memref<128xi32, #tpu.memory_space<vmem>>
        %dma_start3A_355 = arith.constant 0 : i32
        %dma_start3A_356 = arith.constant 0 : i32
        %dma_start3A_357 = tpu.memref_slice %arg3[%dma_start3A_355, %dma_start3A_356] : memref<10000x128xf32, #tpu.memory_space<hbm>> -> memref<10000x128xf32, #tpu.memory_space<hbm>>
        tpu.enqueue_indirect_dma source(%dma_start3A_357 : memref<10000x128xf32, #tpu.memory_space<hbm>>) target(%dma_start3A_351 : memref<128x128xf32, #tpu.memory_space<vmem>>) offsets(%dma_start3A_354 : memref<128xi32, #tpu.memory_space<vmem>>) semaphore(%arg14 : memref<!tpu.dma_semaphore, #tpu.memory_space<semaphore_mem>>)
      } else {
      }
      %dma_wait3A_253 = arith.constant 1 : i32
      %dma_wait3A_254 = arith.constant 1 : i32
      %dma_wait3A_255 = arith.constant 0 : i32
      %dma_wait3A_256 = arith.constant 0 : i32
      %dma_wait3A_257 = tpu.memref_slice %arg9[%dma_wait3A_254, %dma_wait3A_255, %dma_wait3A_256] : memref<2x128x128xf32, #tpu.memory_space<vmem>> -> memref<1x128x128xf32, #tpu.memory_space<vmem>>
      %dma_wait3A_258 = tpu.memref_squeeze %dma_wait3A_257 : memref<1x128x128xf32, #tpu.memory_space<vmem>> -> memref<128x128xf32, #tpu.memory_space<vmem>>
      %dma_wait3A_259 = arith.constant 0 : i32
      %dma_wait3A_260 = tpu.memref_slice %arg7[%dma_wait3A_253, %dma_wait3A_259] : memref<2x128xi32, #tpu.memory_space<vmem>> -> memref<1x128xi32, #tpu.memory_space<vmem>>
      %dma_wait3A_261 = tpu.memref_squeeze %dma_wait3A_260 : memref<1x128xi32, #tpu.memory_space<vmem>> -> memref<128xi32, #tpu.memory_space<vmem>>
      %dma_wait3A_262 = arith.constant 0 : i32
      %dma_wait3A_263 = arith.constant 0 : i32
      %dma_wait3A_264 = tpu.memref_slice %arg2[%dma_wait3A_262, %dma_wait3A_263] : memref<10000x128xf32, #tpu.memory_space<hbm>> -> memref<10000x128xf32, #tpu.memory_space<hbm>>
      tpu.wait_indirect_dma semaphore(%arg15 : memref<!tpu.dma_semaphore, #tpu.memory_space<semaphore_mem>>) src(%dma_wait3A_264 : memref<10000x128xf32, #tpu.memory_space<hbm>>) dst(%dma_wait3A_258 : memref<128x128xf32, #tpu.memory_space<vmem>>)
      %dma_wait3A_265 = arith.constant 1 : i32
      %dma_wait3A_266 = arith.constant 1 : i32
      %dma_wait3A_267 = arith.constant 0 : i32
      %dma_wait3A_268 = arith.constant 0 : i32
      %dma_wait3A_269 = tpu.memref_slice %arg10[%dma_wait3A_266, %dma_wait3A_267, %dma_wait3A_268] : memref<2x128x128xf32, #tpu.memory_space<vmem>> -> memref<1x128x128xf32, #tpu.memory_space<vmem>>
      %dma_wait3A_270 = tpu.memref_squeeze %dma_wait3A_269 : memref<1x128x128xf32, #tpu.memory_space<vmem>> -> memref<128x128xf32, #tpu.memory_space<vmem>>
      %dma_wait3A_271 = arith.constant 0 : i32
      %dma_wait3A_272 = tpu.memref_slice %arg8[%dma_wait3A_265, %dma_wait3A_271] : memref<2x128xi32, #tpu.memory_space<vmem>> -> memref<1x128xi32, #tpu.memory_space<vmem>>
      %dma_wait3A_273 = tpu.memref_squeeze %dma_wait3A_272 : memref<1x128xi32, #tpu.memory_space<vmem>> -> memref<128xi32, #tpu.memory_space<vmem>>
      %dma_wait3A_274 = arith.constant 0 : i32
      %dma_wait3A_275 = arith.constant 0 : i32
      %dma_wait3A_276 = tpu.memref_slice %arg3[%dma_wait3A_274, %dma_wait3A_275] : memref<10000x128xf32, #tpu.memory_space<hbm>> -> memref<10000x128xf32, #tpu.memory_space<hbm>>
      tpu.wait_indirect_dma semaphore(%arg15 : memref<!tpu.dma_semaphore, #tpu.memory_space<semaphore_mem>>) src(%dma_wait3A_276 : memref<10000x128xf32, #tpu.memory_space<hbm>>) dst(%dma_wait3A_270 : memref<128x128xf32, #tpu.memory_space<vmem>>)
      %add3A_277 = arith.constant 2 : i32
      %add3A_278 = arith.addi %add3A_237, %add3A_277 : i32
      %lt3A_279 = arith.cmpi slt, %add3A_278, %add3A_1 : i32
      %convert_element_type3A_280 = arith.extui %lt3A_279 : i1 to i32
      %cond3A_281 = arith.constant 0 : i32
      %cond3A_282 = arith.cmpi ne, %convert_element_type3A_280, %cond3A_281 : i32
      scf.if %cond3A_282 {
        %add3A_304 = arith.constant 2 : i32
        %add3A_305 = arith.addi %add3A_237, %add3A_304 : i32
        %add3A_306 = arith.addi %add3A_6, %add3A_305 : i32
        %dma_start3A_307 = arith.constant 1 : i32
        %dma_start3A_308 = arith.constant 0 : i32
        %dma_start3A_309 = tpu.memref_slice %arg7[%dma_start3A_307, %dma_start3A_308] : memref<2x128xi32, #tpu.memory_space<vmem>> -> memref<1x128xi32, #tpu.memory_space<vmem>>
        %dma_start3A_310 = tpu.memref_squeeze %dma_start3A_309 : memref<1x128xi32, #tpu.memory_space<vmem>> -> memref<128xi32, #tpu.memory_space<vmem>>
        %dma_start3A_311 = arith.constant 0 : i32
        %dma_start3A_312 = tpu.memref_slice %arg4[%add3A_306, %dma_start3A_311] : memref<2560x128xi32, #tpu.memory_space<hbm>> -> memref<1x128xi32, #tpu.memory_space<hbm>>
        %dma_start3A_313 = tpu.memref_squeeze %dma_start3A_312 : memref<1x128xi32, #tpu.memory_space<hbm>> -> memref<128xi32, #tpu.memory_space<hbm>>
        %dma_start3A_314 = arith.constant 0 : i32
        %dma_start3A_315 = tpu.memref_slice %arg7[%dma_start3A_307, %dma_start3A_314] : memref<2x128xi32, #tpu.memory_space<vmem>> -> memref<1x128xi32, #tpu.memory_space<vmem>>
        %dma_start3A_316 = tpu.memref_squeeze %dma_start3A_315 : memref<1x128xi32, #tpu.memory_space<vmem>> -> memref<128xi32, #tpu.memory_space<vmem>>
        %dma_start3A_317 = arith.constant 0 : i32
        %dma_start3A_318 = tpu.memref_slice %arg4[%add3A_306, %dma_start3A_317] : memref<2560x128xi32, #tpu.memory_space<hbm>> -> memref<1x128xi32, #tpu.memory_space<hbm>>
        %dma_start3A_319 = tpu.memref_squeeze %dma_start3A_318 : memref<1x128xi32, #tpu.memory_space<hbm>> -> memref<128xi32, #tpu.memory_space<hbm>>
        tpu.enqueue_dma source(%dma_start3A_319 : memref<128xi32, #tpu.memory_space<hbm>>) target(%dma_start3A_316 : memref<128xi32, #tpu.memory_space<vmem>>) target_semaphore(%arg13 : memref<!tpu.dma_semaphore, #tpu.memory_space<semaphore_mem>>)
        %add3A_320 = arith.addi %add3A_6, %add3A_305 : i32
        %dma_start3A_321 = arith.constant 1 : i32
        %dma_start3A_322 = arith.constant 0 : i32
        %dma_start3A_323 = tpu.memref_slice %arg8[%dma_start3A_321, %dma_start3A_322] : memref<2x128xi32, #tpu.memory_space<vmem>> -> memref<1x128xi32, #tpu.memory_space<vmem>>
        %dma_start3A_324 = tpu.memref_squeeze %dma_start3A_323 : memref<1x128xi32, #tpu.memory_space<vmem>> -> memref<128xi32, #tpu.memory_space<vmem>>
        %dma_start3A_325 = arith.constant 0 : i32
        %dma_start3A_326 = tpu.memref_slice %arg5[%add3A_320, %dma_start3A_325] : memref<2560x128xi32, #tpu.memory_space<hbm>> -> memref<1x128xi32, #tpu.memory_space<hbm>>
        %dma_start3A_327 = tpu.memref_squeeze %dma_start3A_326 : memref<1x128xi32, #tpu.memory_space<hbm>> -> memref<128xi32, #tpu.memory_space<hbm>>
        %dma_start3A_328 = arith.constant 0 : i32
        %dma_start3A_329 = tpu.memref_slice %arg8[%dma_start3A_321, %dma_start3A_328] : memref<2x128xi32, #tpu.memory_space<vmem>> -> memref<1x128xi32, #tpu.memory_space<vmem>>
        %dma_start3A_330 = tpu.memref_squeeze %dma_start3A_329 : memref<1x128xi32, #tpu.memory_space<vmem>> -> memref<128xi32, #tpu.memory_space<vmem>>
        %dma_start3A_331 = arith.constant 0 : i32
        %dma_start3A_332 = tpu.memref_slice %arg5[%add3A_320, %dma_start3A_331] : memref<2560x128xi32, #tpu.memory_space<hbm>> -> memref<1x128xi32, #tpu.memory_space<hbm>>
        %dma_start3A_333 = tpu.memref_squeeze %dma_start3A_332 : memref<1x128xi32, #tpu.memory_space<hbm>> -> memref<128xi32, #tpu.memory_space<hbm>>
        tpu.enqueue_dma source(%dma_start3A_333 : memref<128xi32, #tpu.memory_space<hbm>>) target(%dma_start3A_330 : memref<128xi32, #tpu.memory_space<vmem>>) target_semaphore(%arg13 : memref<!tpu.dma_semaphore, #tpu.memory_space<semaphore_mem>>)
      } else {
      }
      %scan3A_283 = arith.constant 0 : i32
      %scan3A_284 = arith.constant 128 : i32
      %scan3A_285 = arith.addi %scan3A_283, %scan3A_284 : i32
      %scan3A_286 = arith.constant 1 : i32
      scf.for %scan3A_304 = %scan3A_283 to %scan3A_285 step %scan3A_286  : i32 {
        %mul3A_305 = arith.constant 1 : i32
        %mul3A_306 = arith.muli %scan3A_304, %mul3A_305 : i32
        %add3A_307 = arith.constant 0 : i32
        %add3A_308 = arith.addi %add3A_307, %mul3A_306 : i32
        %get3A = arith.constant 1 : i32
        %get3A_309 = arith.index_cast %get3A : i32 to index
        %get3A_310 = arith.index_cast %add3A_308 : i32 to index
        %get3A_311 = arith.constant 0 : index
        %get3A_312 = tpu.vector_load %arg9[%get3A_309, %get3A_310, %get3A_311] {strides = array<i32>} : memref<2x128x128xf32, #tpu.memory_space<vmem>>, vector<16xf32>,
        %get3A_313 = arith.constant 1 : i32
        %get3A_314 = arith.index_cast %get3A_313 : i32 to index
        %get3A_315 = arith.index_cast %add3A_308 : i32 to index
        %get3A_316 = arith.constant 0 : index
        %get3A_317 = tpu.vector_load %arg10[%get3A_314, %get3A_315, %get3A_316] {strides = array<i32>} : memref<2x128x128xf32, #tpu.memory_space<vmem>>, vector<16xf32>,
        %add3A_318 = arith.addf %get3A_312, %get3A_317 : vector<16xf32>
        %get3A_319 = arith.constant 1 : i32
        %get3A_320 = arith.index_cast %get3A_319 : i32 to index
        %get3A_321 = arith.index_cast %add3A_308 : i32 to index
        %get3A_322 = arith.constant 64 : index
        %get3A_323 = tpu.vector_load %arg9[%get3A_320, %get3A_321, %get3A_322] {strides = array<i32>} : memref<2x128x128xf32, #tpu.memory_space<vmem>>, vector<16xf32>,
        %get3A_324 = arith.constant 1 : i32
        %get3A_325 = arith.index_cast %get3A_324 : i32 to index
        %get3A_326 = arith.index_cast %add3A_308 : i32 to index
        %get3A_327 = arith.constant 64 : index
        %get3A_328 = tpu.vector_load %arg10[%get3A_325, %get3A_326, %get3A_327] {strides = array<i32>} : memref<2x128x128xf32, #tpu.memory_space<vmem>>, vector<16xf32>,
        %add3A_329 = arith.addf %get3A_323, %get3A_328 : vector<16xf32>
        %bitcast3A = vector.bitcast %add3A_318 : vector<16xf32> to vector<16xi32>
        %shift_right_logical3A = arith.constant 16 : i32
        %shift_right_logical3A_330 = vector.broadcast %shift_right_logical3A : i32 to vector<16xi32>
        %shift_right_logical3A_331 = arith.shrui %bitcast3A, %shift_right_logical3A_330 : vector<16xi32>
        %and3A_332 = arith.constant 1 : i32
        %and3A_333 = vector.broadcast %and3A_332 : i32 to vector<16xi32>
        %and3A_334 = arith.andi %shift_right_logical3A_331, %and3A_333 : vector<16xi32>
        %add3A_335 = arith.addi %bitcast3A, %and3A_334 : vector<16xi32>
        %add3A_336 = arith.constant 32767 : i32
        %add3A_337 = vector.broadcast %add3A_336 : i32 to vector<16xi32>
        %add3A_338 = arith.addi %add3A_335, %add3A_337 : vector<16xi32>
        %shift_right_logical3A_339 = arith.constant 16 : i32
        %shift_right_logical3A_340 = vector.broadcast %shift_right_logical3A_339 : i32 to vector<16xi32>
        %shift_right_logical3A_341 = arith.shrui %add3A_338, %shift_right_logical3A_340 : vector<16xi32>
        %bitcast3A_342 = vector.bitcast %add3A_329 : vector<16xf32> to vector<16xi32>
        %shift_right_logical3A_343 = arith.constant 16 : i32
        %shift_right_logical3A_344 = vector.broadcast %shift_right_logical3A_343 : i32 to vector<16xi32>
        %shift_right_logical3A_345 = arith.shrui %bitcast3A_342, %shift_right_logical3A_344 : vector<16xi32>
        %and3A_346 = arith.constant 1 : i32
        %and3A_347 = vector.broadcast %and3A_346 : i32 to vector<16xi32>
        %and3A_348 = arith.andi %shift_right_logical3A_345, %and3A_347 : vector<16xi32>
        %add3A_349 = arith.addi %bitcast3A_342, %and3A_348 : vector<16xi32>
        %add3A_350 = arith.constant 32767 : i32
        %add3A_351 = vector.broadcast %add3A_350 : i32 to vector<16xi32>
        %add3A_352 = arith.addi %add3A_349, %add3A_351 : vector<16xi32>
        %shift_right_logical3A_353 = arith.constant 16 : i32
        %shift_right_logical3A_354 = vector.broadcast %shift_right_logical3A_353 : i32 to vector<16xi32>
        %shift_right_logical3A_355 = arith.shrui %add3A_352, %shift_right_logical3A_354 : vector<16xi32>
        %shift_left3A = arith.constant 16 : i32
        %shift_left3A_356 = vector.broadcast %shift_left3A : i32 to vector<16xi32>
        %shift_left3A_357 = arith.shli %shift_right_logical3A_355, %shift_left3A_356 : vector<16xi32>
        %or3A = arith.ori %shift_right_logical3A_341, %shift_left3A_357 : vector<16xi32>
        %bitcast3A_358 = vector.bitcast %or3A : vector<16xi32> to vector<16xi32>
        %swap3A = arith.constant 1 : i32
        %swap3A_359 = arith.index_cast %swap3A : i32 to index
        %swap3A_360 = arith.index_cast %add3A_308 : i32 to index
        %swap3A_361 = arith.constant 0 : index
        %swap3A_362 = tpu.vector_load %arg11[%swap3A_359, %swap3A_360, %swap3A_361] {strides = array<i32>} : memref<2x128x64xi32, #tpu.memory_space<vmem>>, vector<16xi32>,
        tpu.vector_store %arg11[%swap3A_359, %swap3A_360, %swap3A_361], %bitcast3A_358 {strides = array<i32>} : memref<2x128x64xi32, #tpu.memory_space<vmem>>, vector<16xi32>,
        %get3A_363 = arith.constant 1 : i32
        %get3A_364 = arith.index_cast %get3A_363 : i32 to index
        %get3A_365 = arith.index_cast %add3A_308 : i32 to index
        %get3A_366 = arith.constant 16 : index
        %get3A_367 = tpu.vector_load %arg9[%get3A_364, %get3A_365, %get3A_366] {strides = array<i32>} : memref<2x128x128xf32, #tpu.memory_space<vmem>>, vector<16xf32>,
        %get3A_368 = arith.constant 1 : i32
        %get3A_369 = arith.index_cast %get3A_368 : i32 to index
        %get3A_370 = arith.index_cast %add3A_308 : i32 to index
        %get3A_371 = arith.constant 16 : index
        %get3A_372 = tpu.vector_load %arg10[%get3A_369, %get3A_370, %get3A_371] {strides = array<i32>} : memref<2x128x128xf32, #tpu.memory_space<vmem>>, vector<16xf32>,
        %add3A_373 = arith.addf %get3A_367, %get3A_372 : vector<16xf32>
        %get3A_374 = arith.constant 1 : i32
        %get3A_375 = arith.index_cast %get3A_374 : i32 to index
        %get3A_376 = arith.index_cast %add3A_308 : i32 to index
        %get3A_377 = arith.constant 80 : index
        %get3A_378 = tpu.vector_load %arg9[%get3A_375, %get3A_376, %get3A_377] {strides = array<i32>} : memref<2x128x128xf32, #tpu.memory_space<vmem>>, vector<16xf32>,
        %get3A_379 = arith.constant 1 : i32
        %get3A_380 = arith.index_cast %get3A_379 : i32 to index
        %get3A_381 = arith.index_cast %add3A_308 : i32 to index
        %get3A_382 = arith.constant 80 : index
        %get3A_383 = tpu.vector_load %arg10[%get3A_380, %get3A_381, %get3A_382] {strides = array<i32>} : memref<2x128x128xf32, #tpu.memory_space<vmem>>, vector<16xf32>,
        %add3A_384 = arith.addf %get3A_378, %get3A_383 : vector<16xf32>
        %bitcast3A_385 = vector.bitcast %add3A_373 : vector<16xf32> to vector<16xi32>
        %shift_right_logical3A_386 = arith.constant 16 : i32
        %shift_right_logical3A_387 = vector.broadcast %shift_right_logical3A_386 : i32 to vector<16xi32>
        %shift_right_logical3A_388 = arith.shrui %bitcast3A_385, %shift_right_logical3A_387 : vector<16xi32>
        %and3A_389 = arith.constant 1 : i32
        %and3A_390 = vector.broadcast %and3A_389 : i32 to vector<16xi32>
        %and3A_391 = arith.andi %shift_right_logical3A_388, %and3A_390 : vector<16xi32>
        %add3A_392 = arith.addi %bitcast3A_385, %and3A_391 : vector<16xi32>
        %add3A_393 = arith.constant 32767 : i32
        %add3A_394 = vector.broadcast %add3A_393 : i32 to vector<16xi32>
        %add3A_395 = arith.addi %add3A_392, %add3A_394 : vector<16xi32>
        %shift_right_logical3A_396 = arith.constant 16 : i32
        %shift_right_logical3A_397 = vector.broadcast %shift_right_logical3A_396 : i32 to vector<16xi32>
        %shift_right_logical3A_398 = arith.shrui %add3A_395, %shift_right_logical3A_397 : vector<16xi32>
        %bitcast3A_399 = vector.bitcast %add3A_384 : vector<16xf32> to vector<16xi32>
        %shift_right_logical3A_400 = arith.constant 16 : i32
        %shift_right_logical3A_401 = vector.broadcast %shift_right_logical3A_400 : i32 to vector<16xi32>
        %shift_right_logical3A_402 = arith.shrui %bitcast3A_399, %shift_right_logical3A_401 : vector<16xi32>
        %and3A_403 = arith.constant 1 : i32
        %and3A_404 = vector.broadcast %and3A_403 : i32 to vector<16xi32>
        %and3A_405 = arith.andi %shift_right_logical3A_402, %and3A_404 : vector<16xi32>
        %add3A_406 = arith.addi %bitcast3A_399, %and3A_405 : vector<16xi32>
        %add3A_407 = arith.constant 32767 : i32
        %add3A_408 = vector.broadcast %add3A_407 : i32 to vector<16xi32>
        %add3A_409 = arith.addi %add3A_406, %add3A_408 : vector<16xi32>
        %shift_right_logical3A_410 = arith.constant 16 : i32
        %shift_right_logical3A_411 = vector.broadcast %shift_right_logical3A_410 : i32 to vector<16xi32>
        %shift_right_logical3A_412 = arith.shrui %add3A_409, %shift_right_logical3A_411 : vector<16xi32>
        %shift_left3A_413 = arith.constant 16 : i32
        %shift_left3A_414 = vector.broadcast %shift_left3A_413 : i32 to vector<16xi32>
        %shift_left3A_415 = arith.shli %shift_right_logical3A_412, %shift_left3A_414 : vector<16xi32>
        %or3A_416 = arith.ori %shift_right_logical3A_398, %shift_left3A_415 : vector<16xi32>
        %bitcast3A_417 = vector.bitcast %or3A_416 : vector<16xi32> to vector<16xi32>
        %swap3A_418 = arith.constant 1 : i32
        %swap3A_419 = arith.index_cast %swap3A_418 : i32 to index
        %swap3A_420 = arith.index_cast %add3A_308 : i32 to index
        %swap3A_421 = arith.constant 16 : index
        %swap3A_422 = tpu.vector_load %arg11[%swap3A_419, %swap3A_420, %swap3A_421] {strides = array<i32>} : memref<2x128x64xi32, #tpu.memory_space<vmem>>, vector<16xi32>,
        tpu.vector_store %arg11[%swap3A_419, %swap3A_420, %swap3A_421], %bitcast3A_417 {strides = array<i32>} : memref<2x128x64xi32, #tpu.memory_space<vmem>>, vector<16xi32>,
        %get3A_423 = arith.constant 1 : i32
        %get3A_424 = arith.index_cast %get3A_423 : i32 to index
        %get3A_425 = arith.index_cast %add3A_308 : i32 to index
        %get3A_426 = arith.constant 32 : index
        %get3A_427 = tpu.vector_load %arg9[%get3A_424, %get3A_425, %get3A_426] {strides = array<i32>} : memref<2x128x128xf32, #tpu.memory_space<vmem>>, vector<16xf32>,
        %get3A_428 = arith.constant 1 : i32
        %get3A_429 = arith.index_cast %get3A_428 : i32 to index
        %get3A_430 = arith.index_cast %add3A_308 : i32 to index
        %get3A_431 = arith.constant 32 : index
        %get3A_432 = tpu.vector_load %arg10[%get3A_429, %get3A_430, %get3A_431] {strides = array<i32>} : memref<2x128x128xf32, #tpu.memory_space<vmem>>, vector<16xf32>,
        %add3A_433 = arith.addf %get3A_427, %get3A_432 : vector<16xf32>
        %get3A_434 = arith.constant 1 : i32
        %get3A_435 = arith.index_cast %get3A_434 : i32 to index
        %get3A_436 = arith.index_cast %add3A_308 : i32 to index
        %get3A_437 = arith.constant 96 : index
        %get3A_438 = tpu.vector_load %arg9[%get3A_435, %get3A_436, %get3A_437] {strides = array<i32>} : memref<2x128x128xf32, #tpu.memory_space<vmem>>, vector<16xf32>,
        %get3A_439 = arith.constant 1 : i32
        %get3A_440 = arith.index_cast %get3A_439 : i32 to index
        %get3A_441 = arith.index_cast %add3A_308 : i32 to index
        %get3A_442 = arith.constant 96 : index
        %get3A_443 = tpu.vector_load %arg10[%get3A_440, %get3A_441, %get3A_442] {strides = array<i32>} : memref<2x128x128xf32, #tpu.memory_space<vmem>>, vector<16xf32>,
        %add3A_444 = arith.addf %get3A_438, %get3A_443 : vector<16xf32>
        %bitcast3A_445 = vector.bitcast %add3A_433 : vector<16xf32> to vector<16xi32>
        %shift_right_logical3A_446 = arith.constant 16 : i32
        %shift_right_logical3A_447 = vector.broadcast %shift_right_logical3A_446 : i32 to vector<16xi32>
        %shift_right_logical3A_448 = arith.shrui %bitcast3A_445, %shift_right_logical3A_447 : vector<16xi32>
        %and3A_449 = arith.constant 1 : i32
        %and3A_450 = vector.broadcast %and3A_449 : i32 to vector<16xi32>
        %and3A_451 = arith.andi %shift_right_logical3A_448, %and3A_450 : vector<16xi32>
        %add3A_452 = arith.addi %bitcast3A_445, %and3A_451 : vector<16xi32>
        %add3A_453 = arith.constant 32767 : i32
        %add3A_454 = vector.broadcast %add3A_453 : i32 to vector<16xi32>
        %add3A_455 = arith.addi %add3A_452, %add3A_454 : vector<16xi32>
        %shift_right_logical3A_456 = arith.constant 16 : i32
        %shift_right_logical3A_457 = vector.broadcast %shift_right_logical3A_456 : i32 to vector<16xi32>
        %shift_right_logical3A_458 = arith.shrui %add3A_455, %shift_right_logical3A_457 : vector<16xi32>
        %bitcast3A_459 = vector.bitcast %add3A_444 : vector<16xf32> to vector<16xi32>
        %shift_right_logical3A_460 = arith.constant 16 : i32
        %shift_right_logical3A_461 = vector.broadcast %shift_right_logical3A_460 : i32 to vector<16xi32>
        %shift_right_logical3A_462 = arith.shrui %bitcast3A_459, %shift_right_logical3A_461 : vector<16xi32>
        %and3A_463 = arith.constant 1 : i32
        %and3A_464 = vector.broadcast %and3A_463 : i32 to vector<16xi32>
        %and3A_465 = arith.andi %shift_right_logical3A_462, %and3A_464 : vector<16xi32>
        %add3A_466 = arith.addi %bitcast3A_459, %and3A_465 : vector<16xi32>
        %add3A_467 = arith.constant 32767 : i32
        %add3A_468 = vector.broadcast %add3A_467 : i32 to vector<16xi32>
        %add3A_469 = arith.addi %add3A_466, %add3A_468 : vector<16xi32>
        %shift_right_logical3A_470 = arith.constant 16 : i32
        %shift_right_logical3A_471 = vector.broadcast %shift_right_logical3A_470 : i32 to vector<16xi32>
        %shift_right_logical3A_472 = arith.shrui %add3A_469, %shift_right_logical3A_471 : vector<16xi32>
        %shift_left3A_473 = arith.constant 16 : i32
        %shift_left3A_474 = vector.broadcast %shift_left3A_473 : i32 to vector<16xi32>
        %shift_left3A_475 = arith.shli %shift_right_logical3A_472, %shift_left3A_474 : vector<16xi32>
        %or3A_476 = arith.ori %shift_right_logical3A_458, %shift_left3A_475 : vector<16xi32>
        %bitcast3A_477 = vector.bitcast %or3A_476 : vector<16xi32> to vector<16xi32>
        %swap3A_478 = arith.constant 1 : i32
        %swap3A_479 = arith.index_cast %swap3A_478 : i32 to index
        %swap3A_480 = arith.index_cast %add3A_308 : i32 to index
        %swap3A_481 = arith.constant 32 : index
        %swap3A_482 = tpu.vector_load %arg11[%swap3A_479, %swap3A_480, %swap3A_481] {strides = array<i32>} : memref<2x128x64xi32, #tpu.memory_space<vmem>>, vector<16xi32>,
        tpu.vector_store %arg11[%swap3A_479, %swap3A_480, %swap3A_481], %bitcast3A_477 {strides = array<i32>} : memref<2x128x64xi32, #tpu.memory_space<vmem>>, vector<16xi32>,
        %get3A_483 = arith.constant 1 : i32
        %get3A_484 = arith.index_cast %get3A_483 : i32 to index
        %get3A_485 = arith.index_cast %add3A_308 : i32 to index
        %get3A_486 = arith.constant 48 : index
        %get3A_487 = tpu.vector_load %arg9[%get3A_484, %get3A_485, %get3A_486] {strides = array<i32>} : memref<2x128x128xf32, #tpu.memory_space<vmem>>, vector<16xf32>,
        %get3A_488 = arith.constant 1 : i32
        %get3A_489 = arith.index_cast %get3A_488 : i32 to index
        %get3A_490 = arith.index_cast %add3A_308 : i32 to index
        %get3A_491 = arith.constant 48 : index
        %get3A_492 = tpu.vector_load %arg10[%get3A_489, %get3A_490, %get3A_491] {strides = array<i32>} : memref<2x128x128xf32, #tpu.memory_space<vmem>>, vector<16xf32>,
        %add3A_493 = arith.addf %get3A_487, %get3A_492 : vector<16xf32>
        %get3A_494 = arith.constant 1 : i32
        %get3A_495 = arith.index_cast %get3A_494 : i32 to index
        %get3A_496 = arith.index_cast %add3A_308 : i32 to index
        %get3A_497 = arith.constant 112 : index
        %get3A_498 = tpu.vector_load %arg9[%get3A_495, %get3A_496, %get3A_497] {strides = array<i32>} : memref<2x128x128xf32, #tpu.memory_space<vmem>>, vector<16xf32>,
        %get3A_499 = arith.constant 1 : i32
        %get3A_500 = arith.index_cast %get3A_499 : i32 to index
        %get3A_501 = arith.index_cast %add3A_308 : i32 to index
        %get3A_502 = arith.constant 112 : index
        %get3A_503 = tpu.vector_load %arg10[%get3A_500, %get3A_501, %get3A_502] {strides = array<i32>} : memref<2x128x128xf32, #tpu.memory_space<vmem>>, vector<16xf32>,
        %add3A_504 = arith.addf %get3A_498, %get3A_503 : vector<16xf32>
        %bitcast3A_505 = vector.bitcast %add3A_493 : vector<16xf32> to vector<16xi32>
        %shift_right_logical3A_506 = arith.constant 16 : i32
        %shift_right_logical3A_507 = vector.broadcast %shift_right_logical3A_506 : i32 to vector<16xi32>
        %shift_right_logical3A_508 = arith.shrui %bitcast3A_505, %shift_right_logical3A_507 : vector<16xi32>
        %and3A_509 = arith.constant 1 : i32
        %and3A_510 = vector.broadcast %and3A_509 : i32 to vector<16xi32>
        %and3A_511 = arith.andi %shift_right_logical3A_508, %and3A_510 : vector<16xi32>
        %add3A_512 = arith.addi %bitcast3A_505, %and3A_511 : vector<16xi32>
        %add3A_513 = arith.constant 32767 : i32
        %add3A_514 = vector.broadcast %add3A_513 : i32 to vector<16xi32>
        %add3A_515 = arith.addi %add3A_512, %add3A_514 : vector<16xi32>
        %shift_right_logical3A_516 = arith.constant 16 : i32
        %shift_right_logical3A_517 = vector.broadcast %shift_right_logical3A_516 : i32 to vector<16xi32>
        %shift_right_logical3A_518 = arith.shrui %add3A_515, %shift_right_logical3A_517 : vector<16xi32>
        %bitcast3A_519 = vector.bitcast %add3A_504 : vector<16xf32> to vector<16xi32>
        %shift_right_logical3A_520 = arith.constant 16 : i32
        %shift_right_logical3A_521 = vector.broadcast %shift_right_logical3A_520 : i32 to vector<16xi32>
        %shift_right_logical3A_522 = arith.shrui %bitcast3A_519, %shift_right_logical3A_521 : vector<16xi32>
        %and3A_523 = arith.constant 1 : i32
        %and3A_524 = vector.broadcast %and3A_523 : i32 to vector<16xi32>
        %and3A_525 = arith.andi %shift_right_logical3A_522, %and3A_524 : vector<16xi32>
        %add3A_526 = arith.addi %bitcast3A_519, %and3A_525 : vector<16xi32>
        %add3A_527 = arith.constant 32767 : i32
        %add3A_528 = vector.broadcast %add3A_527 : i32 to vector<16xi32>
        %add3A_529 = arith.addi %add3A_526, %add3A_528 : vector<16xi32>
        %shift_right_logical3A_530 = arith.constant 16 : i32
        %shift_right_logical3A_531 = vector.broadcast %shift_right_logical3A_530 : i32 to vector<16xi32>
        %shift_right_logical3A_532 = arith.shrui %add3A_529, %shift_right_logical3A_531 : vector<16xi32>
        %shift_left3A_533 = arith.constant 16 : i32
        %shift_left3A_534 = vector.broadcast %shift_left3A_533 : i32 to vector<16xi32>
        %shift_left3A_535 = arith.shli %shift_right_logical3A_532, %shift_left3A_534 : vector<16xi32>
        %or3A_536 = arith.ori %shift_right_logical3A_518, %shift_left3A_535 : vector<16xi32>
        %bitcast3A_537 = vector.bitcast %or3A_536 : vector<16xi32> to vector<16xi32>
        %swap3A_538 = arith.constant 1 : i32
        %swap3A_539 = arith.index_cast %swap3A_538 : i32 to index
        %swap3A_540 = arith.index_cast %add3A_308 : i32 to index
        %swap3A_541 = arith.constant 48 : index
        %swap3A_542 = tpu.vector_load %arg11[%swap3A_539, %swap3A_540, %swap3A_541] {strides = array<i32>} : memref<2x128x64xi32, #tpu.memory_space<vmem>>, vector<16xi32>,
        tpu.vector_store %arg11[%swap3A_539, %swap3A_540, %swap3A_541], %bitcast3A_537 {strides = array<i32>} : memref<2x128x64xi32, #tpu.memory_space<vmem>>, vector<16xi32>,
      }
      %scan3A_287 = arith.constant 128 : i32
      %add3A_288 = arith.addi %add3A_6, %add3A_237 : i32
      %mul3A_289 = arith.constant 128 : i32
      %mul3A_290 = arith.muli %add3A_288, %mul3A_289 : i32
      %dma_start3A_291 = arith.constant 1 : i32
      %dma_start3A_292 = arith.constant 0 : i32
      %dma_start3A_293 = arith.constant 0 : i32
      %dma_start3A_294 = tpu.memref_slice %arg11[%dma_start3A_291, %dma_start3A_292, %dma_start3A_293] : memref<2x128x64xi32, #tpu.memory_space<vmem>> -> memref<1x128x64xi32, #tpu.memory_space<vmem>>
      %dma_start3A_295 = tpu.memref_squeeze %dma_start3A_294 : memref<1x128x64xi32, #tpu.memory_space<vmem>> -> memref<128x64xi32, #tpu.memory_space<vmem>>
      %dma_start3A_296 = arith.constant 0 : i32
      %dma_start3A_297 = tpu.memref_slice %arg6[%mul3A_290, %dma_start3A_296] : memref<327680x64xi32, #tpu.memory_space<hbm>> -> memref<128x64xi32, #tpu.memory_space<hbm>>
      %dma_start3A_298 = arith.constant 0 : i32
      %dma_start3A_299 = tpu.memref_slice %arg6[%mul3A_290, %dma_start3A_298] : memref<327680x64xi32, #tpu.memory_space<hbm>> -> memref<128x64xi32, #tpu.memory_space<hbm>>
      %dma_start3A_300 = arith.constant 0 : i32
      %dma_start3A_301 = arith.constant 0 : i32
      %dma_start3A_302 = tpu.memref_slice %arg11[%dma_start3A_291, %dma_start3A_300, %dma_start3A_301] : memref<2x128x64xi32, #tpu.memory_space<vmem>> -> memref<1x128x64xi32, #tpu.memory_space<vmem>>
      %dma_start3A_303 = tpu.memref_squeeze %dma_start3A_302 : memref<1x128x64xi32, #tpu.memory_space<vmem>> -> memref<128x64xi32, #tpu.memory_space<vmem>>
      tpu.enqueue_dma source(%dma_start3A_303 : memref<128x64xi32, #tpu.memory_space<vmem>>) target(%dma_start3A_299 : memref<128x64xi32, #tpu.memory_space<hbm>>) target_semaphore(%arg17 : memref<!tpu.dma_semaphore, #tpu.memory_space<semaphore_mem>>)
    }
    %while3A_134 = arith.constant 1 : i32
    scf.for %while3A_171 = %while3A_132 to %while3A_128 step %while3A_134  : i32 {
      %mul3A_172 = arith.muli %while3A_171, %while3A : i32
      %add3A_173 = arith.addi %while3A_125, %mul3A_172 : i32
      %add3A_174 = arith.constant 0 : i32
      %add3A_175 = arith.addi %add3A_173, %add3A_174 : i32
      %ge3A = arith.constant 1 : i32
      %ge3A_176 = arith.cmpi sge, %add3A_175, %ge3A : i32
      %add3A_177 = arith.constant 1 : i32
      %add3A_178 = arith.addi %add3A_175, %add3A_177 : i32
      %lt3A = arith.cmpi slt, %add3A_178, %add3A_1 : i32
      %and3A = arith.andi %ge3A_176, %lt3A : i1
      %convert_element_type3A = arith.extui %and3A : i1 to i32
      %cond3A = arith.constant 0 : i32
      %cond3A_179 = arith.cmpi ne, %convert_element_type3A, %cond3A : i32
      scf.if %cond3A_179 {
        %sub3A_304 = arith.constant 1 : i32
        %sub3A_305 = arith.subi %add3A_175, %sub3A_304 : i32
        %add3A_306 = arith.addi %add3A_6, %sub3A_305 : i32
        %mul3A_307 = arith.constant 128 : i32
        %mul3A_308 = arith.muli %add3A_306, %mul3A_307 : i32
        %dma_wait3A_309 = arith.constant 1 : i32
        %dma_wait3A_310 = arith.constant 0 : i32
        %dma_wait3A_311 = arith.constant 0 : i32
        %dma_wait3A_312 = tpu.memref_slice %arg11[%dma_wait3A_309, %dma_wait3A_310, %dma_wait3A_311] : memref<2x128x64xi32, #tpu.memory_space<vmem>> -> memref<1x128x64xi32, #tpu.memory_space<vmem>>
        %dma_wait3A_313 = tpu.memref_squeeze %dma_wait3A_312 : memref<1x128x64xi32, #tpu.memory_space<vmem>> -> memref<128x64xi32, #tpu.memory_space<vmem>>
        %dma_wait3A_314 = arith.constant 0 : i32
        %dma_wait3A_315 = tpu.memref_slice %arg6[%mul3A_308, %dma_wait3A_314] : memref<327680x64xi32, #tpu.memory_space<hbm>> -> memref<128x64xi32, #tpu.memory_space<hbm>>
        %dma_wait3A_316 = arith.constant 0 : i32
        %dma_wait3A_317 = tpu.memref_slice %arg6[%mul3A_308, %dma_wait3A_316] : memref<327680x64xi32, #tpu.memory_space<hbm>> -> memref<128x64xi32, #tpu.memory_space<hbm>>
        %dma_wait3A_318 = arith.constant 0 : i32
        %dma_wait3A_319 = arith.constant 0 : i32
        %dma_wait3A_320 = tpu.memref_slice %arg11[%dma_wait3A_309, %dma_wait3A_318, %dma_wait3A_319] : memref<2x128x64xi32, #tpu.memory_space<vmem>> -> memref<1x128x64xi32, #tpu.memory_space<vmem>>
        %dma_wait3A_321 = tpu.memref_squeeze %dma_wait3A_320 : memref<1x128x64xi32, #tpu.memory_space<vmem>> -> memref<128x64xi32, #tpu.memory_space<vmem>>
        tpu.wait_dma2 semaphore(%arg17 : memref<!tpu.dma_semaphore, #tpu.memory_space<semaphore_mem>>) src(%dma_wait3A_321 : memref<128x64xi32, #tpu.memory_space<vmem>>) dst(%dma_wait3A_317 : memref<128x64xi32, #tpu.memory_space<hbm>>)
      } else {
      }
      %add3A_180 = arith.constant 1 : i32
      %add3A_181 = arith.addi %add3A_175, %add3A_180 : i32
      %lt3A_182 = arith.cmpi slt, %add3A_181, %add3A_1 : i32
      %convert_element_type3A_183 = arith.extui %lt3A_182 : i1 to i32
      %cond3A_184 = arith.constant 0 : i32
      %cond3A_185 = arith.cmpi ne, %convert_element_type3A_183, %cond3A_184 : i32
      scf.if %cond3A_185 {
        %add3A_304 = arith.constant 1 : i32
        %add3A_305 = arith.addi %add3A_175, %add3A_304 : i32
        %add3A_306 = arith.addi %add3A_6, %add3A_305 : i32
        %dma_wait3A_307 = arith.constant 1 : i32
        %dma_wait3A_308 = arith.constant 0 : i32
        %dma_wait3A_309 = tpu.memref_slice %arg7[%dma_wait3A_307, %dma_wait3A_308] : memref<2x128xi32, #tpu.memory_space<vmem>> -> memref<1x128xi32, #tpu.memory_space<vmem>>
        %dma_wait3A_310 = tpu.memref_squeeze %dma_wait3A_309 : memref<1x128xi32, #tpu.memory_space<vmem>> -> memref<128xi32, #tpu.memory_space<vmem>>
        %dma_wait3A_311 = arith.constant 0 : i32
        %dma_wait3A_312 = tpu.memref_slice %arg4[%add3A_306, %dma_wait3A_311] : memref<2560x128xi32, #tpu.memory_space<hbm>> -> memref<1x128xi32, #tpu.memory_space<hbm>>
        %dma_wait3A_313 = tpu.memref_squeeze %dma_wait3A_312 : memref<1x128xi32, #tpu.memory_space<hbm>> -> memref<128xi32, #tpu.memory_space<hbm>>
        %dma_wait3A_314 = arith.constant 0 : i32
        %dma_wait3A_315 = tpu.memref_slice %arg7[%dma_wait3A_307, %dma_wait3A_314] : memref<2x128xi32, #tpu.memory_space<vmem>> -> memref<1x128xi32, #tpu.memory_space<vmem>>
        %dma_wait3A_316 = tpu.memref_squeeze %dma_wait3A_315 : memref<1x128xi32, #tpu.memory_space<vmem>> -> memref<128xi32, #tpu.memory_space<vmem>>
        %dma_wait3A_317 = arith.constant 0 : i32
        %dma_wait3A_318 = tpu.memref_slice %arg4[%add3A_306, %dma_wait3A_317] : memref<2560x128xi32, #tpu.memory_space<hbm>> -> memref<1x128xi32, #tpu.memory_space<hbm>>
        %dma_wait3A_319 = tpu.memref_squeeze %dma_wait3A_318 : memref<1x128xi32, #tpu.memory_space<hbm>> -> memref<128xi32, #tpu.memory_space<hbm>>
        tpu.wait_dma2 semaphore(%arg13 : memref<!tpu.dma_semaphore, #tpu.memory_space<semaphore_mem>>) src(%dma_wait3A_319 : memref<128xi32, #tpu.memory_space<hbm>>) dst(%dma_wait3A_316 : memref<128xi32, #tpu.memory_space<vmem>>)
        %add3A_320 = arith.addi %add3A_6, %add3A_305 : i32
        %dma_wait3A_321 = arith.constant 1 : i32
        %dma_wait3A_322 = arith.constant 0 : i32
        %dma_wait3A_323 = tpu.memref_slice %arg8[%dma_wait3A_321, %dma_wait3A_322] : memref<2x128xi32, #tpu.memory_space<vmem>> -> memref<1x128xi32, #tpu.memory_space<vmem>>
        %dma_wait3A_324 = tpu.memref_squeeze %dma_wait3A_323 : memref<1x128xi32, #tpu.memory_space<vmem>> -> memref<128xi32, #tpu.memory_space<vmem>>
        %dma_wait3A_325 = arith.constant 0 : i32
        %dma_wait3A_326 = tpu.memref_slice %arg5[%add3A_320, %dma_wait3A_325] : memref<2560x128xi32, #tpu.memory_space<hbm>> -> memref<1x128xi32, #tpu.memory_space<hbm>>
        %dma_wait3A_327 = tpu.memref_squeeze %dma_wait3A_326 : memref<1x128xi32, #tpu.memory_space<hbm>> -> memref<128xi32, #tpu.memory_space<hbm>>
        %dma_wait3A_328 = arith.constant 0 : i32
        %dma_wait3A_329 = tpu.memref_slice %arg8[%dma_wait3A_321, %dma_wait3A_328] : memref<2x128xi32, #tpu.memory_space<vmem>> -> memref<1x128xi32, #tpu.memory_space<vmem>>
        %dma_wait3A_330 = tpu.memref_squeeze %dma_wait3A_329 : memref<1x128xi32, #tpu.memory_space<vmem>> -> memref<128xi32, #tpu.memory_space<vmem>>
        %dma_wait3A_331 = arith.constant 0 : i32
        %dma_wait3A_332 = tpu.memref_slice %arg5[%add3A_320, %dma_wait3A_331] : memref<2560x128xi32, #tpu.memory_space<hbm>> -> memref<1x128xi32, #tpu.memory_space<hbm>>
        %dma_wait3A_333 = tpu.memref_squeeze %dma_wait3A_332 : memref<1x128xi32, #tpu.memory_space<hbm>> -> memref<128xi32, #tpu.memory_space<hbm>>
        tpu.wait_dma2 semaphore(%arg13 : memref<!tpu.dma_semaphore, #tpu.memory_space<semaphore_mem>>) src(%dma_wait3A_333 : memref<128xi32, #tpu.memory_space<hbm>>) dst(%dma_wait3A_330 : memref<128xi32, #tpu.memory_space<vmem>>)
        %dma_start3A_334 = arith.constant 1 : i32
        %dma_start3A_335 = arith.constant 1 : i32
        %dma_start3A_336 = arith.constant 0 : i32
        %dma_start3A_337 = arith.constant 0 : i32
        %dma_start3A_338 = tpu.memref_slice %arg9[%dma_start3A_335, %dma_start3A_336, %dma_start3A_337] : memref<2x128x128xf32, #tpu.memory_space<vmem>> -> memref<1x128x128xf32, #tpu.memory_space<vmem>>
        %dma_start3A_339 = tpu.memref_squeeze %dma_start3A_338 : memref<1x128x128xf32, #tpu.memory_space<vmem>> -> memref<128x128xf32, #tpu.memory_space<vmem>>
        %dma_start3A_340 = arith.constant 0 : i32
        %dma_start3A_341 = tpu.memref_slice %arg7[%dma_start3A_334, %dma_start3A_340] : memref<2x128xi32, #tpu.memory_space<vmem>> -> memref<1x128xi32, #tpu.memory_space<vmem>>
        %dma_start3A_342 = tpu.memref_squeeze %dma_start3A_341 : memref<1x128xi32, #tpu.memory_space<vmem>> -> memref<128xi32, #tpu.memory_space<vmem>>
        %dma_start3A_343 = arith.constant 0 : i32
        %dma_start3A_344 = arith.constant 0 : i32
        %dma_start3A_345 = tpu.memref_slice %arg2[%dma_start3A_343, %dma_start3A_344] : memref<10000x128xf32, #tpu.memory_space<hbm>> -> memref<10000x128xf32, #tpu.memory_space<hbm>>
        tpu.enqueue_indirect_dma source(%dma_start3A_345 : memref<10000x128xf32, #tpu.memory_space<hbm>>) target(%dma_start3A_339 : memref<128x128xf32, #tpu.memory_space<vmem>>) offsets(%dma_start3A_342 : memref<128xi32, #tpu.memory_space<vmem>>) semaphore(%arg15 : memref<!tpu.dma_semaphore, #tpu.memory_space<semaphore_mem>>)
        %dma_start3A_346 = arith.constant 1 : i32
        %dma_start3A_347 = arith.constant 1 : i32
        %dma_start3A_348 = arith.constant 0 : i32
        %dma_start3A_349 = arith.constant 0 : i32
        %dma_start3A_350 = tpu.memref_slice %arg10[%dma_start3A_347, %dma_start3A_348, %dma_start3A_349] : memref<2x128x128xf32, #tpu.memory_space<vmem>> -> memref<1x128x128xf32, #tpu.memory_space<vmem>>
        %dma_start3A_351 = tpu.memref_squeeze %dma_start3A_350 : memref<1x128x128xf32, #tpu.memory_space<vmem>> -> memref<128x128xf32, #tpu.memory_space<vmem>>
        %dma_start3A_352 = arith.constant 0 : i32
        %dma_start3A_353 = tpu.memref_slice %arg8[%dma_start3A_346, %dma_start3A_352] : memref<2x128xi32, #tpu.memory_space<vmem>> -> memref<1x128xi32, #tpu.memory_space<vmem>>
        %dma_start3A_354 = tpu.memref_squeeze %dma_start3A_353 : memref<1x128xi32, #tpu.memory_space<vmem>> -> memref<128xi32, #tpu.memory_space<vmem>>
        %dma_start3A_355 = arith.constant 0 : i32
        %dma_start3A_356 = arith.constant 0 : i32
        %dma_start3A_357 = tpu.memref_slice %arg3[%dma_start3A_355, %dma_start3A_356] : memref<10000x128xf32, #tpu.memory_space<hbm>> -> memref<10000x128xf32, #tpu.memory_space<hbm>>
        tpu.enqueue_indirect_dma source(%dma_start3A_357 : memref<10000x128xf32, #tpu.memory_space<hbm>>) target(%dma_start3A_351 : memref<128x128xf32, #tpu.memory_space<vmem>>) offsets(%dma_start3A_354 : memref<128xi32, #tpu.memory_space<vmem>>) semaphore(%arg15 : memref<!tpu.dma_semaphore, #tpu.memory_space<semaphore_mem>>)
      } else {
      }
      %dma_wait3A_186 = arith.constant 0 : i32
      %dma_wait3A_187 = arith.constant 0 : i32
      %dma_wait3A_188 = arith.constant 0 : i32
      %dma_wait3A_189 = arith.constant 0 : i32
      %dma_wait3A_190 = tpu.memref_slice %arg9[%dma_wait3A_187, %dma_wait3A_188, %dma_wait3A_189] : memref<2x128x128xf32, #tpu.memory_space<vmem>> -> memref<1x128x128xf32, #tpu.memory_space<vmem>>
      %dma_wait3A_191 = tpu.memref_squeeze %dma_wait3A_190 : memref<1x128x128xf32, #tpu.memory_space<vmem>> -> memref<128x128xf32, #tpu.memory_space<vmem>>
      %dma_wait3A_192 = arith.constant 0 : i32
      %dma_wait3A_193 = tpu.memref_slice %arg7[%dma_wait3A_186, %dma_wait3A_192] : memref<2x128xi32, #tpu.memory_space<vmem>> -> memref<1x128xi32, #tpu.memory_space<vmem>>
      %dma_wait3A_194 = tpu.memref_squeeze %dma_wait3A_193 : memref<1x128xi32, #tpu.memory_space<vmem>> -> memref<128xi32, #tpu.memory_space<vmem>>
      %dma_wait3A_195 = arith.constant 0 : i32
      %dma_wait3A_196 = arith.constant 0 : i32
      %dma_wait3A_197 = tpu.memref_slice %arg2[%dma_wait3A_195, %dma_wait3A_196] : memref<10000x128xf32, #tpu.memory_space<hbm>> -> memref<10000x128xf32, #tpu.memory_space<hbm>>
      tpu.wait_indirect_dma semaphore(%arg14 : memref<!tpu.dma_semaphore, #tpu.memory_space<semaphore_mem>>) src(%dma_wait3A_197 : memref<10000x128xf32, #tpu.memory_space<hbm>>) dst(%dma_wait3A_191 : memref<128x128xf32, #tpu.memory_space<vmem>>)
      %dma_wait3A_198 = arith.constant 0 : i32
      %dma_wait3A_199 = arith.constant 0 : i32
      %dma_wait3A_200 = arith.constant 0 : i32
      %dma_wait3A_201 = arith.constant 0 : i32
      %dma_wait3A_202 = tpu.memref_slice %arg10[%dma_wait3A_199, %dma_wait3A_200, %dma_wait3A_201] : memref<2x128x128xf32, #tpu.memory_space<vmem>> -> memref<1x128x128xf32, #tpu.memory_space<vmem>>
      %dma_wait3A_203 = tpu.memref_squeeze %dma_wait3A_202 : memref<1x128x128xf32, #tpu.memory_space<vmem>> -> memref<128x128xf32, #tpu.memory_space<vmem>>
      %dma_wait3A_204 = arith.constant 0 : i32
      %dma_wait3A_205 = tpu.memref_slice %arg8[%dma_wait3A_198, %dma_wait3A_204] : memref<2x128xi32, #tpu.memory_space<vmem>> -> memref<1x128xi32, #tpu.memory_space<vmem>>
      %dma_wait3A_206 = tpu.memref_squeeze %dma_wait3A_205 : memref<1x128xi32, #tpu.memory_space<vmem>> -> memref<128xi32, #tpu.memory_space<vmem>>
      %dma_wait3A_207 = arith.constant 0 : i32
      %dma_wait3A_208 = arith.constant 0 : i32
      %dma_wait3A_209 = tpu.memref_slice %arg3[%dma_wait3A_207, %dma_wait3A_208] : memref<10000x128xf32, #tpu.memory_space<hbm>> -> memref<10000x128xf32, #tpu.memory_space<hbm>>
      tpu.wait_indirect_dma semaphore(%arg14 : memref<!tpu.dma_semaphore, #tpu.memory_space<semaphore_mem>>) src(%dma_wait3A_209 : memref<10000x128xf32, #tpu.memory_space<hbm>>) dst(%dma_wait3A_203 : memref<128x128xf32, #tpu.memory_space<vmem>>)
      %add3A_210 = arith.constant 2 : i32
      %add3A_211 = arith.addi %add3A_175, %add3A_210 : i32
      %lt3A_212 = arith.cmpi slt, %add3A_211, %add3A_1 : i32
      %convert_element_type3A_213 = arith.extui %lt3A_212 : i1 to i32
      %cond3A_214 = arith.constant 0 : i32
      %cond3A_215 = arith.cmpi ne, %convert_element_type3A_213, %cond3A_214 : i32
      scf.if %cond3A_215 {
        %add3A_304 = arith.constant 2 : i32
        %add3A_305 = arith.addi %add3A_175, %add3A_304 : i32
        %add3A_306 = arith.addi %add3A_6, %add3A_305 : i32
        %dma_start3A_307 = arith.constant 0 : i32
        %dma_start3A_308 = arith.constant 0 : i32
        %dma_start3A_309 = tpu.memref_slice %arg7[%dma_start3A_307, %dma_start3A_308] : memref<2x128xi32, #tpu.memory_space<vmem>> -> memref<1x128xi32, #tpu.memory_space<vmem>>
        %dma_start3A_310 = tpu.memref_squeeze %dma_start3A_309 : memref<1x128xi32, #tpu.memory_space<vmem>> -> memref<128xi32, #tpu.memory_space<vmem>>
        %dma_start3A_311 = arith.constant 0 : i32
        %dma_start3A_312 = tpu.memref_slice %arg4[%add3A_306, %dma_start3A_311] : memref<2560x128xi32, #tpu.memory_space<hbm>> -> memref<1x128xi32, #tpu.memory_space<hbm>>
        %dma_start3A_313 = tpu.memref_squeeze %dma_start3A_312 : memref<1x128xi32, #tpu.memory_space<hbm>> -> memref<128xi32, #tpu.memory_space<hbm>>
        %dma_start3A_314 = arith.constant 0 : i32
        %dma_start3A_315 = tpu.memref_slice %arg7[%dma_start3A_307, %dma_start3A_314] : memref<2x128xi32, #tpu.memory_space<vmem>> -> memref<1x128xi32, #tpu.memory_space<vmem>>
        %dma_start3A_316 = tpu.memref_squeeze %dma_start3A_315 : memref<1x128xi32, #tpu.memory_space<vmem>> -> memref<128xi32, #tpu.memory_space<vmem>>
        %dma_start3A_317 = arith.constant 0 : i32
        %dma_start3A_318 = tpu.memref_slice %arg4[%add3A_306, %dma_start3A_317] : memref<2560x128xi32, #tpu.memory_space<hbm>> -> memref<1x128xi32, #tpu.memory_space<hbm>>
        %dma_start3A_319 = tpu.memref_squeeze %dma_start3A_318 : memref<1x128xi32, #tpu.memory_space<hbm>> -> memref<128xi32, #tpu.memory_space<hbm>>
        tpu.enqueue_dma source(%dma_start3A_319 : memref<128xi32, #tpu.memory_space<hbm>>) target(%dma_start3A_316 : memref<128xi32, #tpu.memory_space<vmem>>) target_semaphore(%arg12 : memref<!tpu.dma_semaphore, #tpu.memory_space<semaphore_mem>>)
        %add3A_320 = arith.addi %add3A_6, %add3A_305 : i32
        %dma_start3A_321 = arith.constant 0 : i32
        %dma_start3A_322 = arith.constant 0 : i32
        %dma_start3A_323 = tpu.memref_slice %arg8[%dma_start3A_321, %dma_start3A_322] : memref<2x128xi32, #tpu.memory_space<vmem>> -> memref<1x128xi32, #tpu.memory_space<vmem>>
        %dma_start3A_324 = tpu.memref_squeeze %dma_start3A_323 : memref<1x128xi32, #tpu.memory_space<vmem>> -> memref<128xi32, #tpu.memory_space<vmem>>
        %dma_start3A_325 = arith.constant 0 : i32
        %dma_start3A_326 = tpu.memref_slice %arg5[%add3A_320, %dma_start3A_325] : memref<2560x128xi32, #tpu.memory_space<hbm>> -> memref<1x128xi32, #tpu.memory_space<hbm>>
        %dma_start3A_327 = tpu.memref_squeeze %dma_start3A_326 : memref<1x128xi32, #tpu.memory_space<hbm>> -> memref<128xi32, #tpu.memory_space<hbm>>
        %dma_start3A_328 = arith.constant 0 : i32
        %dma_start3A_329 = tpu.memref_slice %arg8[%dma_start3A_321, %dma_start3A_328] : memref<2x128xi32, #tpu.memory_space<vmem>> -> memref<1x128xi32, #tpu.memory_space<vmem>>
        %dma_start3A_330 = tpu.memref_squeeze %dma_start3A_329 : memref<1x128xi32, #tpu.memory_space<vmem>> -> memref<128xi32, #tpu.memory_space<vmem>>
        %dma_start3A_331 = arith.constant 0 : i32
        %dma_start3A_332 = tpu.memref_slice %arg5[%add3A_320, %dma_start3A_331] : memref<2560x128xi32, #tpu.memory_space<hbm>> -> memref<1x128xi32, #tpu.memory_space<hbm>>
        %dma_start3A_333 = tpu.memref_squeeze %dma_start3A_332 : memref<1x128xi32, #tpu.memory_space<hbm>> -> memref<128xi32, #tpu.memory_space<hbm>>
        tpu.enqueue_dma source(%dma_start3A_333 : memref<128xi32, #tpu.memory_space<hbm>>) target(%dma_start3A_330 : memref<128xi32, #tpu.memory_space<vmem>>) target_semaphore(%arg12 : memref<!tpu.dma_semaphore, #tpu.memory_space<semaphore_mem>>)
      } else {
      }
      %scan3A = arith.constant 0 : i32
      %scan3A_216 = arith.constant 128 : i32
      %scan3A_217 = arith.addi %scan3A, %scan3A_216 : i32
      %scan3A_218 = arith.constant 1 : i32
      scf.for %scan3A_304 = %scan3A to %scan3A_217 step %scan3A_218  : i32 {
        %mul3A_305 = arith.constant 1 : i32
        %mul3A_306 = arith.muli %scan3A_304, %mul3A_305 : i32
        %add3A_307 = arith.constant 0 : i32
        %add3A_308 = arith.addi %add3A_307, %mul3A_306 : i32
        %get3A = arith.constant 0 : i32
        %get3A_309 = arith.index_cast %get3A : i32 to index
        %get3A_310 = arith.index_cast %add3A_308 : i32 to index
        %get3A_311 = arith.constant 0 : index
        %get3A_312 = tpu.vector_load %arg9[%get3A_309, %get3A_310, %get3A_311] {strides = array<i32>} : memref<2x128x128xf32, #tpu.memory_space<vmem>>, vector<16xf32>,
        %get3A_313 = arith.constant 0 : i32
        %get3A_314 = arith.index_cast %get3A_313 : i32 to index
        %get3A_315 = arith.index_cast %add3A_308 : i32 to index
        %get3A_316 = arith.constant 0 : index
        %get3A_317 = tpu.vector_load %arg10[%get3A_314, %get3A_315, %get3A_316] {strides = array<i32>} : memref<2x128x128xf32, #tpu.memory_space<vmem>>, vector<16xf32>,
        %add3A_318 = arith.addf %get3A_312, %get3A_317 : vector<16xf32>
        %get3A_319 = arith.constant 0 : i32
        %get3A_320 = arith.index_cast %get3A_319 : i32 to index
        %get3A_321 = arith.index_cast %add3A_308 : i32 to index
        %get3A_322 = arith.constant 64 : index
        %get3A_323 = tpu.vector_load %arg9[%get3A_320, %get3A_321, %get3A_322] {strides = array<i32>} : memref<2x128x128xf32, #tpu.memory_space<vmem>>, vector<16xf32>,
        %get3A_324 = arith.constant 0 : i32
        %get3A_325 = arith.index_cast %get3A_324 : i32 to index
        %get3A_326 = arith.index_cast %add3A_308 : i32 to index
        %get3A_327 = arith.constant 64 : index
        %get3A_328 = tpu.vector_load %arg10[%get3A_325, %get3A_326, %get3A_327] {strides = array<i32>} : memref<2x128x128xf32, #tpu.memory_space<vmem>>, vector<16xf32>,
        %add3A_329 = arith.addf %get3A_323, %get3A_328 : vector<16xf32>
        %bitcast3A = vector.bitcast %add3A_318 : vector<16xf32> to vector<16xi32>
        %shift_right_logical3A = arith.constant 16 : i32
        %shift_right_logical3A_330 = vector.broadcast %shift_right_logical3A : i32 to vector<16xi32>
        %shift_right_logical3A_331 = arith.shrui %bitcast3A, %shift_right_logical3A_330 : vector<16xi32>
        %and3A_332 = arith.constant 1 : i32
        %and3A_333 = vector.broadcast %and3A_332 : i32 to vector<16xi32>
        %and3A_334 = arith.andi %shift_right_logical3A_331, %and3A_333 : vector<16xi32>
        %add3A_335 = arith.addi %bitcast3A, %and3A_334 : vector<16xi32>
        %add3A_336 = arith.constant 32767 : i32
        %add3A_337 = vector.broadcast %add3A_336 : i32 to vector<16xi32>
        %add3A_338 = arith.addi %add3A_335, %add3A_337 : vector<16xi32>
        %shift_right_logical3A_339 = arith.constant 16 : i32
        %shift_right_logical3A_340 = vector.broadcast %shift_right_logical3A_339 : i32 to vector<16xi32>
        %shift_right_logical3A_341 = arith.shrui %add3A_338, %shift_right_logical3A_340 : vector<16xi32>
        %bitcast3A_342 = vector.bitcast %add3A_329 : vector<16xf32> to vector<16xi32>
        %shift_right_logical3A_343 = arith.constant 16 : i32
        %shift_right_logical3A_344 = vector.broadcast %shift_right_logical3A_343 : i32 to vector<16xi32>
        %shift_right_logical3A_345 = arith.shrui %bitcast3A_342, %shift_right_logical3A_344 : vector<16xi32>
        %and3A_346 = arith.constant 1 : i32
        %and3A_347 = vector.broadcast %and3A_346 : i32 to vector<16xi32>
        %and3A_348 = arith.andi %shift_right_logical3A_345, %and3A_347 : vector<16xi32>
        %add3A_349 = arith.addi %bitcast3A_342, %and3A_348 : vector<16xi32>
        %add3A_350 = arith.constant 32767 : i32
        %add3A_351 = vector.broadcast %add3A_350 : i32 to vector<16xi32>
        %add3A_352 = arith.addi %add3A_349, %add3A_351 : vector<16xi32>
        %shift_right_logical3A_353 = arith.constant 16 : i32
        %shift_right_logical3A_354 = vector.broadcast %shift_right_logical3A_353 : i32 to vector<16xi32>
        %shift_right_logical3A_355 = arith.shrui %add3A_352, %shift_right_logical3A_354 : vector<16xi32>
        %shift_left3A = arith.constant 16 : i32
        %shift_left3A_356 = vector.broadcast %shift_left3A : i32 to vector<16xi32>
        %shift_left3A_357 = arith.shli %shift_right_logical3A_355, %shift_left3A_356 : vector<16xi32>
        %or3A = arith.ori %shift_right_logical3A_341, %shift_left3A_357 : vector<16xi32>
        %bitcast3A_358 = vector.bitcast %or3A : vector<16xi32> to vector<16xi32>
        %swap3A = arith.constant 0 : i32
        %swap3A_359 = arith.index_cast %swap3A : i32 to index
        %swap3A_360 = arith.index_cast %add3A_308 : i32 to index
        %swap3A_361 = arith.constant 0 : index
        %swap3A_362 = tpu.vector_load %arg11[%swap3A_359, %swap3A_360, %swap3A_361] {strides = array<i32>} : memref<2x128x64xi32, #tpu.memory_space<vmem>>, vector<16xi32>,
        tpu.vector_store %arg11[%swap3A_359, %swap3A_360, %swap3A_361], %bitcast3A_358 {strides = array<i32>} : memref<2x128x64xi32, #tpu.memory_space<vmem>>, vector<16xi32>,
        %get3A_363 = arith.constant 0 : i32
        %get3A_364 = arith.index_cast %get3A_363 : i32 to index
        %get3A_365 = arith.index_cast %add3A_308 : i32 to index
        %get3A_366 = arith.constant 16 : index
        %get3A_367 = tpu.vector_load %arg9[%get3A_364, %get3A_365, %get3A_366] {strides = array<i32>} : memref<2x128x128xf32, #tpu.memory_space<vmem>>, vector<16xf32>,
        %get3A_368 = arith.constant 0 : i32
        %get3A_369 = arith.index_cast %get3A_368 : i32 to index
        %get3A_370 = arith.index_cast %add3A_308 : i32 to index
        %get3A_371 = arith.constant 16 : index
        %get3A_372 = tpu.vector_load %arg10[%get3A_369, %get3A_370, %get3A_371] {strides = array<i32>} : memref<2x128x128xf32, #tpu.memory_space<vmem>>, vector<16xf32>,
        %add3A_373 = arith.addf %get3A_367, %get3A_372 : vector<16xf32>
        %get3A_374 = arith.constant 0 : i32
        %get3A_375 = arith.index_cast %get3A_374 : i32 to index
        %get3A_376 = arith.index_cast %add3A_308 : i32 to index
        %get3A_377 = arith.constant 80 : index
        %get3A_378 = tpu.vector_load %arg9[%get3A_375, %get3A_376, %get3A_377] {strides = array<i32>} : memref<2x128x128xf32, #tpu.memory_space<vmem>>, vector<16xf32>,
        %get3A_379 = arith.constant 0 : i32
        %get3A_380 = arith.index_cast %get3A_379 : i32 to index
        %get3A_381 = arith.index_cast %add3A_308 : i32 to index
        %get3A_382 = arith.constant 80 : index
        %get3A_383 = tpu.vector_load %arg10[%get3A_380, %get3A_381, %get3A_382] {strides = array<i32>} : memref<2x128x128xf32, #tpu.memory_space<vmem>>, vector<16xf32>,
        %add3A_384 = arith.addf %get3A_378, %get3A_383 : vector<16xf32>
        %bitcast3A_385 = vector.bitcast %add3A_373 : vector<16xf32> to vector<16xi32>
        %shift_right_logical3A_386 = arith.constant 16 : i32
        %shift_right_logical3A_387 = vector.broadcast %shift_right_logical3A_386 : i32 to vector<16xi32>
        %shift_right_logical3A_388 = arith.shrui %bitcast3A_385, %shift_right_logical3A_387 : vector<16xi32>
        %and3A_389 = arith.constant 1 : i32
        %and3A_390 = vector.broadcast %and3A_389 : i32 to vector<16xi32>
        %and3A_391 = arith.andi %shift_right_logical3A_388, %and3A_390 : vector<16xi32>
        %add3A_392 = arith.addi %bitcast3A_385, %and3A_391 : vector<16xi32>
        %add3A_393 = arith.constant 32767 : i32
        %add3A_394 = vector.broadcast %add3A_393 : i32 to vector<16xi32>
        %add3A_395 = arith.addi %add3A_392, %add3A_394 : vector<16xi32>
        %shift_right_logical3A_396 = arith.constant 16 : i32
        %shift_right_logical3A_397 = vector.broadcast %shift_right_logical3A_396 : i32 to vector<16xi32>
        %shift_right_logical3A_398 = arith.shrui %add3A_395, %shift_right_logical3A_397 : vector<16xi32>
        %bitcast3A_399 = vector.bitcast %add3A_384 : vector<16xf32> to vector<16xi32>
        %shift_right_logical3A_400 = arith.constant 16 : i32
        %shift_right_logical3A_401 = vector.broadcast %shift_right_logical3A_400 : i32 to vector<16xi32>
        %shift_right_logical3A_402 = arith.shrui %bitcast3A_399, %shift_right_logical3A_401 : vector<16xi32>
        %and3A_403 = arith.constant 1 : i32
        %and3A_404 = vector.broadcast %and3A_403 : i32 to vector<16xi32>
        %and3A_405 = arith.andi %shift_right_logical3A_402, %and3A_404 : vector<16xi32>
        %add3A_406 = arith.addi %bitcast3A_399, %and3A_405 : vector<16xi32>
        %add3A_407 = arith.constant 32767 : i32
        %add3A_408 = vector.broadcast %add3A_407 : i32 to vector<16xi32>
        %add3A_409 = arith.addi %add3A_406, %add3A_408 : vector<16xi32>
        %shift_right_logical3A_410 = arith.constant 16 : i32
        %shift_right_logical3A_411 = vector.broadcast %shift_right_logical3A_410 : i32 to vector<16xi32>
        %shift_right_logical3A_412 = arith.shrui %add3A_409, %shift_right_logical3A_411 : vector<16xi32>
        %shift_left3A_413 = arith.constant 16 : i32
        %shift_left3A_414 = vector.broadcast %shift_left3A_413 : i32 to vector<16xi32>
        %shift_left3A_415 = arith.shli %shift_right_logical3A_412, %shift_left3A_414 : vector<16xi32>
        %or3A_416 = arith.ori %shift_right_logical3A_398, %shift_left3A_415 : vector<16xi32>
        %bitcast3A_417 = vector.bitcast %or3A_416 : vector<16xi32> to vector<16xi32>
        %swap3A_418 = arith.constant 0 : i32
        %swap3A_419 = arith.index_cast %swap3A_418 : i32 to index
        %swap3A_420 = arith.index_cast %add3A_308 : i32 to index
        %swap3A_421 = arith.constant 16 : index
        %swap3A_422 = tpu.vector_load %arg11[%swap3A_419, %swap3A_420, %swap3A_421] {strides = array<i32>} : memref<2x128x64xi32, #tpu.memory_space<vmem>>, vector<16xi32>,
        tpu.vector_store %arg11[%swap3A_419, %swap3A_420, %swap3A_421], %bitcast3A_417 {strides = array<i32>} : memref<2x128x64xi32, #tpu.memory_space<vmem>>, vector<16xi32>,
        %get3A_423 = arith.constant 0 : i32
        %get3A_424 = arith.index_cast %get3A_423 : i32 to index
        %get3A_425 = arith.index_cast %add3A_308 : i32 to index
        %get3A_426 = arith.constant 32 : index
        %get3A_427 = tpu.vector_load %arg9[%get3A_424, %get3A_425, %get3A_426] {strides = array<i32>} : memref<2x128x128xf32, #tpu.memory_space<vmem>>, vector<16xf32>,
        %get3A_428 = arith.constant 0 : i32
        %get3A_429 = arith.index_cast %get3A_428 : i32 to index
        %get3A_430 = arith.index_cast %add3A_308 : i32 to index
        %get3A_431 = arith.constant 32 : index
        %get3A_432 = tpu.vector_load %arg10[%get3A_429, %get3A_430, %get3A_431] {strides = array<i32>} : memref<2x128x128xf32, #tpu.memory_space<vmem>>, vector<16xf32>,
        %add3A_433 = arith.addf %get3A_427, %get3A_432 : vector<16xf32>
        %get3A_434 = arith.constant 0 : i32
        %get3A_435 = arith.index_cast %get3A_434 : i32 to index
        %get3A_436 = arith.index_cast %add3A_308 : i32 to index
        %get3A_437 = arith.constant 96 : index
        %get3A_438 = tpu.vector_load %arg9[%get3A_435, %get3A_436, %get3A_437] {strides = array<i32>} : memref<2x128x128xf32, #tpu.memory_space<vmem>>, vector<16xf32>,
        %get3A_439 = arith.constant 0 : i32
        %get3A_440 = arith.index_cast %get3A_439 : i32 to index
        %get3A_441 = arith.index_cast %add3A_308 : i32 to index
        %get3A_442 = arith.constant 96 : index
        %get3A_443 = tpu.vector_load %arg10[%get3A_440, %get3A_441, %get3A_442] {strides = array<i32>} : memref<2x128x128xf32, #tpu.memory_space<vmem>>, vector<16xf32>,
        %add3A_444 = arith.addf %get3A_438, %get3A_443 : vector<16xf32>
        %bitcast3A_445 = vector.bitcast %add3A_433 : vector<16xf32> to vector<16xi32>
        %shift_right_logical3A_446 = arith.constant 16 : i32
        %shift_right_logical3A_447 = vector.broadcast %shift_right_logical3A_446 : i32 to vector<16xi32>
        %shift_right_logical3A_448 = arith.shrui %bitcast3A_445, %shift_right_logical3A_447 : vector<16xi32>
        %and3A_449 = arith.constant 1 : i32
        %and3A_450 = vector.broadcast %and3A_449 : i32 to vector<16xi32>
        %and3A_451 = arith.andi %shift_right_logical3A_448, %and3A_450 : vector<16xi32>
        %add3A_452 = arith.addi %bitcast3A_445, %and3A_451 : vector<16xi32>
        %add3A_453 = arith.constant 32767 : i32
        %add3A_454 = vector.broadcast %add3A_453 : i32 to vector<16xi32>
        %add3A_455 = arith.addi %add3A_452, %add3A_454 : vector<16xi32>
        %shift_right_logical3A_456 = arith.constant 16 : i32
        %shift_right_logical3A_457 = vector.broadcast %shift_right_logical3A_456 : i32 to vector<16xi32>
        %shift_right_logical3A_458 = arith.shrui %add3A_455, %shift_right_logical3A_457 : vector<16xi32>
        %bitcast3A_459 = vector.bitcast %add3A_444 : vector<16xf32> to vector<16xi32>
        %shift_right_logical3A_460 = arith.constant 16 : i32
        %shift_right_logical3A_461 = vector.broadcast %shift_right_logical3A_460 : i32 to vector<16xi32>
        %shift_right_logical3A_462 = arith.shrui %bitcast3A_459, %shift_right_logical3A_461 : vector<16xi32>
        %and3A_463 = arith.constant 1 : i32
        %and3A_464 = vector.broadcast %and3A_463 : i32 to vector<16xi32>
        %and3A_465 = arith.andi %shift_right_logical3A_462, %and3A_464 : vector<16xi32>
        %add3A_466 = arith.addi %bitcast3A_459, %and3A_465 : vector<16xi32>
        %add3A_467 = arith.constant 32767 : i32
        %add3A_468 = vector.broadcast %add3A_467 : i32 to vector<16xi32>
        %add3A_469 = arith.addi %add3A_466, %add3A_468 : vector<16xi32>
        %shift_right_logical3A_470 = arith.constant 16 : i32
        %shift_right_logical3A_471 = vector.broadcast %shift_right_logical3A_470 : i32 to vector<16xi32>
        %shift_right_logical3A_472 = arith.shrui %add3A_469, %shift_right_logical3A_471 : vector<16xi32>
        %shift_left3A_473 = arith.constant 16 : i32
        %shift_left3A_474 = vector.broadcast %shift_left3A_473 : i32 to vector<16xi32>
        %shift_left3A_475 = arith.shli %shift_right_logical3A_472, %shift_left3A_474 : vector<16xi32>
        %or3A_476 = arith.ori %shift_right_logical3A_458, %shift_left3A_475 : vector<16xi32>
        %bitcast3A_477 = vector.bitcast %or3A_476 : vector<16xi32> to vector<16xi32>
        %swap3A_478 = arith.constant 0 : i32
        %swap3A_479 = arith.index_cast %swap3A_478 : i32 to index
        %swap3A_480 = arith.index_cast %add3A_308 : i32 to index
        %swap3A_481 = arith.constant 32 : index
        %swap3A_482 = tpu.vector_load %arg11[%swap3A_479, %swap3A_480, %swap3A_481] {strides = array<i32>} : memref<2x128x64xi32, #tpu.memory_space<vmem>>, vector<16xi32>,
        tpu.vector_store %arg11[%swap3A_479, %swap3A_480, %swap3A_481], %bitcast3A_477 {strides = array<i32>} : memref<2x128x64xi32, #tpu.memory_space<vmem>>, vector<16xi32>,
        %get3A_483 = arith.constant 0 : i32
        %get3A_484 = arith.index_cast %get3A_483 : i32 to index
        %get3A_485 = arith.index_cast %add3A_308 : i32 to index
        %get3A_486 = arith.constant 48 : index
        %get3A_487 = tpu.vector_load %arg9[%get3A_484, %get3A_485, %get3A_486] {strides = array<i32>} : memref<2x128x128xf32, #tpu.memory_space<vmem>>, vector<16xf32>,
        %get3A_488 = arith.constant 0 : i32
        %get3A_489 = arith.index_cast %get3A_488 : i32 to index
        %get3A_490 = arith.index_cast %add3A_308 : i32 to index
        %get3A_491 = arith.constant 48 : index
        %get3A_492 = tpu.vector_load %arg10[%get3A_489, %get3A_490, %get3A_491] {strides = array<i32>} : memref<2x128x128xf32, #tpu.memory_space<vmem>>, vector<16xf32>,
        %add3A_493 = arith.addf %get3A_487, %get3A_492 : vector<16xf32>
        %get3A_494 = arith.constant 0 : i32
        %get3A_495 = arith.index_cast %get3A_494 : i32 to index
        %get3A_496 = arith.index_cast %add3A_308 : i32 to index
        %get3A_497 = arith.constant 112 : index
        %get3A_498 = tpu.vector_load %arg9[%get3A_495, %get3A_496, %get3A_497] {strides = array<i32>} : memref<2x128x128xf32, #tpu.memory_space<vmem>>, vector<16xf32>,
        %get3A_499 = arith.constant 0 : i32
        %get3A_500 = arith.index_cast %get3A_499 : i32 to index
        %get3A_501 = arith.index_cast %add3A_308 : i32 to index
        %get3A_502 = arith.constant 112 : index
        %get3A_503 = tpu.vector_load %arg10[%get3A_500, %get3A_501, %get3A_502] {strides = array<i32>} : memref<2x128x128xf32, #tpu.memory_space<vmem>>, vector<16xf32>,
        %add3A_504 = arith.addf %get3A_498, %get3A_503 : vector<16xf32>
        %bitcast3A_505 = vector.bitcast %add3A_493 : vector<16xf32> to vector<16xi32>
        %shift_right_logical3A_506 = arith.constant 16 : i32
        %shift_right_logical3A_507 = vector.broadcast %shift_right_logical3A_506 : i32 to vector<16xi32>
        %shift_right_logical3A_508 = arith.shrui %bitcast3A_505, %shift_right_logical3A_507 : vector<16xi32>
        %and3A_509 = arith.constant 1 : i32
        %and3A_510 = vector.broadcast %and3A_509 : i32 to vector<16xi32>
        %and3A_511 = arith.andi %shift_right_logical3A_508, %and3A_510 : vector<16xi32>
        %add3A_512 = arith.addi %bitcast3A_505, %and3A_511 : vector<16xi32>
        %add3A_513 = arith.constant 32767 : i32
        %add3A_514 = vector.broadcast %add3A_513 : i32 to vector<16xi32>
        %add3A_515 = arith.addi %add3A_512, %add3A_514 : vector<16xi32>
        %shift_right_logical3A_516 = arith.constant 16 : i32
        %shift_right_logical3A_517 = vector.broadcast %shift_right_logical3A_516 : i32 to vector<16xi32>
        %shift_right_logical3A_518 = arith.shrui %add3A_515, %shift_right_logical3A_517 : vector<16xi32>
        %bitcast3A_519 = vector.bitcast %add3A_504 : vector<16xf32> to vector<16xi32>
        %shift_right_logical3A_520 = arith.constant 16 : i32
        %shift_right_logical3A_521 = vector.broadcast %shift_right_logical3A_520 : i32 to vector<16xi32>
        %shift_right_logical3A_522 = arith.shrui %bitcast3A_519, %shift_right_logical3A_521 : vector<16xi32>
        %and3A_523 = arith.constant 1 : i32
        %and3A_524 = vector.broadcast %and3A_523 : i32 to vector<16xi32>
        %and3A_525 = arith.andi %shift_right_logical3A_522, %and3A_524 : vector<16xi32>
        %add3A_526 = arith.addi %bitcast3A_519, %and3A_525 : vector<16xi32>
        %add3A_527 = arith.constant 32767 : i32
        %add3A_528 = vector.broadcast %add3A_527 : i32 to vector<16xi32>
        %add3A_529 = arith.addi %add3A_526, %add3A_528 : vector<16xi32>
        %shift_right_logical3A_530 = arith.constant 16 : i32
        %shift_right_logical3A_531 = vector.broadcast %shift_right_logical3A_530 : i32 to vector<16xi32>
        %shift_right_logical3A_532 = arith.shrui %add3A_529, %shift_right_logical3A_531 : vector<16xi32>
        %shift_left3A_533 = arith.constant 16 : i32
        %shift_left3A_534 = vector.broadcast %shift_left3A_533 : i32 to vector<16xi32>
        %shift_left3A_535 = arith.shli %shift_right_logical3A_532, %shift_left3A_534 : vector<16xi32>
        %or3A_536 = arith.ori %shift_right_logical3A_518, %shift_left3A_535 : vector<16xi32>
        %bitcast3A_537 = vector.bitcast %or3A_536 : vector<16xi32> to vector<16xi32>
        %swap3A_538 = arith.constant 0 : i32
        %swap3A_539 = arith.index_cast %swap3A_538 : i32 to index
        %swap3A_540 = arith.index_cast %add3A_308 : i32 to index
        %swap3A_541 = arith.constant 48 : index
        %swap3A_542 = tpu.vector_load %arg11[%swap3A_539, %swap3A_540, %swap3A_541] {strides = array<i32>} : memref<2x128x64xi32, #tpu.memory_space<vmem>>, vector<16xi32>,
        tpu.vector_store %arg11[%swap3A_539, %swap3A_540, %swap3A_541], %bitcast3A_537 {strides = array<i32>} : memref<2x128x64xi32, #tpu.memory_space<vmem>>, vector<16xi32>,
      }
      %scan3A_219 = arith.constant 128 : i32
      %add3A_220 = arith.addi %add3A_6, %add3A_175 : i32
      %mul3A_221 = arith.constant 128 : i32
      %mul3A_222 = arith.muli %add3A_220, %mul3A_221 : i32
      %dma_start3A_223 = arith.constant 0 : i32
      %dma_start3A_224 = arith.constant 0 : i32
      %dma_start3A_225 = arith.constant 0 : i32
      %dma_start3A_226 = tpu.memref_slice %arg11[%dma_start3A_223, %dma_start3A_224, %dma_start3A_225] : memref<2x128x64xi32, #tpu.memory_space<vmem>> -> memref<1x128x64xi32, #tpu.memory_space<vmem>>
      %dma_start3A_227 = tpu.memref_squeeze %dma_start3A_226 : memref<1x128x64xi32, #tpu.memory_space<vmem>> -> memref<128x64xi32, #tpu.memory_space<vmem>>
      %dma_start3A_228 = arith.constant 0 : i32
      %dma_start3A_229 = tpu.memref_slice %arg6[%mul3A_222, %dma_start3A_228] : memref<327680x64xi32, #tpu.memory_space<hbm>> -> memref<128x64xi32, #tpu.memory_space<hbm>>
      %dma_start3A_230 = arith.constant 0 : i32
      %dma_start3A_231 = tpu.memref_slice %arg6[%mul3A_222, %dma_start3A_230] : memref<327680x64xi32, #tpu.memory_space<hbm>> -> memref<128x64xi32, #tpu.memory_space<hbm>>
      %dma_start3A_232 = arith.constant 0 : i32
      %dma_start3A_233 = arith.constant 0 : i32
      %dma_start3A_234 = tpu.memref_slice %arg11[%dma_start3A_223, %dma_start3A_232, %dma_start3A_233] : memref<2x128x64xi32, #tpu.memory_space<vmem>> -> memref<1x128x64xi32, #tpu.memory_space<vmem>>
      %dma_start3A_235 = tpu.memref_squeeze %dma_start3A_234 : memref<1x128x64xi32, #tpu.memory_space<vmem>> -> memref<128x64xi32, #tpu.memory_space<vmem>>
      tpu.enqueue_dma source(%dma_start3A_235 : memref<128x64xi32, #tpu.memory_space<vmem>>) target(%dma_start3A_231 : memref<128x64xi32, #tpu.memory_space<hbm>>) target_semaphore(%arg16 : memref<!tpu.dma_semaphore, #tpu.memory_space<semaphore_mem>>)
      %add3A_236 = arith.constant 1 : i32
      %add3A_237 = arith.addi %add3A_173, %add3A_236 : i32
      %ge3A_238 = arith.constant 1 : i32
      %ge3A_239 = arith.cmpi sge, %add3A_237, %ge3A_238 : i32
      %add3A_240 = arith.constant 1 : i32
      %add3A_241 = arith.addi %add3A_237, %add3A_240 : i32
      %lt3A_242 = arith.cmpi slt, %add3A_241, %add3A_1 : i32
      %and3A_243 = arith.andi %ge3A_239, %lt3A_242 : i1
      %convert_element_type3A_244 = arith.extui %and3A_243 : i1 to i32
      %cond3A_245 = arith.constant 0 : i32
      %cond3A_246 = arith.cmpi ne, %convert_element_type3A_244, %cond3A_245 : i32
      scf.if %cond3A_246 {
        %sub3A_304 = arith.constant 1 : i32
        %sub3A_305 = arith.subi %add3A_237, %sub3A_304 : i32
        %add3A_306 = arith.addi %add3A_6, %sub3A_305 : i32
        %mul3A_307 = arith.constant 128 : i32
        %mul3A_308 = arith.muli %add3A_306, %mul3A_307 : i32
        %dma_wait3A_309 = arith.constant 0 : i32
        %dma_wait3A_310 = arith.constant 0 : i32
        %dma_wait3A_311 = arith.constant 0 : i32
        %dma_wait3A_312 = tpu.memref_slice %arg11[%dma_wait3A_309, %dma_wait3A_310, %dma_wait3A_311] : memref<2x128x64xi32, #tpu.memory_space<vmem>> -> memref<1x128x64xi32, #tpu.memory_space<vmem>>
        %dma_wait3A_313 = tpu.memref_squeeze %dma_wait3A_312 : memref<1x128x64xi32, #tpu.memory_space<vmem>> -> memref<128x64xi32, #tpu.memory_space<vmem>>
        %dma_wait3A_314 = arith.constant 0 : i32
        %dma_wait3A_315 = tpu.memref_slice %arg6[%mul3A_308, %dma_wait3A_314] : memref<327680x64xi32, #tpu.memory_space<hbm>> -> memref<128x64xi32, #tpu.memory_space<hbm>>
        %dma_wait3A_316 = arith.constant 0 : i32
        %dma_wait3A_317 = tpu.memref_slice %arg6[%mul3A_308, %dma_wait3A_316] : memref<327680x64xi32, #tpu.memory_space<hbm>> -> memref<128x64xi32, #tpu.memory_space<hbm>>
        %dma_wait3A_318 = arith.constant 0 : i32
        %dma_wait3A_319 = arith.constant 0 : i32
        %dma_wait3A_320 = tpu.memref_slice %arg11[%dma_wait3A_309, %dma_wait3A_318, %dma_wait3A_319] : memref<2x128x64xi32, #tpu.memory_space<vmem>> -> memref<1x128x64xi32, #tpu.memory_space<vmem>>
        %dma_wait3A_321 = tpu.memref_squeeze %dma_wait3A_320 : memref<1x128x64xi32, #tpu.memory_space<vmem>> -> memref<128x64xi32, #tpu.memory_space<vmem>>
        tpu.wait_dma2 semaphore(%arg16 : memref<!tpu.dma_semaphore, #tpu.memory_space<semaphore_mem>>) src(%dma_wait3A_321 : memref<128x64xi32, #tpu.memory_space<vmem>>) dst(%dma_wait3A_317 : memref<128x64xi32, #tpu.memory_space<hbm>>)
      } else {
      }
      %add3A_247 = arith.constant 1 : i32
      %add3A_248 = arith.addi %add3A_237, %add3A_247 : i32
      %lt3A_249 = arith.cmpi slt, %add3A_248, %add3A_1 : i32
      %convert_element_type3A_250 = arith.extui %lt3A_249 : i1 to i32
      %cond3A_251 = arith.constant 0 : i32
      %cond3A_252 = arith.cmpi ne, %convert_element_type3A_250, %cond3A_251 : i32
      scf.if %cond3A_252 {
        %add3A_304 = arith.constant 1 : i32
        %add3A_305 = arith.addi %add3A_237, %add3A_304 : i32
        %add3A_306 = arith.addi %add3A_6, %add3A_305 : i32
        %dma_wait3A_307 = arith.constant 0 : i32
        %dma_wait3A_308 = arith.constant 0 : i32
        %dma_wait3A_309 = tpu.memref_slice %arg7[%dma_wait3A_307, %dma_wait3A_308] : memref<2x128xi32, #tpu.memory_space<vmem>> -> memref<1x128xi32, #tpu.memory_space<vmem>>
        %dma_wait3A_310 = tpu.memref_squeeze %dma_wait3A_309 : memref<1x128xi32, #tpu.memory_space<vmem>> -> memref<128xi32, #tpu.memory_space<vmem>>
        %dma_wait3A_311 = arith.constant 0 : i32
        %dma_wait3A_312 = tpu.memref_slice %arg4[%add3A_306, %dma_wait3A_311] : memref<2560x128xi32, #tpu.memory_space<hbm>> -> memref<1x128xi32, #tpu.memory_space<hbm>>
        %dma_wait3A_313 = tpu.memref_squeeze %dma_wait3A_312 : memref<1x128xi32, #tpu.memory_space<hbm>> -> memref<128xi32, #tpu.memory_space<hbm>>
        %dma_wait3A_314 = arith.constant 0 : i32
        %dma_wait3A_315 = tpu.memref_slice %arg7[%dma_wait3A_307, %dma_wait3A_314] : memref<2x128xi32, #tpu.memory_space<vmem>> -> memref<1x128xi32, #tpu.memory_space<vmem>>
        %dma_wait3A_316 = tpu.memref_squeeze %dma_wait3A_315 : memref<1x128xi32, #tpu.memory_space<vmem>> -> memref<128xi32, #tpu.memory_space<vmem>>
        %dma_wait3A_317 = arith.constant 0 : i32
        %dma_wait3A_318 = tpu.memref_slice %arg4[%add3A_306, %dma_wait3A_317] : memref<2560x128xi32, #tpu.memory_space<hbm>> -> memref<1x128xi32, #tpu.memory_space<hbm>>
        %dma_wait3A_319 = tpu.memref_squeeze %dma_wait3A_318 : memref<1x128xi32, #tpu.memory_space<hbm>> -> memref<128xi32, #tpu.memory_space<hbm>>
        tpu.wait_dma2 semaphore(%arg12 : memref<!tpu.dma_semaphore, #tpu.memory_space<semaphore_mem>>) src(%dma_wait3A_319 : memref<128xi32, #tpu.memory_space<hbm>>) dst(%dma_wait3A_316 : memref<128xi32, #tpu.memory_space<vmem>>)
        %add3A_320 = arith.addi %add3A_6, %add3A_305 : i32
        %dma_wait3A_321 = arith.constant 0 : i32
        %dma_wait3A_322 = arith.constant 0 : i32
        %dma_wait3A_323 = tpu.memref_slice %arg8[%dma_wait3A_321, %dma_wait3A_322] : memref<2x128xi32, #tpu.memory_space<vmem>> -> memref<1x128xi32, #tpu.memory_space<vmem>>
        %dma_wait3A_324 = tpu.memref_squeeze %dma_wait3A_323 : memref<1x128xi32, #tpu.memory_space<vmem>> -> memref<128xi32, #tpu.memory_space<vmem>>
        %dma_wait3A_325 = arith.constant 0 : i32
        %dma_wait3A_326 = tpu.memref_slice %arg5[%add3A_320, %dma_wait3A_325] : memref<2560x128xi32, #tpu.memory_space<hbm>> -> memref<1x128xi32, #tpu.memory_space<hbm>>
        %dma_wait3A_327 = tpu.memref_squeeze %dma_wait3A_326 : memref<1x128xi32, #tpu.memory_space<hbm>> -> memref<128xi32, #tpu.memory_space<hbm>>
        %dma_wait3A_328 = arith.constant 0 : i32
        %dma_wait3A_329 = tpu.memref_slice %arg8[%dma_wait3A_321, %dma_wait3A_328] : memref<2x128xi32, #tpu.memory_space<vmem>> -> memref<1x128xi32, #tpu.memory_space<vmem>>
        %dma_wait3A_330 = tpu.memref_squeeze %dma_wait3A_329 : memref<1x128xi32, #tpu.memory_space<vmem>> -> memref<128xi32, #tpu.memory_space<vmem>>
        %dma_wait3A_331 = arith.constant 0 : i32
        %dma_wait3A_332 = tpu.memref_slice %arg5[%add3A_320, %dma_wait3A_331] : memref<2560x128xi32, #tpu.memory_space<hbm>> -> memref<1x128xi32, #tpu.memory_space<hbm>>
        %dma_wait3A_333 = tpu.memref_squeeze %dma_wait3A_332 : memref<1x128xi32, #tpu.memory_space<hbm>> -> memref<128xi32, #tpu.memory_space<hbm>>
        tpu.wait_dma2 semaphore(%arg12 : memref<!tpu.dma_semaphore, #tpu.memory_space<semaphore_mem>>) src(%dma_wait3A_333 : memref<128xi32, #tpu.memory_space<hbm>>) dst(%dma_wait3A_330 : memref<128xi32, #tpu.memory_space<vmem>>)
        %dma_start3A_334 = arith.constant 0 : i32
        %dma_start3A_335 = arith.constant 0 : i32
        %dma_start3A_336 = arith.constant 0 : i32
        %dma_start3A_337 = arith.constant 0 : i32
        %dma_start3A_338 = tpu.memref_slice %arg9[%dma_start3A_335, %dma_start3A_336, %dma_start3A_337] : memref<2x128x128xf32, #tpu.memory_space<vmem>> -> memref<1x128x128xf32, #tpu.memory_space<vmem>>
        %dma_start3A_339 = tpu.memref_squeeze %dma_start3A_338 : memref<1x128x128xf32, #tpu.memory_space<vmem>> -> memref<128x128xf32, #tpu.memory_space<vmem>>
        %dma_start3A_340 = arith.constant 0 : i32
        %dma_start3A_341 = tpu.memref_slice %arg7[%dma_start3A_334, %dma_start3A_340] : memref<2x128xi32, #tpu.memory_space<vmem>> -> memref<1x128xi32, #tpu.memory_space<vmem>>
        %dma_start3A_342 = tpu.memref_squeeze %dma_start3A_341 : memref<1x128xi32, #tpu.memory_space<vmem>> -> memref<128xi32, #tpu.memory_space<vmem>>
        %dma_start3A_343 = arith.constant 0 : i32
        %dma_start3A_344 = arith.constant 0 : i32
        %dma_start3A_345 = tpu.memref_slice %arg2[%dma_start3A_343, %dma_start3A_344] : memref<10000x128xf32, #tpu.memory_space<hbm>> -> memref<10000x128xf32, #tpu.memory_space<hbm>>
        tpu.enqueue_indirect_dma source(%dma_start3A_345 : memref<10000x128xf32, #tpu.memory_space<hbm>>) target(%dma_start3A_339 : memref<128x128xf32, #tpu.memory_space<vmem>>) offsets(%dma_start3A_342 : memref<128xi32, #tpu.memory_space<vmem>>) semaphore(%arg14 : memref<!tpu.dma_semaphore, #tpu.memory_space<semaphore_mem>>)
        %dma_start3A_346 = arith.constant 0 : i32
        %dma_start3A_347 = arith.constant 0 : i32
        %dma_start3A_348 = arith.constant 0 : i32
        %dma_start3A_349 = arith.constant 0 : i32
        %dma_start3A_350 = tpu.memref_slice %arg10[%dma_start3A_347, %dma_start3A_348, %dma_start3A_349] : memref<2x128x128xf32, #tpu.memory_space<vmem>> -> memref<1x128x128xf32, #tpu.memory_space<vmem>>
        %dma_start3A_351 = tpu.memref_squeeze %dma_start3A_350 : memref<1x128x128xf32, #tpu.memory_space<vmem>> -> memref<128x128xf32, #tpu.memory_space<vmem>>
        %dma_start3A_352 = arith.constant 0 : i32
        %dma_start3A_353 = tpu.memref_slice %arg8[%dma_start3A_346, %dma_start3A_352] : memref<2x128xi32, #tpu.memory_space<vmem>> -> memref<1x128xi32, #tpu.memory_space<vmem>>
        %dma_start3A_354 = tpu.memref_squeeze %dma_start3A_353 : memref<1x128xi32, #tpu.memory_space<vmem>> -> memref<128xi32, #tpu.memory_space<vmem>>
        %dma_start3A_355 = arith.constant 0 : i32
        %dma_start3A_356 = arith.constant 0 : i32
        %dma_start3A_357 = tpu.memref_slice %arg3[%dma_start3A_355, %dma_start3A_356] : memref<10000x128xf32, #tpu.memory_space<hbm>> -> memref<10000x128xf32, #tpu.memory_space<hbm>>
        tpu.enqueue_indirect_dma source(%dma_start3A_357 : memref<10000x128xf32, #tpu.memory_space<hbm>>) target(%dma_start3A_351 : memref<128x128xf32, #tpu.memory_space<vmem>>) offsets(%dma_start3A_354 : memref<128xi32, #tpu.memory_space<vmem>>) semaphore(%arg14 : memref<!tpu.dma_semaphore, #tpu.memory_space<semaphore_mem>>)
      } else {
      }
      %dma_wait3A_253 = arith.constant 1 : i32
      %dma_wait3A_254 = arith.constant 1 : i32
      %dma_wait3A_255 = arith.constant 0 : i32
      %dma_wait3A_256 = arith.constant 0 : i32
      %dma_wait3A_257 = tpu.memref_slice %arg9[%dma_wait3A_254, %dma_wait3A_255, %dma_wait3A_256] : memref<2x128x128xf32, #tpu.memory_space<vmem>> -> memref<1x128x128xf32, #tpu.memory_space<vmem>>
      %dma_wait3A_258 = tpu.memref_squeeze %dma_wait3A_257 : memref<1x128x128xf32, #tpu.memory_space<vmem>> -> memref<128x128xf32, #tpu.memory_space<vmem>>
      %dma_wait3A_259 = arith.constant 0 : i32
      %dma_wait3A_260 = tpu.memref_slice %arg7[%dma_wait3A_253, %dma_wait3A_259] : memref<2x128xi32, #tpu.memory_space<vmem>> -> memref<1x128xi32, #tpu.memory_space<vmem>>
      %dma_wait3A_261 = tpu.memref_squeeze %dma_wait3A_260 : memref<1x128xi32, #tpu.memory_space<vmem>> -> memref<128xi32, #tpu.memory_space<vmem>>
      %dma_wait3A_262 = arith.constant 0 : i32
      %dma_wait3A_263 = arith.constant 0 : i32
      %dma_wait3A_264 = tpu.memref_slice %arg2[%dma_wait3A_262, %dma_wait3A_263] : memref<10000x128xf32, #tpu.memory_space<hbm>> -> memref<10000x128xf32, #tpu.memory_space<hbm>>
      tpu.wait_indirect_dma semaphore(%arg15 : memref<!tpu.dma_semaphore, #tpu.memory_space<semaphore_mem>>) src(%dma_wait3A_264 : memref<10000x128xf32, #tpu.memory_space<hbm>>) dst(%dma_wait3A_258 : memref<128x128xf32, #tpu.memory_space<vmem>>)
      %dma_wait3A_265 = arith.constant 1 : i32
      %dma_wait3A_266 = arith.constant 1 : i32
      %dma_wait3A_267 = arith.constant 0 : i32
      %dma_wait3A_268 = arith.constant 0 : i32
      %dma_wait3A_269 = tpu.memref_slice %arg10[%dma_wait3A_266, %dma_wait3A_267, %dma_wait3A_268] : memref<2x128x128xf32, #tpu.memory_space<vmem>> -> memref<1x128x128xf32, #tpu.memory_space<vmem>>
      %dma_wait3A_270 = tpu.memref_squeeze %dma_wait3A_269 : memref<1x128x128xf32, #tpu.memory_space<vmem>> -> memref<128x128xf32, #tpu.memory_space<vmem>>
      %dma_wait3A_271 = arith.constant 0 : i32
      %dma_wait3A_272 = tpu.memref_slice %arg8[%dma_wait3A_265, %dma_wait3A_271] : memref<2x128xi32, #tpu.memory_space<vmem>> -> memref<1x128xi32, #tpu.memory_space<vmem>>
      %dma_wait3A_273 = tpu.memref_squeeze %dma_wait3A_272 : memref<1x128xi32, #tpu.memory_space<vmem>> -> memref<128xi32, #tpu.memory_space<vmem>>
      %dma_wait3A_274 = arith.constant 0 : i32
      %dma_wait3A_275 = arith.constant 0 : i32
      %dma_wait3A_276 = tpu.memref_slice %arg3[%dma_wait3A_274, %dma_wait3A_275] : memref<10000x128xf32, #tpu.memory_space<hbm>> -> memref<10000x128xf32, #tpu.memory_space<hbm>>
      tpu.wait_indirect_dma semaphore(%arg15 : memref<!tpu.dma_semaphore, #tpu.memory_space<semaphore_mem>>) src(%dma_wait3A_276 : memref<10000x128xf32, #tpu.memory_space<hbm>>) dst(%dma_wait3A_270 : memref<128x128xf32, #tpu.memory_space<vmem>>)
      %add3A_277 = arith.constant 2 : i32
      %add3A_278 = arith.addi %add3A_237, %add3A_277 : i32
      %lt3A_279 = arith.cmpi slt, %add3A_278, %add3A_1 : i32
      %convert_element_type3A_280 = arith.extui %lt3A_279 : i1 to i32
      %cond3A_281 = arith.constant 0 : i32
      %cond3A_282 = arith.cmpi ne, %convert_element_type3A_280, %cond3A_281 : i32
      scf.if %cond3A_282 {
        %add3A_304 = arith.constant 2 : i32
        %add3A_305 = arith.addi %add3A_237, %add3A_304 : i32
        %add3A_306 = arith.addi %add3A_6, %add3A_305 : i32
        %dma_start3A_307 = arith.constant 1 : i32
        %dma_start3A_308 = arith.constant 0 : i32
        %dma_start3A_309 = tpu.memref_slice %arg7[%dma_start3A_307, %dma_start3A_308] : memref<2x128xi32, #tpu.memory_space<vmem>> -> memref<1x128xi32, #tpu.memory_space<vmem>>
        %dma_start3A_310 = tpu.memref_squeeze %dma_start3A_309 : memref<1x128xi32, #tpu.memory_space<vmem>> -> memref<128xi32, #tpu.memory_space<vmem>>
        %dma_start3A_311 = arith.constant 0 : i32
        %dma_start3A_312 = tpu.memref_slice %arg4[%add3A_306, %dma_start3A_311] : memref<2560x128xi32, #tpu.memory_space<hbm>> -> memref<1x128xi32, #tpu.memory_space<hbm>>
        %dma_start3A_313 = tpu.memref_squeeze %dma_start3A_312 : memref<1x128xi32, #tpu.memory_space<hbm>> -> memref<128xi32, #tpu.memory_space<hbm>>
        %dma_start3A_314 = arith.constant 0 : i32
        %dma_start3A_315 = tpu.memref_slice %arg7[%dma_start3A_307, %dma_start3A_314] : memref<2x128xi32, #tpu.memory_space<vmem>> -> memref<1x128xi32, #tpu.memory_space<vmem>>
        %dma_start3A_316 = tpu.memref_squeeze %dma_start3A_315 : memref<1x128xi32, #tpu.memory_space<vmem>> -> memref<128xi32, #tpu.memory_space<vmem>>
        %dma_start3A_317 = arith.constant 0 : i32
        %dma_start3A_318 = tpu.memref_slice %arg4[%add3A_306, %dma_start3A_317] : memref<2560x128xi32, #tpu.memory_space<hbm>> -> memref<1x128xi32, #tpu.memory_space<hbm>>
        %dma_start3A_319 = tpu.memref_squeeze %dma_start3A_318 : memref<1x128xi32, #tpu.memory_space<hbm>> -> memref<128xi32, #tpu.memory_space<hbm>>
        tpu.enqueue_dma source(%dma_start3A_319 : memref<128xi32, #tpu.memory_space<hbm>>) target(%dma_start3A_316 : memref<128xi32, #tpu.memory_space<vmem>>) target_semaphore(%arg13 : memref<!tpu.dma_semaphore, #tpu.memory_space<semaphore_mem>>)
        %add3A_320 = arith.addi %add3A_6, %add3A_305 : i32
        %dma_start3A_321 = arith.constant 1 : i32
        %dma_start3A_322 = arith.constant 0 : i32
        %dma_start3A_323 = tpu.memref_slice %arg8[%dma_start3A_321, %dma_start3A_322] : memref<2x128xi32, #tpu.memory_space<vmem>> -> memref<1x128xi32, #tpu.memory_space<vmem>>
        %dma_start3A_324 = tpu.memref_squeeze %dma_start3A_323 : memref<1x128xi32, #tpu.memory_space<vmem>> -> memref<128xi32, #tpu.memory_space<vmem>>
        %dma_start3A_325 = arith.constant 0 : i32
        %dma_start3A_326 = tpu.memref_slice %arg5[%add3A_320, %dma_start3A_325] : memref<2560x128xi32, #tpu.memory_space<hbm>> -> memref<1x128xi32, #tpu.memory_space<hbm>>
        %dma_start3A_327 = tpu.memref_squeeze %dma_start3A_326 : memref<1x128xi32, #tpu.memory_space<hbm>> -> memref<128xi32, #tpu.memory_space<hbm>>
        %dma_start3A_328 = arith.constant 0 : i32
        %dma_start3A_329 = tpu.memref_slice %arg8[%dma_start3A_321, %dma_start3A_328] : memref<2x128xi32, #tpu.memory_space<vmem>> -> memref<1x128xi32, #tpu.memory_space<vmem>>
        %dma_start3A_330 = tpu.memref_squeeze %dma_start3A_329 : memref<1x128xi32, #tpu.memory_space<vmem>> -> memref<128xi32, #tpu.memory_space<vmem>>
        %dma_start3A_331 = arith.constant 0 : i32
        %dma_start3A_332 = tpu.memref_slice %arg5[%add3A_320, %dma_start3A_331] : memref<2560x128xi32, #tpu.memory_space<hbm>> -> memref<1x128xi32, #tpu.memory_space<hbm>>
        %dma_start3A_333 = tpu.memref_squeeze %dma_start3A_332 : memref<1x128xi32, #tpu.memory_space<hbm>> -> memref<128xi32, #tpu.memory_space<hbm>>
        tpu.enqueue_dma source(%dma_start3A_333 : memref<128xi32, #tpu.memory_space<hbm>>) target(%dma_start3A_330 : memref<128xi32, #tpu.memory_space<vmem>>) target_semaphore(%arg13 : memref<!tpu.dma_semaphore, #tpu.memory_space<semaphore_mem>>)
      } else {
      }
      %scan3A_283 = arith.constant 0 : i32
      %scan3A_284 = arith.constant 128 : i32
      %scan3A_285 = arith.addi %scan3A_283, %scan3A_284 : i32
      %scan3A_286 = arith.constant 1 : i32
      scf.for %scan3A_304 = %scan3A_283 to %scan3A_285 step %scan3A_286  : i32 {
        %mul3A_305 = arith.constant 1 : i32
        %mul3A_306 = arith.muli %scan3A_304, %mul3A_305 : i32
        %add3A_307 = arith.constant 0 : i32
        %add3A_308 = arith.addi %add3A_307, %mul3A_306 : i32
        %get3A = arith.constant 1 : i32
        %get3A_309 = arith.index_cast %get3A : i32 to index
        %get3A_310 = arith.index_cast %add3A_308 : i32 to index
        %get3A_311 = arith.constant 0 : index
        %get3A_312 = tpu.vector_load %arg9[%get3A_309, %get3A_310, %get3A_311] {strides = array<i32>} : memref<2x128x128xf32, #tpu.memory_space<vmem>>, vector<16xf32>,
        %get3A_313 = arith.constant 1 : i32
        %get3A_314 = arith.index_cast %get3A_313 : i32 to index
        %get3A_315 = arith.index_cast %add3A_308 : i32 to index
        %get3A_316 = arith.constant 0 : index
        %get3A_317 = tpu.vector_load %arg10[%get3A_314, %get3A_315, %get3A_316] {strides = array<i32>} : memref<2x128x128xf32, #tpu.memory_space<vmem>>, vector<16xf32>,
        %add3A_318 = arith.addf %get3A_312, %get3A_317 : vector<16xf32>
        %get3A_319 = arith.constant 1 : i32
        %get3A_320 = arith.index_cast %get3A_319 : i32 to index
        %get3A_321 = arith.index_cast %add3A_308 : i32 to index
        %get3A_322 = arith.constant 64 : index
        %get3A_323 = tpu.vector_load %arg9[%get3A_320, %get3A_321, %get3A_322] {strides = array<i32>} : memref<2x128x128xf32, #tpu.memory_space<vmem>>, vector<16xf32>,
        %get3A_324 = arith.constant 1 : i32
        %get3A_325 = arith.index_cast %get3A_324 : i32 to index
        %get3A_326 = arith.index_cast %add3A_308 : i32 to index
        %get3A_327 = arith.constant 64 : index
        %get3A_328 = tpu.vector_load %arg10[%get3A_325, %get3A_326, %get3A_327] {strides = array<i32>} : memref<2x128x128xf32, #tpu.memory_space<vmem>>, vector<16xf32>,
        %add3A_329 = arith.addf %get3A_323, %get3A_328 : vector<16xf32>
        %bitcast3A = vector.bitcast %add3A_318 : vector<16xf32> to vector<16xi32>
        %shift_right_logical3A = arith.constant 16 : i32
        %shift_right_logical3A_330 = vector.broadcast %shift_right_logical3A : i32 to vector<16xi32>
        %shift_right_logical3A_331 = arith.shrui %bitcast3A, %shift_right_logical3A_330 : vector<16xi32>
        %and3A_332 = arith.constant 1 : i32
        %and3A_333 = vector.broadcast %and3A_332 : i32 to vector<16xi32>
        %and3A_334 = arith.andi %shift_right_logical3A_331, %and3A_333 : vector<16xi32>
        %add3A_335 = arith.addi %bitcast3A, %and3A_334 : vector<16xi32>
        %add3A_336 = arith.constant 32767 : i32
        %add3A_337 = vector.broadcast %add3A_336 : i32 to vector<16xi32>
        %add3A_338 = arith.addi %add3A_335, %add3A_337 : vector<16xi32>
        %shift_right_logical3A_339 = arith.constant 16 : i32
        %shift_right_logical3A_340 = vector.broadcast %shift_right_logical3A_339 : i32 to vector<16xi32>
        %shift_right_logical3A_341 = arith.shrui %add3A_338, %shift_right_logical3A_340 : vector<16xi32>
        %bitcast3A_342 = vector.bitcast %add3A_329 : vector<16xf32> to vector<16xi32>
        %shift_right_logical3A_343 = arith.constant 16 : i32
        %shift_right_logical3A_344 = vector.broadcast %shift_right_logical3A_343 : i32 to vector<16xi32>
        %shift_right_logical3A_345 = arith.shrui %bitcast3A_342, %shift_right_logical3A_344 : vector<16xi32>
        %and3A_346 = arith.constant 1 : i32
        %and3A_347 = vector.broadcast %and3A_346 : i32 to vector<16xi32>
        %and3A_348 = arith.andi %shift_right_logical3A_345, %and3A_347 : vector<16xi32>
        %add3A_349 = arith.addi %bitcast3A_342, %and3A_348 : vector<16xi32>
        %add3A_350 = arith.constant 32767 : i32
        %add3A_351 = vector.broadcast %add3A_350 : i32 to vector<16xi32>
        %add3A_352 = arith.addi %add3A_349, %add3A_351 : vector<16xi32>
        %shift_right_logical3A_353 = arith.constant 16 : i32
        %shift_right_logical3A_354 = vector.broadcast %shift_right_logical3A_353 : i32 to vector<16xi32>
        %shift_right_logical3A_355 = arith.shrui %add3A_352, %shift_right_logical3A_354 : vector<16xi32>
        %shift_left3A = arith.constant 16 : i32
        %shift_left3A_356 = vector.broadcast %shift_left3A : i32 to vector<16xi32>
        %shift_left3A_357 = arith.shli %shift_right_logical3A_355, %shift_left3A_356 : vector<16xi32>
        %or3A = arith.ori %shift_right_logical3A_341, %shift_left3A_357 : vector<16xi32>
        %bitcast3A_358 = vector.bitcast %or3A : vector<16xi32> to vector<16xi32>
        %swap3A = arith.constant 1 : i32
        %swap3A_359 = arith.index_cast %swap3A : i32 to index
        %swap3A_360 = arith.index_cast %add3A_308 : i32 to index
        %swap3A_361 = arith.constant 0 : index
        %swap3A_362 = tpu.vector_load %arg11[%swap3A_359, %swap3A_360, %swap3A_361] {strides = array<i32>} : memref<2x128x64xi32, #tpu.memory_space<vmem>>, vector<16xi32>,
        tpu.vector_store %arg11[%swap3A_359, %swap3A_360, %swap3A_361], %bitcast3A_358 {strides = array<i32>} : memref<2x128x64xi32, #tpu.memory_space<vmem>>, vector<16xi32>,
        %get3A_363 = arith.constant 1 : i32
        %get3A_364 = arith.index_cast %get3A_363 : i32 to index
        %get3A_365 = arith.index_cast %add3A_308 : i32 to index
        %get3A_366 = arith.constant 16 : index
        %get3A_367 = tpu.vector_load %arg9[%get3A_364, %get3A_365, %get3A_366] {strides = array<i32>} : memref<2x128x128xf32, #tpu.memory_space<vmem>>, vector<16xf32>,
        %get3A_368 = arith.constant 1 : i32
        %get3A_369 = arith.index_cast %get3A_368 : i32 to index
        %get3A_370 = arith.index_cast %add3A_308 : i32 to index
        %get3A_371 = arith.constant 16 : index
        %get3A_372 = tpu.vector_load %arg10[%get3A_369, %get3A_370, %get3A_371] {strides = array<i32>} : memref<2x128x128xf32, #tpu.memory_space<vmem>>, vector<16xf32>,
        %add3A_373 = arith.addf %get3A_367, %get3A_372 : vector<16xf32>
        %get3A_374 = arith.constant 1 : i32
        %get3A_375 = arith.index_cast %get3A_374 : i32 to index
        %get3A_376 = arith.index_cast %add3A_308 : i32 to index
        %get3A_377 = arith.constant 80 : index
        %get3A_378 = tpu.vector_load %arg9[%get3A_375, %get3A_376, %get3A_377] {strides = array<i32>} : memref<2x128x128xf32, #tpu.memory_space<vmem>>, vector<16xf32>,
        %get3A_379 = arith.constant 1 : i32
        %get3A_380 = arith.index_cast %get3A_379 : i32 to index
        %get3A_381 = arith.index_cast %add3A_308 : i32 to index
        %get3A_382 = arith.constant 80 : index
        %get3A_383 = tpu.vector_load %arg10[%get3A_380, %get3A_381, %get3A_382] {strides = array<i32>} : memref<2x128x128xf32, #tpu.memory_space<vmem>>, vector<16xf32>,
        %add3A_384 = arith.addf %get3A_378, %get3A_383 : vector<16xf32>
        %bitcast3A_385 = vector.bitcast %add3A_373 : vector<16xf32> to vector<16xi32>
        %shift_right_logical3A_386 = arith.constant 16 : i32
        %shift_right_logical3A_387 = vector.broadcast %shift_right_logical3A_386 : i32 to vector<16xi32>
        %shift_right_logical3A_388 = arith.shrui %bitcast3A_385, %shift_right_logical3A_387 : vector<16xi32>
        %and3A_389 = arith.constant 1 : i32
        %and3A_390 = vector.broadcast %and3A_389 : i32 to vector<16xi32>
        %and3A_391 = arith.andi %shift_right_logical3A_388, %and3A_390 : vector<16xi32>
        %add3A_392 = arith.addi %bitcast3A_385, %and3A_391 : vector<16xi32>
        %add3A_393 = arith.constant 32767 : i32
        %add3A_394 = vector.broadcast %add3A_393 : i32 to vector<16xi32>
        %add3A_395 = arith.addi %add3A_392, %add3A_394 : vector<16xi32>
        %shift_right_logical3A_396 = arith.constant 16 : i32
        %shift_right_logical3A_397 = vector.broadcast %shift_right_logical3A_396 : i32 to vector<16xi32>
        %shift_right_logical3A_398 = arith.shrui %add3A_395, %shift_right_logical3A_397 : vector<16xi32>
        %bitcast3A_399 = vector.bitcast %add3A_384 : vector<16xf32> to vector<16xi32>
        %shift_right_logical3A_400 = arith.constant 16 : i32
        %shift_right_logical3A_401 = vector.broadcast %shift_right_logical3A_400 : i32 to vector<16xi32>
        %shift_right_logical3A_402 = arith.shrui %bitcast3A_399, %shift_right_logical3A_401 : vector<16xi32>
        %and3A_403 = arith.constant 1 : i32
        %and3A_404 = vector.broadcast %and3A_403 : i32 to vector<16xi32>
        %and3A_405 = arith.andi %shift_right_logical3A_402, %and3A_404 : vector<16xi32>
        %add3A_406 = arith.addi %bitcast3A_399, %and3A_405 : vector<16xi32>
        %add3A_407 = arith.constant 32767 : i32
        %add3A_408 = vector.broadcast %add3A_407 : i32 to vector<16xi32>
        %add3A_409 = arith.addi %add3A_406, %add3A_408 : vector<16xi32>
        %shift_right_logical3A_410 = arith.constant 16 : i32
        %shift_right_logical3A_411 = vector.broadcast %shift_right_logical3A_410 : i32 to vector<16xi32>
        %shift_right_logical3A_412 = arith.shrui %add3A_409, %shift_right_logical3A_411 : vector<16xi32>
        %shift_left3A_413 = arith.constant 16 : i32
        %shift_left3A_414 = vector.broadcast %shift_left3A_413 : i32 to vector<16xi32>
        %shift_left3A_415 = arith.shli %shift_right_logical3A_412, %shift_left3A_414 : vector<16xi32>
        %or3A_416 = arith.ori %shift_right_logical3A_398, %shift_left3A_415 : vector<16xi32>
        %bitcast3A_417 = vector.bitcast %or3A_416 : vector<16xi32> to vector<16xi32>
        %swap3A_418 = arith.constant 1 : i32
        %swap3A_419 = arith.index_cast %swap3A_418 : i32 to index
        %swap3A_420 = arith.index_cast %add3A_308 : i32 to index
        %swap3A_421 = arith.constant 16 : index
        %swap3A_422 = tpu.vector_load %arg11[%swap3A_419, %swap3A_420, %swap3A_421] {strides = array<i32>} : memref<2x128x64xi32, #tpu.memory_space<vmem>>, vector<16xi32>,
        tpu.vector_store %arg11[%swap3A_419, %swap3A_420, %swap3A_421], %bitcast3A_417 {strides = array<i32>} : memref<2x128x64xi32, #tpu.memory_space<vmem>>, vector<16xi32>,
        %get3A_423 = arith.constant 1 : i32
        %get3A_424 = arith.index_cast %get3A_423 : i32 to index
        %get3A_425 = arith.index_cast %add3A_308 : i32 to index
        %get3A_426 = arith.constant 32 : index
        %get3A_427 = tpu.vector_load %arg9[%get3A_424, %get3A_425, %get3A_426] {strides = array<i32>} : memref<2x128x128xf32, #tpu.memory_space<vmem>>, vector<16xf32>,
        %get3A_428 = arith.constant 1 : i32
        %get3A_429 = arith.index_cast %get3A_428 : i32 to index
        %get3A_430 = arith.index_cast %add3A_308 : i32 to index
        %get3A_431 = arith.constant 32 : index
        %get3A_432 = tpu.vector_load %arg10[%get3A_429, %get3A_430, %get3A_431] {strides = array<i32>} : memref<2x128x128xf32, #tpu.memory_space<vmem>>, vector<16xf32>,
        %add3A_433 = arith.addf %get3A_427, %get3A_432 : vector<16xf32>
        %get3A_434 = arith.constant 1 : i32
        %get3A_435 = arith.index_cast %get3A_434 : i32 to index
        %get3A_436 = arith.index_cast %add3A_308 : i32 to index
        %get3A_437 = arith.constant 96 : index
        %get3A_438 = tpu.vector_load %arg9[%get3A_435, %get3A_436, %get3A_437] {strides = array<i32>} : memref<2x128x128xf32, #tpu.memory_space<vmem>>, vector<16xf32>,
        %get3A_439 = arith.constant 1 : i32
        %get3A_440 = arith.index_cast %get3A_439 : i32 to index
        %get3A_441 = arith.index_cast %add3A_308 : i32 to index
        %get3A_442 = arith.constant 96 : index
        %get3A_443 = tpu.vector_load %arg10[%get3A_440, %get3A_441, %get3A_442] {strides = array<i32>} : memref<2x128x128xf32, #tpu.memory_space<vmem>>, vector<16xf32>,
        %add3A_444 = arith.addf %get3A_438, %get3A_443 : vector<16xf32>
        %bitcast3A_445 = vector.bitcast %add3A_433 : vector<16xf32> to vector<16xi32>
        %shift_right_logical3A_446 = arith.constant 16 : i32
        %shift_right_logical3A_447 = vector.broadcast %shift_right_logical3A_446 : i32 to vector<16xi32>
        %shift_right_logical3A_448 = arith.shrui %bitcast3A_445, %shift_right_logical3A_447 : vector<16xi32>
        %and3A_449 = arith.constant 1 : i32
        %and3A_450 = vector.broadcast %and3A_449 : i32 to vector<16xi32>
        %and3A_451 = arith.andi %shift_right_logical3A_448, %and3A_450 : vector<16xi32>
        %add3A_452 = arith.addi %bitcast3A_445, %and3A_451 : vector<16xi32>
        %add3A_453 = arith.constant 32767 : i32
        %add3A_454 = vector.broadcast %add3A_453 : i32 to vector<16xi32>
        %add3A_455 = arith.addi %add3A_452, %add3A_454 : vector<16xi32>
        %shift_right_logical3A_456 = arith.constant 16 : i32
        %shift_right_logical3A_457 = vector.broadcast %shift_right_logical3A_456 : i32 to vector<16xi32>
        %shift_right_logical3A_458 = arith.shrui %add3A_455, %shift_right_logical3A_457 : vector<16xi32>
        %bitcast3A_459 = vector.bitcast %add3A_444 : vector<16xf32> to vector<16xi32>
        %shift_right_logical3A_460 = arith.constant 16 : i32
        %shift_right_logical3A_461 = vector.broadcast %shift_right_logical3A_460 : i32 to vector<16xi32>
        %shift_right_logical3A_462 = arith.shrui %bitcast3A_459, %shift_right_logical3A_461 : vector<16xi32>
        %and3A_463 = arith.constant 1 : i32
        %and3A_464 = vector.broadcast %and3A_463 : i32 to vector<16xi32>
        %and3A_465 = arith.andi %shift_right_logical3A_462, %and3A_464 : vector<16xi32>
        %add3A_466 = arith.addi %bitcast3A_459, %and3A_465 : vector<16xi32>
        %add3A_467 = arith.constant 32767 : i32
        %add3A_468 = vector.broadcast %add3A_467 : i32 to vector<16xi32>
        %add3A_469 = arith.addi %add3A_466, %add3A_468 : vector<16xi32>
        %shift_right_logical3A_470 = arith.constant 16 : i32
        %shift_right_logical3A_471 = vector.broadcast %shift_right_logical3A_470 : i32 to vector<16xi32>
        %shift_right_logical3A_472 = arith.shrui %add3A_469, %shift_right_logical3A_471 : vector<16xi32>
        %shift_left3A_473 = arith.constant 16 : i32
        %shift_left3A_474 = vector.broadcast %shift_left3A_473 : i32 to vector<16xi32>
        %shift_left3A_475 = arith.shli %shift_right_logical3A_472, %shift_left3A_474 : vector<16xi32>
        %or3A_476 = arith.ori %shift_right_logical3A_458, %shift_left3A_475 : vector<16xi32>
        %bitcast3A_477 = vector.bitcast %or3A_476 : vector<16xi32> to vector<16xi32>
        %swap3A_478 = arith.constant 1 : i32
        %swap3A_479 = arith.index_cast %swap3A_478 : i32 to index
        %swap3A_480 = arith.index_cast %add3A_308 : i32 to index
        %swap3A_481 = arith.constant 32 : index
        %swap3A_482 = tpu.vector_load %arg11[%swap3A_479, %swap3A_480, %swap3A_481] {strides = array<i32>} : memref<2x128x64xi32, #tpu.memory_space<vmem>>, vector<16xi32>,
        tpu.vector_store %arg11[%swap3A_479, %swap3A_480, %swap3A_481], %bitcast3A_477 {strides = array<i32>} : memref<2x128x64xi32, #tpu.memory_space<vmem>>, vector<16xi32>,
        %get3A_483 = arith.constant 1 : i32
        %get3A_484 = arith.index_cast %get3A_483 : i32 to index
        %get3A_485 = arith.index_cast %add3A_308 : i32 to index
        %get3A_486 = arith.constant 48 : index
        %get3A_487 = tpu.vector_load %arg9[%get3A_484, %get3A_485, %get3A_486] {strides = array<i32>} : memref<2x128x128xf32, #tpu.memory_space<vmem>>, vector<16xf32>,
        %get3A_488 = arith.constant 1 : i32
        %get3A_489 = arith.index_cast %get3A_488 : i32 to index
        %get3A_490 = arith.index_cast %add3A_308 : i32 to index
        %get3A_491 = arith.constant 48 : index
        %get3A_492 = tpu.vector_load %arg10[%get3A_489, %get3A_490, %get3A_491] {strides = array<i32>} : memref<2x128x128xf32, #tpu.memory_space<vmem>>, vector<16xf32>,
        %add3A_493 = arith.addf %get3A_487, %get3A_492 : vector<16xf32>
        %get3A_494 = arith.constant 1 : i32
        %get3A_495 = arith.index_cast %get3A_494 : i32 to index
        %get3A_496 = arith.index_cast %add3A_308 : i32 to index
        %get3A_497 = arith.constant 112 : index
        %get3A_498 = tpu.vector_load %arg9[%get3A_495, %get3A_496, %get3A_497] {strides = array<i32>} : memref<2x128x128xf32, #tpu.memory_space<vmem>>, vector<16xf32>,
        %get3A_499 = arith.constant 1 : i32
        %get3A_500 = arith.index_cast %get3A_499 : i32 to index
        %get3A_501 = arith.index_cast %add3A_308 : i32 to index
        %get3A_502 = arith.constant 112 : index
        %get3A_503 = tpu.vector_load %arg10[%get3A_500, %get3A_501, %get3A_502] {strides = array<i32>} : memref<2x128x128xf32, #tpu.memory_space<vmem>>, vector<16xf32>,
        %add3A_504 = arith.addf %get3A_498, %get3A_503 : vector<16xf32>
        %bitcast3A_505 = vector.bitcast %add3A_493 : vector<16xf32> to vector<16xi32>
        %shift_right_logical3A_506 = arith.constant 16 : i32
        %shift_right_logical3A_507 = vector.broadcast %shift_right_logical3A_506 : i32 to vector<16xi32>
        %shift_right_logical3A_508 = arith.shrui %bitcast3A_505, %shift_right_logical3A_507 : vector<16xi32>
        %and3A_509 = arith.constant 1 : i32
        %and3A_510 = vector.broadcast %and3A_509 : i32 to vector<16xi32>
        %and3A_511 = arith.andi %shift_right_logical3A_508, %and3A_510 : vector<16xi32>
        %add3A_512 = arith.addi %bitcast3A_505, %and3A_511 : vector<16xi32>
        %add3A_513 = arith.constant 32767 : i32
        %add3A_514 = vector.broadcast %add3A_513 : i32 to vector<16xi32>
        %add3A_515 = arith.addi %add3A_512, %add3A_514 : vector<16xi32>
        %shift_right_logical3A_516 = arith.constant 16 : i32
        %shift_right_logical3A_517 = vector.broadcast %shift_right_logical3A_516 : i32 to vector<16xi32>
        %shift_right_logical3A_518 = arith.shrui %add3A_515, %shift_right_logical3A_517 : vector<16xi32>
        %bitcast3A_519 = vector.bitcast %add3A_504 : vector<16xf32> to vector<16xi32>
        %shift_right_logical3A_520 = arith.constant 16 : i32
        %shift_right_logical3A_521 = vector.broadcast %shift_right_logical3A_520 : i32 to vector<16xi32>
        %shift_right_logical3A_522 = arith.shrui %bitcast3A_519, %shift_right_logical3A_521 : vector<16xi32>
        %and3A_523 = arith.constant 1 : i32
        %and3A_524 = vector.broadcast %and3A_523 : i32 to vector<16xi32>
        %and3A_525 = arith.andi %shift_right_logical3A_522, %and3A_524 : vector<16xi32>
        %add3A_526 = arith.addi %bitcast3A_519, %and3A_525 : vector<16xi32>
        %add3A_527 = arith.constant 32767 : i32
        %add3A_528 = vector.broadcast %add3A_527 : i32 to vector<16xi32>
        %add3A_529 = arith.addi %add3A_526, %add3A_528 : vector<16xi32>
        %shift_right_logical3A_530 = arith.constant 16 : i32
        %shift_right_logical3A_531 = vector.broadcast %shift_right_logical3A_530 : i32 to vector<16xi32>
        %shift_right_logical3A_532 = arith.shrui %add3A_529, %shift_right_logical3A_531 : vector<16xi32>
        %shift_left3A_533 = arith.constant 16 : i32
        %shift_left3A_534 = vector.broadcast %shift_left3A_533 : i32 to vector<16xi32>
        %shift_left3A_535 = arith.shli %shift_right_logical3A_532, %shift_left3A_534 : vector<16xi32>
        %or3A_536 = arith.ori %shift_right_logical3A_518, %shift_left3A_535 : vector<16xi32>
        %bitcast3A_537 = vector.bitcast %or3A_536 : vector<16xi32> to vector<16xi32>
        %swap3A_538 = arith.constant 1 : i32
        %swap3A_539 = arith.index_cast %swap3A_538 : i32 to index
        %swap3A_540 = arith.index_cast %add3A_308 : i32 to index
        %swap3A_541 = arith.constant 48 : index
        %swap3A_542 = tpu.vector_load %arg11[%swap3A_539, %swap3A_540, %swap3A_541] {strides = array<i32>} : memref<2x128x64xi32, #tpu.memory_space<vmem>>, vector<16xi32>,
        tpu.vector_store %arg11[%swap3A_539, %swap3A_540, %swap3A_541], %bitcast3A_537 {strides = array<i32>} : memref<2x128x64xi32, #tpu.memory_space<vmem>>, vector<16xi32>,
      }
      %scan3A_287 = arith.constant 128 : i32
      %add3A_288 = arith.addi %add3A_6, %add3A_237 : i32
      %mul3A_289 = arith.constant 128 : i32
      %mul3A_290 = arith.muli %add3A_288, %mul3A_289 : i32
      %dma_start3A_291 = arith.constant 1 : i32
      %dma_start3A_292 = arith.constant 0 : i32
      %dma_start3A_293 = arith.constant 0 : i32
      %dma_start3A_294 = tpu.memref_slice %arg11[%dma_start3A_291, %dma_start3A_292, %dma_start3A_293] : memref<2x128x64xi32, #tpu.memory_space<vmem>> -> memref<1x128x64xi32, #tpu.memory_space<vmem>>
      %dma_start3A_295 = tpu.memref_squeeze %dma_start3A_294 : memref<1x128x64xi32, #tpu.memory_space<vmem>> -> memref<128x64xi32, #tpu.memory_space<vmem>>
      %dma_start3A_296 = arith.constant 0 : i32
      %dma_start3A_297 = tpu.memref_slice %arg6[%mul3A_290, %dma_start3A_296] : memref<327680x64xi32, #tpu.memory_space<hbm>> -> memref<128x64xi32, #tpu.memory_space<hbm>>
      %dma_start3A_298 = arith.constant 0 : i32
      %dma_start3A_299 = tpu.memref_slice %arg6[%mul3A_290, %dma_start3A_298] : memref<327680x64xi32, #tpu.memory_space<hbm>> -> memref<128x64xi32, #tpu.memory_space<hbm>>
      %dma_start3A_300 = arith.constant 0 : i32
      %dma_start3A_301 = arith.constant 0 : i32
      %dma_start3A_302 = tpu.memref_slice %arg11[%dma_start3A_291, %dma_start3A_300, %dma_start3A_301] : memref<2x128x64xi32, #tpu.memory_space<vmem>> -> memref<1x128x64xi32, #tpu.memory_space<vmem>>
      %dma_start3A_303 = tpu.memref_squeeze %dma_start3A_302 : memref<1x128x64xi32, #tpu.memory_space<vmem>> -> memref<128x64xi32, #tpu.memory_space<vmem>>
      tpu.enqueue_dma source(%dma_start3A_303 : memref<128x64xi32, #tpu.memory_space<vmem>>) target(%dma_start3A_299 : memref<128x64xi32, #tpu.memory_space<hbm>>) target_semaphore(%arg17 : memref<!tpu.dma_semaphore, #tpu.memory_space<semaphore_mem>>)
    }
    %sub3A_135 = arith.constant 2 : i32
    %sub3A_136 = arith.subi %add3A_1, %sub3A_135 : i32
    %add3A_137 = arith.addi %add3A_6, %sub3A_136 : i32
    %mul3A_138 = arith.constant 128 : i32
    %mul3A_139 = arith.muli %add3A_137, %mul3A_138 : i32
    %dma_wait3A_140 = arith.constant 0 : i32
    %dma_wait3A_141 = arith.constant 0 : i32
    %dma_wait3A_142 = arith.constant 0 : i32
    %dma_wait3A_143 = tpu.memref_slice %arg11[%dma_wait3A_140, %dma_wait3A_141, %dma_wait3A_142] : memref<2x128x64xi32, #tpu.memory_space<vmem>> -> memref<1x128x64xi32, #tpu.memory_space<vmem>>
    %dma_wait3A_144 = tpu.memref_squeeze %dma_wait3A_143 : memref<1x128x64xi32, #tpu.memory_space<vmem>> -> memref<128x64xi32, #tpu.memory_space<vmem>>
    %dma_wait3A_145 = arith.constant 0 : i32
    %dma_wait3A_146 = tpu.memref_slice %arg6[%mul3A_139, %dma_wait3A_145] : memref<327680x64xi32, #tpu.memory_space<hbm>> -> memref<128x64xi32, #tpu.memory_space<hbm>>
    %dma_wait3A_147 = arith.constant 0 : i32
    %dma_wait3A_148 = tpu.memref_slice %arg6[%mul3A_139, %dma_wait3A_147] : memref<327680x64xi32, #tpu.memory_space<hbm>> -> memref<128x64xi32, #tpu.memory_space<hbm>>
    %dma_wait3A_149 = arith.constant 0 : i32
    %dma_wait3A_150 = arith.constant 0 : i32
    %dma_wait3A_151 = tpu.memref_slice %arg11[%dma_wait3A_140, %dma_wait3A_149, %dma_wait3A_150] : memref<2x128x64xi32, #tpu.memory_space<vmem>> -> memref<1x128x64xi32, #tpu.memory_space<vmem>>
    %dma_wait3A_152 = tpu.memref_squeeze %dma_wait3A_151 : memref<1x128x64xi32, #tpu.memory_space<vmem>> -> memref<128x64xi32, #tpu.memory_space<vmem>>
    tpu.wait_dma2 semaphore(%arg16 : memref<!tpu.dma_semaphore, #tpu.memory_space<semaphore_mem>>) src(%dma_wait3A_152 : memref<128x64xi32, #tpu.memory_space<vmem>>) dst(%dma_wait3A_148 : memref<128x64xi32, #tpu.memory_space<hbm>>)
    %sub3A_153 = arith.constant 1 : i32
    %sub3A_154 = arith.subi %add3A_1, %sub3A_153 : i32
    %add3A_155 = arith.addi %add3A_6, %sub3A_154 : i32
    %mul3A_156 = arith.constant 128 : i32
    %mul3A_157 = arith.muli %add3A_155, %mul3A_156 : i32
    %dma_wait3A_158 = arith.constant 1 : i32
    %dma_wait3A_159 = arith.constant 0 : i32
    %dma_wait3A_160 = arith.constant 0 : i32
    %dma_wait3A_161 = tpu.memref_slice %arg11[%dma_wait3A_158, %dma_wait3A_159, %dma_wait3A_160] : memref<2x128x64xi32, #tpu.memory_space<vmem>> -> memref<1x128x64xi32, #tpu.memory_space<vmem>>
    %dma_wait3A_162 = tpu.memref_squeeze %dma_wait3A_161 : memref<1x128x64xi32, #tpu.memory_space<vmem>> -> memref<128x64xi32, #tpu.memory_space<vmem>>
    %dma_wait3A_163 = arith.constant 0 : i32
    %dma_wait3A_164 = tpu.memref_slice %arg6[%mul3A_157, %dma_wait3A_163] : memref<327680x64xi32, #tpu.memory_space<hbm>> -> memref<128x64xi32, #tpu.memory_space<hbm>>
    %dma_wait3A_165 = arith.constant 0 : i32
    %dma_wait3A_166 = tpu.memref_slice %arg6[%mul3A_157, %dma_wait3A_165] : memref<327680x64xi32, #tpu.memory_space<hbm>> -> memref<128x64xi32, #tpu.memory_space<hbm>>
    %dma_wait3A_167 = arith.constant 0 : i32
    %dma_wait3A_168 = arith.constant 0 : i32
    %dma_wait3A_169 = tpu.memref_slice %arg11[%dma_wait3A_158, %dma_wait3A_167, %dma_wait3A_168] : memref<2x128x64xi32, #tpu.memory_space<vmem>> -> memref<1x128x64xi32, #tpu.memory_space<vmem>>
    %dma_wait3A_170 = tpu.memref_squeeze %dma_wait3A_169 : memref<1x128x64xi32, #tpu.memory_space<vmem>> -> memref<128x64xi32, #tpu.memory_space<vmem>>
    tpu.wait_dma2 semaphore(%arg17 : memref<!tpu.dma_semaphore, #tpu.memory_space<semaphore_mem>>) src(%dma_wait3A_170 : memref<128x64xi32, #tpu.memory_space<vmem>>) dst(%dma_wait3A_166 : memref<128x64xi32, #tpu.memory_space<hbm>>)
    return
  }
}

module attributes {stable_mosaic.version = 14 : i64} {
  func.func @body(%arg0: memref<10000x128xf32, #tpu.memory_space<vmem>>, %arg1: memref<256x128xf32, #tpu.memory_space<vmem>>, %arg2: memref<10000x128xf32, #tpu.memory_space<vmem>>, %arg3: memref<10000x128xf32, #tpu.memory_space<vmem>>) attributes {dimension_semantics = [], scalar_prefetch = 0 : i64, scratch_operands = 0 : i64, tpu.core_type = #tpu.core_type<tc>} {
    %get3A = arith.constant 0 : index
    %get3A_0 = arith.constant 0 : index
    %get3A_1 = vector.load %arg0[%get3A, %get3A_0] : memref<10000x128xf32, #tpu.memory_space<vmem>>, vector<10000x128xf32>
    %get3A_2 = arith.constant 0 : index
    %get3A_3 = arith.constant 0 : index
    %get3A_4 = vector.load %arg1[%get3A_2, %get3A_3] : memref<256x128xf32, #tpu.memory_space<vmem>>, vector<128x128xf32>
    %dot_general3A = arith.constant dense<0.000000e+00> : vector<10000x128xf32>
    %dot_general3A_5 = tpu.matmul %get3A_1, %get3A_4, %dot_general3A {dimension_numbers = #tpu.dot_dimension_numbers<[1], [0], [0], [1], [0, 0, 1, 1], [], []>, transpose_lhs_hint = false} : vector<10000x128xf32>, vector<128x128xf32>, vector<10000x128xf32> -> vector<10000x128xf32>
    %swap3A = arith.constant 0 : index
    %swap3A_6 = arith.constant 0 : index
    %swap3A_7 = vector.load %arg2[%swap3A, %swap3A_6] : memref<10000x128xf32, #tpu.memory_space<vmem>>, vector<10000x128xf32>
    tpu.vector_store %arg2[%swap3A, %swap3A_6], %dot_general3A_5 {strides = array<i32>} : memref<10000x128xf32, #tpu.memory_space<vmem>>, vector<10000x128xf32>,
    %get3A_8 = arith.constant 128 : index
    %get3A_9 = arith.constant 0 : index
    %get3A_10 = vector.load %arg1[%get3A_8, %get3A_9] : memref<256x128xf32, #tpu.memory_space<vmem>>, vector<128x128xf32>
    %dot_general3A_11 = arith.constant dense<0.000000e+00> : vector<10000x128xf32>
    %dot_general3A_12 = tpu.matmul %get3A_1, %get3A_10, %dot_general3A_11 {dimension_numbers = #tpu.dot_dimension_numbers<[1], [0], [0], [1], [0, 0, 1, 1], [], []>, transpose_lhs_hint = false} : vector<10000x128xf32>, vector<128x128xf32>, vector<10000x128xf32> -> vector<10000x128xf32>
    %swap3A_13 = arith.constant 0 : index
    %swap3A_14 = arith.constant 0 : index
    %swap3A_15 = vector.load %arg3[%swap3A_13, %swap3A_14] : memref<10000x128xf32, #tpu.memory_space<vmem>>, vector<10000x128xf32>
    tpu.vector_store %arg3[%swap3A_13, %swap3A_14], %dot_general3A_12 {strides = array<i32>} : memref<10000x128xf32, #tpu.memory_space<vmem>>, vector<10000x128xf32>,
    return
  }
}

module attributes {stable_mosaic.version = 14 : i64} {
  func.func @body(%arg0: i32, %arg1: memref<8000x64xi32, #tpu.memory_space<vmem>>, %arg2: memref<8000x16xf32, #tpu.memory_space<vmem>>, %arg3: memref<16x64xf32, #tpu.memory_space<vmem>>, %arg4: memref<16x64xf32, #tpu.memory_space<vmem>>, %arg5: memref<1x64xf32, #tpu.memory_space<vmem>>, %arg6: memref<1x64xf32, #tpu.memory_space<vmem>>, %arg7: memref<64x16xf32, #tpu.memory_space<vmem>>, %arg8: memref<64x16xf32, #tpu.memory_space<vmem>>, %arg9: memref<1x16xf32, #tpu.memory_space<vmem>>, %arg10: memref<8000x16xf32, #tpu.memory_space<vmem>>) attributes {dimension_semantics = [#tpu.dimension_semantics<arbitrary>], iteration_bounds = array<i64: 40>, scalar_prefetch = 0 : i64, scratch_operands = 0 : i64, tpu.core_type = #tpu.core_type<tc>, window_params = [{transform_indices = @transform_0, window_bounds = array<i64: 8000, 64>}, {transform_indices = @transform_1, window_bounds = array<i64: 8000, 16>}, {pipeline_mode = #tpu.pipeline_mode<synchronous>, transform_indices = @transform_2, window_bounds = array<i64: 16, 64>}, {pipeline_mode = #tpu.pipeline_mode<synchronous>, transform_indices = @transform_3, window_bounds = array<i64: 16, 64>}, {pipeline_mode = #tpu.pipeline_mode<synchronous>, transform_indices = @transform_4, window_bounds = array<i64: 1, 64>}, {pipeline_mode = #tpu.pipeline_mode<synchronous>, transform_indices = @transform_5, window_bounds = array<i64: 1, 64>}, {pipeline_mode = #tpu.pipeline_mode<synchronous>, transform_indices = @transform_6, window_bounds = array<i64: 64, 16>}, {pipeline_mode = #tpu.pipeline_mode<synchronous>, transform_indices = @transform_7, window_bounds = array<i64: 64, 16>}, {pipeline_mode = #tpu.pipeline_mode<synchronous>, transform_indices = @transform_8, window_bounds = array<i64: 1, 16>}, {transform_indices = @transform_9, window_bounds = array<i64: 8000, 16>}]} {
    %get3A = arith.constant 0 : index
    %get3A_0 = arith.constant 0 : index
    %get3A_1 = vector.load %arg1[%get3A, %get3A_0] : memref<8000x64xi32, #tpu.memory_space<vmem>>, vector<8000x64xi32>
    %shift_left3A = arith.constant 16 : i32
    %shift_left3A_2 = vector.broadcast %shift_left3A : i32 to vector<8000x64xi32>
    %shift_left3A_3 = arith.shli %get3A_1, %shift_left3A_2 : vector<8000x64xi32>
    %bitcast_convert_type3A = tpu.bitcast %shift_left3A_3 : vector<8000x64xi32> -> vector<8000x64xf32>
    %and3A = arith.constant -65536 : i32
    %and3A_4 = vector.broadcast %and3A : i32 to vector<8000x64xi32>
    %and3A_5 = arith.andi %get3A_1, %and3A_4 : vector<8000x64xi32>
    %bitcast_convert_type3A_6 = tpu.bitcast %and3A_5 : vector<8000x64xi32> -> vector<8000x64xf32>
    %get3A_7 = arith.constant 0 : index
    %get3A_8 = arith.constant 0 : index
    %get3A_9 = vector.load %arg2[%get3A_7, %get3A_8] : memref<8000x16xf32, #tpu.memory_space<vmem>>, vector<8000x16xf32>
    %get3A_10 = arith.constant 0 : index
    %get3A_11 = arith.constant 0 : index
    %get3A_12 = vector.load %arg3[%get3A_10, %get3A_11] : memref<16x64xf32, #tpu.memory_space<vmem>>, vector<16x64xf32>
    %dot_general3A = arith.constant dense<0.000000e+00> : vector<8000x64xf32>
    %dot_general3A_13 = tpu.matmul %get3A_9, %get3A_12, %dot_general3A {dimension_numbers = #tpu.dot_dimension_numbers<[1], [0], [0], [1], [0, 0, 1, 1], [], []>, transpose_lhs_hint = false} : vector<8000x16xf32>, vector<16x64xf32>, vector<8000x64xf32> -> vector<8000x64xf32>
    %add3A = arith.addf %bitcast_convert_type3A, %dot_general3A_13 : vector<8000x64xf32>
    %get3A_14 = arith.constant 0 : index
    %get3A_15 = arith.constant 0 : index
    %get3A_16 = vector.load %arg5[%get3A_14, %get3A_15] : memref<1x64xf32, #tpu.memory_space<vmem>>, vector<1x64xf32>
    %add3A_17 = vector.broadcast %get3A_16 : vector<1x64xf32> to vector<8000x64xf32>
    %add3A_18 = arith.addf %add3A, %add3A_17 : vector<8000x64xf32>
    %get3A_19 = arith.constant 0 : index
    %get3A_20 = arith.constant 0 : index
    %get3A_21 = vector.load %arg4[%get3A_19, %get3A_20] : memref<16x64xf32, #tpu.memory_space<vmem>>, vector<16x64xf32>
    %dot_general3A_22 = arith.constant dense<0.000000e+00> : vector<8000x64xf32>
    %dot_general3A_23 = tpu.matmul %get3A_9, %get3A_21, %dot_general3A_22 {dimension_numbers = #tpu.dot_dimension_numbers<[1], [0], [0], [1], [0, 0, 1, 1], [], []>, transpose_lhs_hint = false} : vector<8000x16xf32>, vector<16x64xf32>, vector<8000x64xf32> -> vector<8000x64xf32>
    %add3A_24 = arith.addf %bitcast_convert_type3A_6, %dot_general3A_23 : vector<8000x64xf32>
    %get3A_25 = arith.constant 0 : index
    %get3A_26 = arith.constant 0 : index
    %get3A_27 = vector.load %arg6[%get3A_25, %get3A_26] : memref<1x64xf32, #tpu.memory_space<vmem>>, vector<1x64xf32>
    %add3A_28 = vector.broadcast %get3A_27 : vector<1x64xf32> to vector<8000x64xf32>
    %add3A_29 = arith.addf %add3A_24, %add3A_28 : vector<8000x64xf32>
    %max3A = arith.constant 0.000000e+00 : f32
    %max3A_30 = vector.broadcast %max3A : f32 to vector<8000x64xf32>
    %max3A_31 = arith.maximumf %add3A_18, %max3A_30 : vector<8000x64xf32>
    %max3A_32 = arith.constant 0.000000e+00 : f32
    %max3A_33 = vector.broadcast %max3A_32 : f32 to vector<8000x64xf32>
    %max3A_34 = arith.maximumf %add3A_29, %max3A_33 : vector<8000x64xf32>
    %get3A_35 = arith.constant 0 : index
    %get3A_36 = arith.constant 0 : index
    %get3A_37 = vector.load %arg7[%get3A_35, %get3A_36] : memref<64x16xf32, #tpu.memory_space<vmem>>, vector<64x16xf32>
    %dot_general3A_38 = arith.constant dense<0.000000e+00> : vector<8000x16xf32>
    %dot_general3A_39 = tpu.matmul %max3A_31, %get3A_37, %dot_general3A_38 {dimension_numbers = #tpu.dot_dimension_numbers<[1], [0], [0], [1], [0, 0, 1, 1], [], []>, transpose_lhs_hint = false} : vector<8000x64xf32>, vector<64x16xf32>, vector<8000x16xf32> -> vector<8000x16xf32>
    %get3A_40 = arith.constant 0 : index
    %get3A_41 = arith.constant 0 : index
    %get3A_42 = vector.load %arg8[%get3A_40, %get3A_41] : memref<64x16xf32, #tpu.memory_space<vmem>>, vector<64x16xf32>
    %dot_general3A_43 = arith.constant dense<0.000000e+00> : vector<8000x16xf32>
    %dot_general3A_44 = tpu.matmul %max3A_34, %get3A_42, %dot_general3A_43 {dimension_numbers = #tpu.dot_dimension_numbers<[1], [0], [0], [1], [0, 0, 1, 1], [], []>, transpose_lhs_hint = false} : vector<8000x64xf32>, vector<64x16xf32>, vector<8000x16xf32> -> vector<8000x16xf32>
    %add3A_45 = arith.addf %dot_general3A_39, %dot_general3A_44 : vector<8000x16xf32>
    %get3A_46 = arith.constant 0 : index
    %get3A_47 = arith.constant 0 : index
    %get3A_48 = vector.load %arg9[%get3A_46, %get3A_47] : memref<1x16xf32, #tpu.memory_space<vmem>>, vector<1x16xf32>
    %add3A_49 = vector.broadcast %get3A_48 : vector<1x16xf32> to vector<8000x16xf32>
    %add3A_50 = arith.addf %add3A_45, %add3A_49 : vector<8000x16xf32>
    %swap3A = arith.constant 0 : index
    %swap3A_51 = arith.constant 0 : index
    %swap3A_52 = vector.load %arg10[%swap3A, %swap3A_51] : memref<8000x16xf32, #tpu.memory_space<vmem>>, vector<8000x16xf32>
    tpu.vector_store %arg10[%swap3A, %swap3A_51], %add3A_50 {strides = array<i32>} : memref<8000x16xf32, #tpu.memory_space<vmem>>, vector<8000x16xf32>,
    return
  }
  func.func @transform_0(%arg0: i32) -> (i32, i32) {
    %c0_i32 = arith.constant 0 : i32
    %c0_i32_0 = arith.constant 0 : i32
    return %arg0, %c0_i32 : i32, i32
  }
  func.func @transform_1(%arg0: i32) -> (i32, i32) {
    %c0_i32 = arith.constant 0 : i32
    %c0_i32_0 = arith.constant 0 : i32
    return %arg0, %c0_i32 : i32, i32
  }
  func.func @transform_2(%arg0: i32) -> (i32, i32) {
    %c0_i32 = arith.constant 0 : i32
    %c0_i32_0 = arith.constant 0 : i32
    %c0_i32_1 = arith.constant 0 : i32
    return %c0_i32, %c0_i32_0 : i32, i32
  }
  func.func @transform_3(%arg0: i32) -> (i32, i32) {
    %c0_i32 = arith.constant 0 : i32
    %c0_i32_0 = arith.constant 0 : i32
    %c0_i32_1 = arith.constant 0 : i32
    return %c0_i32, %c0_i32_0 : i32, i32
  }
  func.func @transform_4(%arg0: i32) -> (i32, i32) {
    %c0_i32 = arith.constant 0 : i32
    %c0_i32_0 = arith.constant 0 : i32
    %c0_i32_1 = arith.constant 0 : i32
    return %c0_i32, %c0_i32_0 : i32, i32
  }
  func.func @transform_5(%arg0: i32) -> (i32, i32) {
    %c0_i32 = arith.constant 0 : i32
    %c0_i32_0 = arith.constant 0 : i32
    %c0_i32_1 = arith.constant 0 : i32
    return %c0_i32, %c0_i32_0 : i32, i32
  }
  func.func @transform_6(%arg0: i32) -> (i32, i32) {
    %c0_i32 = arith.constant 0 : i32
    %c0_i32_0 = arith.constant 0 : i32
    %c0_i32_1 = arith.constant 0 : i32
    return %c0_i32, %c0_i32_0 : i32, i32
  }
  func.func @transform_7(%arg0: i32) -> (i32, i32) {
    %c0_i32 = arith.constant 0 : i32
    %c0_i32_0 = arith.constant 0 : i32
    %c0_i32_1 = arith.constant 0 : i32
    return %c0_i32, %c0_i32_0 : i32, i32
  }
  func.func @transform_8(%arg0: i32) -> (i32, i32) {
    %c0_i32 = arith.constant 0 : i32
    %c0_i32_0 = arith.constant 0 : i32
    %c0_i32_1 = arith.constant 0 : i32
    return %c0_i32, %c0_i32_0 : i32, i32
  }
  func.func @transform_9(%arg0: i32) -> (i32, i32) {
    %c0_i32 = arith.constant 0 : i32
    %c0_i32_0 = arith.constant 0 : i32
    return %arg0, %c0_i32 : i32, i32
  }
}

</mosaic_0001>

<sc_bundles>
// kernel: kernel.5.cloned.1.call-start
scs
__scs_entry_jumppad:
0x0: {  	(pc) =	sbr.rel $0x88, $3  }
0x1: {  	(tag) =	ssettag $0x0;
	lr =	simm.s32 $0x1  }
0x2: {  	[smem:$0x3F98] =	sst lr;
	_ =	strace $0xD0000000  }
0x3: {  	_ = 	snop  }
0x4: {  	_ = 	snop  }
0x5: {  	_ = 	snop  }
0x6: {  	_ = 	snop  }
0x7: {  	_ = 	snop  }
__scs_overlays_trampoline_lowered:
0x8: {  	[smem:$0x3FA7] =	sst s0  }
0x9: {  	[smem:$0x3FA8] =	sst s1  }
0xa: {  	[smem:$0x3FA9] =	sst s2  }
0xb: {  	[smem:$0x3FAA] =	sst s3  }
0xc: {  	[smem:$0x3FAB] =	sst s4  }
0xd: {  	[smem:$0x3FAC] =	sst s5  }
0xe: {  	[smem:$0x3FAD] =	sst s6  }
0xf: {  	[smem:$0x3FAE] =	sst s7  }
0x10: {  	[smem:$0x3FAF] =	sst s8  }
0x11: {  	[smem:$0x3FB0] =	sst s9;
	s0 =	simm.s32 @!p0 $0x0  }
0x12: {  	s1 =	sld [smem:$0x3F96];
	s0 =	simm.s32 @p0 $0x1  }
0x13: {  	[smem:$0x3FB1] =	sst s0;
	s0 =	simm.s32 @!p1 $0x0  }
0x14: {  	s2 =	sld [smem:$0x3F95];
	s0 =	simm.s32 @p1 $0x1  }
0x15: {  	[smem:$0x3FB2] =	sst s0;
	s0 =	simm.s32 @!p2 $0x0  }
0x16: {  	s3 =	sld [smem:$0x3FDB];
	s0 =	simm.s32 @p2 $0x1  }
0x17: {  	s4 =	simm.s32 $0x1BF5;
	[smem:$0x3FB4] =	sst s0  }
0x18: {  	s0 =	sld [smem:$0x3F97];
	_ =	swait.ge [sflag:s4], $0x0  }
0x19: {  	s7 =	sld [smem:$0x3F98]  }
0x1a: {  	s8 =	sadd.s32 $0xFFFFE003, lr  }
0x1b: {  	s9 =	sadd.s32 $0xFFFFFEF7, lr;
	s5 =	simm.s32 $0xFFFFFFFF;
	p2 =	slt.u32 s8, $0xFFFFF086  }
0x1c: {  	p1 =	slt.u32 s9, $0xF7A;
	s5 =	simm.s32 @!p2 $0x0  }
0x1d: {  	s5 =	simm.s32 @p1 $0x1;
	p0 =	seq.s32 s7, s2  }
0x1e: {  	s7 =	smul.u32 @!p0 $0xF7A, s2;
	p2 =	seq.s32 @!p0 s5, $0x0  }
0x1f: {  	s9 =	smul.u32 $0xF7A, s1;
	s8 =	simm.s32 @!p0 $0x1BF5;
	p2 =	por !p2, p0  }
0x20: {  	[sflag:s8] =	ssyncset.s32 @!p0 $0xFFFFF086;
	s6 =	sadd.s32 @!p0 s3, s7;
	s7 =	simm.s32 @!p0 $0x108  }
0x21: {  	s3 =	sadd.s32 s3, s9;
	s6 =	sadd.s32 @!p0 $0x88, s6;
	s7 =	simm.s32 @p2 $0x1082  }
0x22: {  	[simem:s7], [sflag:s8] =	dma.local @!p0 [hbm:s6], $0xF7A  }
0x23: {  	s9 =	sor.u32 $0xD0000000, s2;
	s6 =	simm.s32 $0x108;
	_ =	swait.ge @!p0 [sflag:s8], $0x0  }
0x24: {  	s3 =	sadd.s32 $0x88, s3;
	s6 =	simm.s32 @!p1 $0x1082;
	[sflag:s4] =	ssyncset.s32 $0xFFFFF086  }
0x25: {  	[simem:s6], [sflag:s4] =	dma.local [hbm:s3], $0xF7A  }
0x26: {  	[smem:$0x3F98] =	sst s1;
	(tag) =	ssettag s2;
	_ =	strace s9  }
0x27: {  	s1 =	sld [smem:$0x3FA8]  }
0x28: {  	s2 =	sld [smem:$0x3FA9]  }
0x29: {  	s4 =	sld [smem:$0x3FAB]  }
0x2a: {  	p0 =	seq.s32 s5, $0x0;
	s5 =	sld [smem:$0x3FAC]  }
0x2b: {  	s6 =	sld [smem:$0x3FAD]  }
0x2c: {  	s7 =	sld [smem:$0x3FAE]  }
0x2d: {  	s3 =	simm.s32 $0x108;
	s8 =	sld [smem:$0x3FAF]  }
0x2e: {  	s3 =	simm.s32 @!p0 $0x1082;
	s9 =	sld [smem:$0x3FB0]  }
0x2f: {  	lr =	sadd.s32 s0, s3;
	s0 =	sld [smem:$0x3FA7]  }
0x30: {  	s3 =	sld [smem:$0x3FAA]  }
0x31: {  	[smem:$0x3FB3] =	sst s10  }
0x32: {  	s10 =	sld [smem:$0x3FB1];
	_ =	sdelay $0x3  }
0x33: {  	p0 =	seq.s32 s10, $0x1;
	s10 =	sld [smem:$0x3FB3];
	_ =	sdelay $0x3  }
0x34: {  	[smem:$0x3FB3] =	sst s10  }
0x35: {  	s10 =	sld [smem:$0x3FB2];
	_ =	sdelay $0x3  }
0x36: {  	p1 =	seq.s32 s10, $0x1;
	s10 =	sld [smem:$0x3FB3];
	_ =	sdelay $0x3  }
0x37: {  	[smem:$0x3FB3] =	sst s10  }
0x38: {  	s10 =	sld [smem:$0x3FB4]  }
0x39: {  	_ = 	snop;
	(pc) =	sbr.ind lr, $3  }
0x3a: {  	_ = 	snop  }
0x3b: {  	_ = 	snop  }
0x3c: {  	p2 =	seq.s32 s10, $0x1;
	s10 =	sld [smem:$0x3FB3]  }
0x3d: {  	_ =	shalt  }
0x3e: {  	_ =	shalt  }
0x3f: {  	_ =	shalt  }
0x40: {  	_ =	shalt  }
0x41: {  	_ =	shalt  }
0x42: {  	_ =	shalt  }
0x43: {  	_ =	shalt  }
0x44: {  	_ =	shalt  }
0x45: {  	_ =	shalt  }
0x46: {  	_ =	shalt  }
0x47: {  	_ =	shalt  }
0x48: {  	_ =	shalt  }
0x49: {  	_ =	shalt  }
0x4a: {  	_ =	shalt  }
0x4b: {  	_ =	shalt  }
0x4c: {  	_ =	shalt  }
0x4d: {  	_ =	shalt  }
0x4e: {  	_ =	shalt  }
0x4f: {  	_ =	shalt  }
0x50: {  	_ =	shalt  }
0x51: {  	_ =	shalt  }
0x52: {  	_ =	shalt  }
0x53: {  	_ =	shalt  }
0x54: {  	_ =	shalt  }
0x55: {  	_ =	shalt  }
0x56: {  	_ =	shalt  }
0x57: {  	_ =	shalt  }
0x58: {  	_ =	shalt  }
0x59: {  	_ =	shalt  }
0x5a: {  	_ =	shalt  }
0x5b: {  	_ =	shalt  }
0x5c: {  	_ =	shalt  }
0x5d: {  	_ =	shalt  }
0x5e: {  	_ =	shalt  }
0x5f: {  	_ =	shalt  }
0x60: {  	_ =	shalt  }
0x61: {  	_ =	shalt  }
0x62: {  	_ =	shalt  }
0x63: {  	_ =	shalt  }
0x64: {  	_ =	shalt  }
0x65: {  	_ =	shalt  }
0x66: {  	_ =	shalt  }
0x67: {  	_ =	shalt  }
0x68: {  	_ =	shalt  }
0x69: {  	_ =	shalt  }
0x6a: {  	_ =	shalt  }
0x6b: {  	_ =	shalt  }
0x6c: {  	_ =	shalt  }
0x6d: {  	_ =	shalt  }
0x6e: {  	_ =	shalt  }
0x6f: {  	_ =	shalt  }
0x70: {  	_ =	shalt  }
0x71: {  	_ =	shalt  }
0x72: {  	_ =	shalt  }
0x73: {  	_ =	shalt  }
0x74: {  	_ =	shalt  }
0x75: {  	_ =	shalt  }
0x76: {  	_ =	shalt  }
0x77: {  	_ =	shalt  }
0x78: {  	_ =	shalt  }
0x79: {  	_ =	shalt  }
0x7a: {  	_ =	shalt  }
0x7b: {  	_ =	shalt  }
0x7c: {  	_ =	shalt  }
0x7d: {  	_ =	shalt  }
0x7e: {  	_ =	shalt  }
0x7f: {  	_ =	shalt  }
0x80: {  	_ =	shalt  }
0x81: {  	_ =	shalt  }
0x82: {  	_ =	shalt  }
0x83: {  	_ =	shalt  }
0x84: {  	_ =	shalt  }
0x85: {  	_ =	shalt  }
0x86: {  	_ =	shalt  }
0x87: {  	_ =	shalt  }
.Lfunc_end0:
.L_simem_size_0:
called_computation_lowered:
.L_overlay_start_0:
0x88: {  	s2 =	sld [smem:$0x3FD9]  }
0x89: {  	s3 =	sld [smem:$0x3FFE];
	_ =	sdelay $0x1  }
0x8a: {  	s1 =	srdreg.scid  }
0x8b: {  	s0 =	sand.u32 $0x1, s1  }
0x8c: {  	s14 =	sshll.u32 s0, $0xA;
	s2 =	sadd.s32 s3, s2  }
0x8d: {  	s2 =	sadd.s32 s2, s14  }
0x8e: {  	[smem:$0x3FBF] =	sst s2  }
0x8f: {  	_ = 	snop  }
0x90: {  	s2 =	sld [smem:$0x3FD0];
	_ =	sdelay $0x2  }
0x91: {  	s15 =	simm.s32 $0xA;
	s4 =	simm.s32 $0x10  }
0x92: {  	[smem:s4], [sflag:s15] =	dma.local [hbm:s2], $0x1  }
0x93: {  	_ =	swait.eq [sflag:s15], $0x1  }
0x94: {  	s16 =	sld [smem:$0x10]  }
0x95: {  	s17 =	sld [smem:$0x11];
	[sflag:s15] =	ssyncset.done $0x0  }
0x96: {  	s5 =	sld [smem:$0x12];
	[sflag:s15] =	ssyncadd.s32 $0xFFFFFFFF  }
0x97: {  	s18 =	sld [smem:$0x13];
	(tm) =	ssettm $0x1  }
0x98: {  	s6 =	sld [smem:$0x3FFB];
	_ =	sdelay $0x3  }
0x99: {  	_ =	strace s6  }
0x9a: {  	s6 =	sld [smem:$0x3FFC];
	_ =	sdelay $0x3  }
0x9b: {  	_ =	strace s6  }
0x9c: {  	s6 =	sld [smem:$0x3FFD];
	_ =	sdelay $0x3  }
0x9d: {  	_ =	strace s6  }
0x9e: {  	_ =	strace $0x8FFFFFFF  }
0x9f: {  	s19 =	sld [smem:$0x3FDB];
	_ =	sdelay $0x1  }
0xa0: {  	s7 =	simm.s32 $_scs_section_size  }
0xa1: {  	s8 =	simm.s32 $_size__tile_overlayer_lowered;
	s9 =	simm.s32 $_tile_overlayer_lowered  }
0xa2: {  	s22 =	simm.s32 $0x1BFF;
	s21 =	sshll.u32 s9, $0x1;
	s6 =	sadd.s32 s7, s19  }
0xa3: {  	s10 =	simm.s32 $0x0;
	s20 =	sshll.u32 s8, $0x1;
	s8 =	sadd.s32 s21, s6  }
0xa4: {  	[timem:s10], [sflag:s22] =	dma.local [hbm:s8], s20  }
0xa5: {  	_ =	swait.ge [sflag:s22], s20  }
0xa6: {  	s7 =	ssub.s32 $0x0, s20;
	[sflag:s22] =	ssyncset.done $0x0  }
0xa7: {  	[sflag:s22] =	ssyncadd.s32 s7;
	_ =	sdelay $0x1  }
0xa8: {  	s23 =	simm.s32 $0x1B8B  }
0xa9: {  	_ =	swait.ge [sflag:s23], $0x1  }
0xaa: {  	[sflag:s23] =	ssyncset.done $0x0  }
0xab: {  	s25 =	simm.s32 $0x1B8E;
	s24 =	sld [smem:$0x3FFE];
	[sflag:s23] =	ssyncadd.s32 $0xFFFFFFFF  }
0xac: {  	s26 =	simm.s32 $execute0_lowered;
	[smem:$0x3FD2] =	sst s25  }
0xad: {  	s8 =	sshll.u32 s26, $0x1;
	_ =	strace $0x80000046;
	[dreg:$0x1] =	wrdreg $0xFFFFFFFF  }
0xae: {  	s28 =	simm.s32 $_size_execute0_lowered;
	s6 =	sadd.s32 s6, s8;
	[dreg:$0x0] =	wrdreg $0x0  }
0xaf: {  	s8 =	sshll.u32 s28, $0x1;
	[dreg:$0x2] =	wrdreg s6  }
0xb0: {  	[dreg:$0x3] =	wrdreg s8  }
0xb1: {  	[dreg:$0x4] =	wrdreg $0xC0  }
0xb2: {  	_ =	task [dreg:s10], $0x5FFFF  }
0xb3: {  	[dreg:$0x1] =	wrdreg $0xFFFFFFFF  }
0xb4: {  	[dreg:$0x0] =	wrdreg $0x60  }
0xb5: {  	[dreg:$0x2] =	wrdreg s16  }
0xb6: {  	[dreg:$0x3] =	wrdreg s17  }
0xb7: {  	[dreg:$0x4] =	wrdreg s5  }
0xb8: {  	[dreg:$0x5] =	wrdreg s18  }
0xb9: {  	[dreg:$0x6] =	wrdreg s24  }
0xba: {  	[dreg:$0x7] =	wrdreg $0x9  }
0xbb: {  	_ =	task.clear_ibuf [dreg:s10], $0x8FFFF;
	_ =	strace $0x90000046  }
0xbc: {  	s29 =	simm.s32 $0x9;
	_ =	strace $0x80000048  }
0xbd: {  	_ =	swait.ge [sflag:s29], $0x1  }
0xbe: {  	[sflag:s29] =	ssyncadd.s32 $0xFFFFFFFF  }
0xbf: {  	_ =	strace $0x90000048  }
0xc0: {  	_ =	sfence  }
0xc1: {  	s30 =	sld [smem:$0x0];
	_ =	sdelay $0x2  }
0xc2: {  	s31 =	sshll.u32 s1, $0xD;
	s1 =	sshrl.u32 s1, $0x2  }
0xc3: {  	s3 =	sand.u32 $0x4000, s31;
	s1 =	sadd.s32 s1, s30  }
0xc4: {  	s0 =	sor.u32 s3, s0;
	s1 =	sshll.u32 s1, $0x11  }
0xc5: {  	s0 =	sor.u32 s1, s0  }
0xc6: {  	s0 =	sadd.s32 $0x8F2B, s0  }
0xc7: {  	[sflag:s0] =	ssyncadd.remote.s32 $0x1  }
0xc8: {  	_ =	sfence.sel $0xFFFF  }
0xc9: {  	[dreg:$0x0] =	wrdreg $0xFFFFFFFF;
	(pc) =	sbr.abs _section_cstart, $3  }
0xca: {  	[dreg:$0x1] =	wrdreg $0xFFFFFFFF  }
0xcb: {  	_ =	task.clear_ibuf [dreg:s10], $0x2FFFF;
	_ =	strace $0x9FFFFFFF  }
0xcc: {  	(tm) =	ssettm $0x7FFFFFFF  }
0xcd: {  	_ =	shalt  }
tec
execute0_lowered:
.L_overlay_start_1:
0x0: {  	(tag) =	ssettag $0x1  }
0x1: {  	s1 =	rddreg [dreg:$0x0]  }
0x2: {  	s2 =	rddreg [dreg:$0x1]  }
0x3: {  	s3 =	rddreg [dreg:$0x2]  }
0x4: {  	s5 =	rddreg [dreg:$0x3]  }
0x5: {  	s0 =	rddreg [dreg:$0x4]  }
0x6: {  	s4 =	srdreg.scid;
	s7 =	stileid.u32  }
0x7: {  	s6 =	simm.s32 $0x0;
	s16 =	simm.s32 $0x100;
	s17 =	simm.s32 $0x1  }
0x8: {  	s18 =	simm.s32 $0x80;
	s21 =	simm.s32 $0x180;
	s22 =	simm.s32 $0x3  }
0x9: {  	s23 =	simm.s32 $0x10200;
	s24 =	simm.s32 $0x4;
	s25 =	simm.s32 $0x14200  }
0xa: {  	s26 =	simm.s32 $0x5;
	s28 =	simm.s32 $0x6;
	s29 =	simm.s32 $0x0  }
0xb: {  	s4 =	sand.u32 $0x1, s4;
	s8 =	smul.u32 $0xA0, s7;
	[smem:$0x7FF] =	sst s6  }
0xc: {  	s7 =	sadd.s32 $0x1C00, s0;
	s9 =	smul.u32 $0x30, s4;
	_ =	strace $0x80000047  }
0xd: {  	s31 =	ssub.s32 $0x2, s4;
	s11 =	sshll.u32 s4, $0x6;
	s4 =	sshll.u32 s4, $0x5  }
0xe: {  	s10 =	sshrl.u32 s31, $0x1;
	s15 =	sor.u32 $0x17, s4;
	s8 =	sadd.s32 s9, s8  }
0xf: {  	s0 =	ssub.s32 s31, s10;
	s9 =	sor.u32 $0x30, s11;
	s12 =	sshll.u32 s8, $0x4  }
0x10: {  	s14 =	smax.u32 s0, $0x1;
	s10 =	sadd.s32 s3, s12;
	s13 =	sor.u32 $0x10, s12  }
0x11: {  	s11 =	sadd.s32 s5, s12;
	s12 =	sadd.s32 s3, s13;
	s13 =	sadd.s32 s5, s13  }
.LBB2_1:
0x12: {  	[tilespmem:s6], [sflag:$0x1] =	stream.linear.gather [hbm4b:s10+s6], $0x80, $0x38;
	[tilespmem:$0x18200] =	vst v63  }
0x13: {  	_ = 	snop  }
0x14: {  	[tilespmem:s16], [sflag:$0x1] =	stream.linear.gather [hbm4b:s11+s6], $0x80, $0x38;
	[tilespmem:$0x18200] =	vst v63  }
0x15: {  	_ =	swait.ge [sflag:s17], $0x80  }
0x16: {  	[sflag:s17] =	ssyncset.done $0x0  }
0x17: {  	[sflag:s17] =	ssyncadd.s32 $0xFFFFFF80  }
0x18: {  	_ =	swait.ge [sflag:s17], $0x80  }
0x19: {  	[sflag:s17] =	ssyncset.done $0x0  }
0x1a: {  	s0 =	simm.s32 $0x200;
	[sflag:s17] =	ssyncadd.s32 $0xFFFFFF80  }
0x1b: {  	[tilespmem:s0], [sflag:$0x3] =	stream.indirect.gather [hbm4b:s1+s18], $0x80, s6, s18, $0xb8;
	[tilespmem:$0x18200] =	vst v63  }
0x1c: {  	s31 =	simm.s32 $0x8200  }
0x1d: {  	[tilespmem:s31], [sflag:$0x3] =	stream.indirect.gather [hbm4b:s2+s18], $0x80, s16, s18, $0xb8;
	[tilespmem:$0x18200] =	vst v63  }
0x1e: {  	_ = 	snop  }
0x1f: {  	[tilespmem:s18], [sflag:$0x2] =	stream.linear.gather [hbm4b:s12+s6], $0x80, $0x38;
	[tilespmem:$0x18200] =	vst v63  }
0x20: {  	s30 =	simm.s32 $0x0  }
0x21: {  	[tilespmem:s21], [sflag:$0x2] =	stream.linear.gather [hbm4b:s13+s6], $0x80, $0x38;
	[tilespmem:$0x18200] =	vst v63  }
.LBB2_2:
0x22: {  	p0 =	seq.s32 s30, $0x0;
	s31 =	sshllo.u32 s30, $0x1  }
0x23: {  	p1 =	sge.u32 @!p0 s31, s9  }
0x24: {  	p1 =	por p1, p0  }
0x25: {  	s0 =	simm.s32 @!p1 $0x6  }
0x26: {  	_ =	swait.ge @!p1 [sflag:s0], $0x4000  }
0x27: {  	p0 =	sge.u32 s31, s9;
	[sflag:s0] =	ssyncset.done @!p1 $0x0  }
0x28: {  	[sflag:s0] =	ssyncadd.s32 @!p1 $0xFFFFC000;
	s0 =	simm.s32 @!p0 $0x2  }
0x29: {  	_ =	swait.ge @!p0 [sflag:s0], $0x80  }
0x2a: {  	[sflag:s0] =	ssyncset.done @!p0 $0x0  }
0x2b: {  	[sflag:s0] =	ssyncadd.s32 @!p0 $0xFFFFFF80  }
0x2c: {  	_ =	swait.ge @!p0 [sflag:s0], $0x80  }
0x2d: {  	[sflag:s0] =	ssyncset.done @!p0 $0x0  }
0x2e: {  	s4 =	simm.s32 @!p0 $0x80;
	[sflag:s0] =	ssyncadd.s32 @!p0 $0xFFFFFF80;
	s0 =	simm.s32 @!p0 $0x4200  }
0x2f: {  	[tilespmem:s0], [sflag:$0x4] =	stream.indirect.gather @!p0 [hbm4b:s1+s4], $0x80, s4, s4, $0xb8;
	[tilespmem:$0x18200] =	vst v63  }
0x30: {  	s19 =	simm.s32 @!p0 $0x180;
	s20 =	simm.s32 @!p0 $0xC200;
	s0 =	sshll.u32 s30, $0x1  }
0x31: {  	[tilespmem:s20], [sflag:$0x4] =	stream.indirect.gather @!p0 [hbm4b:s2+s4], $0x80, s19, s4, $0xb8;
	[tilespmem:$0x18200] =	vst v63  }
0x32: {  	s4 =	sadd.s32 $0x2, s0  }
0x33: {  	p0 =	sge.u32 s4, s9  }
0x34: {  	_ =	swait.ge [sflag:s22], $0x4000;
	s19 =	sadd.s32 @!p0 s8, s4  }
0x35: {  	[sflag:s22] =	ssyncset.done $0x0;
	s4 =	sshll.u32 @!p0 s4, $0x7;
	s19 =	sshll.u32 @!p0 s19, $0x7  }
0x36: {  	[sflag:s22] =	ssyncadd.s32 $0xFFFFC000;
	s4 =	sand.u32 @!p0 $0x300, s4;
	s19 =	sand.u32 @!p0 $0x7FFFFC00, s19  }
0x37: {  	_ =	swait.ge [sflag:s22], $0x4000;
	s4 =	sor.u32 @!p0 s4, s19  }
0x38: {  	[sflag:s22] =	ssyncset.done $0x0;
	s4 =	sshrl.u32 @!p0 s4, $0x3  }
0x39: {  	s20 =	simm.s32 @!p0 $0x0;
	[sflag:s22] =	ssyncadd.s32 $0xFFFFC000;
	s19 =	sadd.s32 @!p0 s3, s4  }
0x3a: {  	[tilespmem:s20], [sflag:$0x1] =	stream.linear.gather @!p0 [hbm4b:s19+s20], $0x80, $0x38;
	[tilespmem:$0x18200] =	vst v63  }
0x3b: {  	s4 =	sadd.s32 @!p0 s5, s4;
	s19 =	simm.s32 @!p0 $0x100  }
0x3c: {  	[tilespmem:s19], [sflag:$0x1] =	stream.linear.gather @!p0 [hbm4b:s4+s20], $0x80, $0x38;
	[tilespmem:$0x18200] =	vst v63  }
0x3d: {  	s4 =	simm.s32 $0x0  }
0x3e: {  	v0 =	vld [tilespmem:s4+$0x230]  }
0x3f: {  	v1 =	vld [tilespmem:s4+$0x8230]  }
0x40: {  	v2 =	vld [tilespmem:s4+$0x270]  }
0x41: {  	v3 =	vld [tilespmem:s4+$0x8270]  }
0x42: {  	v4 =	vld [tilespmem:s4+$0x200]  }
0x43: {  	v5 =	vld [tilespmem:s4+$0x8200]  }
0x44: {  	v6 =	vld [tilespmem:s4+$0x240]  }
0x45: {  	v7 =	vld [tilespmem:s4+$0x8240]  }
0x46: {  	v8 =	vld [tilespmem:s4+$0x210]  }
0x47: {  	v0 =	vadd.f32 v1, v0;
	v1 =	vadd.f32 v3, v2;
	v2 =	vld [tilespmem:s4+$0x8210]  }
0x48: {  	v3 =	vld [tilespmem:s4+$0x250]  }
0x49: {  	v4 =	vadd.f32 v5, v4;
	v5 =	vld [tilespmem:s4+$0x8250];
	v9 =	vshrl.u32 v0, $0x10;
	v10 =	vshrl.u32 v1, $0x10  }
0x4a: {  	v9 =	vand.u32 $0x1, v9;
	v10 =	vand.u32 $0x1, v10  }
0x4b: {  	v6 =	vadd.f32 v7, v6;
	v7 =	vld [tilespmem:s4+$0x220];
	v0 =	vadd.s32 v9, v0;
	v1 =	vadd.s32 v10, v1  }
0x4c: {  	v9 =	vshrl.u32 v4, $0x10;
	v10 =	vld [tilespmem:s4+$0x8220];
	v0 =	vadd.s32 $0x7FFF, v0;
	v1 =	vadd.s32 $0x7FFF, v1  }
0x4d: {  	v11 =	vld [tilespmem:s4+$0x260];
	v2 =	vadd.f32 v2, v8;
	v8 =	vand.u32 $0x1, v9;
	v9 =	vshrl.u32 v6, $0x10  }
0x4e: {  	v12 =	vld [tilespmem:s4+$0x8260];
	v3 =	vadd.f32 v5, v3;
	v0 =	vshrl.u32 v0, $0x10;
	v1 =	vand.u32 $0xFFFF0000, v1  }
0x4f: {  	v0 =	vor.u32 v0, v1;
	v1 =	vand.u32 $0x1, v9;
	v5 =	vshrl.u32 v2, $0x10  }
0x50: {  	s19 =	simm.s32 $0x80;
	v8 =	vadd.s32 v8, v4;
	[tilespmem:s4+$0x10230] =	vst v0;
	v9 =	vadd.s32 v1, v6;
	v1 =	vand.u32 $0x1, v5  }
0x51: {  	v0 =	vld [tilespmem:s19+$0x230];
	v6 =	vadd.s32 v1, v2;
	v2 =	vshrl.u32 v3, $0x10;
	v4 =	vadd.f32 v10, v7  }
0x52: {  	v1 =	vld [tilespmem:s19+$0x8230];
	v7 =	vadd.s32 $0x7FFF, v8;
	v5 =	vadd.s32 $0x7FFF, v9;
	v8 =	vand.u32 $0x1, v2  }
0x53: {  	s20 =	simm.s32 $0x400;
	v2 =	vld [tilespmem:s19+$0x270];
	v8 =	vadd.s32 v8, v3;
	v3 =	vadd.f32 v12, v11;
	v9 =	vshrl.u32 v4, $0x10  }
.LBB2_3:
0x54: {  	p1 =	sne.s32 s20, $0xFE00;
	v10 =	vld [tilespmem:s19+$0x8270];
	v6 =	vadd.s32 $0x7FFF, v6;
	v8 =	vadd.s32 $0x7FFF, v8;
	v9 =	vand.u32 $0x1, v9  }
0x55: {  	v7 =	vshrl.u32 v7, $0x10;
	v11 =	vld [tilespmem:s19+$0x200];
	v4 =	vadd.s32 v9, v4;
	v9 =	vshrl.u32 v3, $0x10  }
0x56: {  	v5 =	vand.u32 $0xFFFF0000, v5;
	v12 =	vld [tilespmem:s19+$0x8200];
	v4 =	vadd.s32 $0x7FFF, v4;
	v9 =	vand.u32 $0x1, v9  }
0x57: {  	v6 =	vshrl.u32 v6, $0x10;
	v8 =	vand.u32 $0xFFFF0000, v8;
	v13 =	vld [tilespmem:s19+$0x240];
	v3 =	vadd.s32 v9, v3  }
0x58: {  	v5 =	vor.u32 v7, v5;
	v4 =	vshrl.u32 v4, $0x10;
	v9 =	vld [tilespmem:s19+$0x8240];
	v3 =	vadd.s32 $0x7FFF, v3  }
0x59: {  	v0 =	vadd.f32 v1, v0;
	v7 =	vld [tilespmem:s19+$0x210];
	v1 =	vadd.f32 v10, v2;
	[tilespmem:s4+$0x10200] =	vst v5;
	v2 =	vand.u32 $0xFFFF0000, v3  }
0x5a: {  	v5 =	vor.u32 v6, v8;
	v3 =	vld [tilespmem:s19+$0x8210];
	v2 =	vor.u32 v4, v2  }
0x5b: {  	v8 =	vshrl.u32 v0, $0x10;
	v4 =	vadd.f32 v12, v11;
	v6 =	vld [tilespmem:s19+$0x250];
	v10 =	vshrl.u32 v1, $0x10;
	[tilespmem:s4+$0x10210] =	vst v5  }
0x5c: {  	v8 =	vand.u32 $0x1, v8;
	v5 =	vld [tilespmem:s19+$0x8250];
	v10 =	vand.u32 $0x1, v10;
	[tilespmem:s4+$0x10220] =	vst v2;
	s4 =	smov.u32 s19  }
0x5d: {  	v0 =	vadd.s32 v8, v0;
	v2 =	vadd.f32 v9, v13;
	v9 =	vld [tilespmem:s4+$0x220];
	v1 =	vadd.s32 v10, v1  }
0x5e: {  	v0 =	vadd.s32 $0x7FFF, v0;
	v8 =	vshrl.u32 v4, $0x10;
	v10 =	vld [tilespmem:s4+$0x8220];
	v1 =	vadd.s32 $0x7FFF, v1  }
0x5f: {  	v0 =	vshrl.u32 v0, $0x10;
	v3 =	vadd.f32 v3, v7;
	v11 =	vld [tilespmem:s4+$0x260];
	v1 =	vand.u32 $0xFFFF0000, v1  }
0x60: {  	v7 =	vand.u32 $0x1, v8;
	v8 =	vshrl.u32 v2, $0x10;
	v12 =	vld [tilespmem:s4+$0x8260];
	v0 =	vor.u32 v0, v1  }
.Ltmp0:
0x61: {  	v1 =	vand.u32 $0x1, v8;
	v8 =	vadd.f32 v5, v6;
	v5 =	vshrl.u32 v3, $0x10;
	[tilespmem:s4+$0x10230] =	vst v0;
	(pc) =	sbr.rel @p1 .LBB2_3-.Ltmp0, $4  }
0x62: {  	s19 =	sshra.s32 s20, $0x2;
	v7 =	vadd.s32 v7, v4;
	v2 =	vadd.s32 v1, v2;
	v1 =	vand.u32 $0x1, v5  }
0x63: {  	v0 =	vld [tilespmem:s19+$0x230];
	v6 =	vadd.s32 v1, v3;
	v3 =	vshrl.u32 v8, $0x10;
	v4 =	vadd.f32 v10, v9  }
0x64: {  	v7 =	vadd.s32 $0x7FFF, v7;
	v5 =	vadd.s32 $0x7FFF, v2;
	v1 =	vld [tilespmem:s19+$0x8230];
	v3 =	vand.u32 $0x1, v3  }
0x65: {  	s20 =	sadd.s32 $0x200, s20;
	v2 =	vld [tilespmem:s19+$0x270];
	v8 =	vadd.s32 v3, v8;
	v3 =	vadd.f32 v12, v11;
	v9 =	vshrl.u32 v4, $0x10  }
0x66: {  	v10 =	vld [tilespmem:s19+$0x8270]  }
0x67: {  	v11 =	vld [tilespmem:s19+$0x200]  }
0x68: {  	v12 =	vld [tilespmem:s19+$0x8200];
	v6 =	vadd.s32 $0x7FFF, v6  }
0x69: {  	v13 =	vld [tilespmem:s19+$0x240];
	v9 =	vand.u32 $0x1, v9;
	v7 =	vshrl.u32 v7, $0x10;
	v5 =	vand.u32 $0xFFFF0000, v5  }
0x6a: {  	v14 =	vld [tilespmem:s19+$0x8240];
	v4 =	vadd.s32 v9, v4;
	v9 =	vshrl.u32 v3, $0x10;
	v5 =	vor.u32 v7, v5  }
0x6b: {  	v7 =	vld [tilespmem:s19+$0x210];
	v6 =	vshrl.u32 v6, $0x10;
	[tilespmem:s4+$0x10200] =	vst v5;
	v5 =	vadd.s32 $0x7FFF, v8;
	v8 =	vand.u32 $0x1, v9  }
0x6c: {  	v4 =	vadd.s32 $0x7FFF, v4;
	v5 =	vand.u32 $0xFFFF0000, v5;
	v3 =	vadd.s32 v8, v3  }
0x6d: {  	v8 =	vld [tilespmem:s19+$0x8210];
	v0 =	vadd.f32 v1, v0;
	v4 =	vshrl.u32 v4, $0x10;
	v3 =	vadd.s32 $0x7FFF, v3  }
0x6e: {  	v1 =	vor.u32 v6, v5;
	v2 =	vadd.f32 v10, v2;
	v3 =	vand.u32 $0xFFFF0000, v3  }
0x6f: {  	v5 =	vld [tilespmem:s19+$0x250];
	[tilespmem:s4+$0x10210] =	vst v1;
	v1 =	vor.u32 v4, v3;
	v3 =	vshrl.u32 v0, $0x10  }
0x70: {  	v6 =	vadd.f32 v12, v11;
	v4 =	vld [tilespmem:s19+$0x8250];
	v9 =	vshrl.u32 v2, $0x10;
	v3 =	vand.u32 $0x1, v3;
	[tilespmem:s4+$0x10220] =	vst v1  }
0x71: {  	v1 =	vand.u32 $0x1, v9;
	v9 =	vadd.f32 v14, v13;
	v10 =	vld [tilespmem:s19+$0x220];
	v0 =	vadd.s32 v3, v0  }
0x72: {  	v3 =	vld [tilespmem:s19+$0x8220];
	v7 =	vadd.f32 v8, v7;
	v1 =	vadd.s32 v1, v2;
	v0 =	vadd.s32 $0x7FFF, v0  }
0x73: {  	v8 =	vld [tilespmem:s19+$0x260];
	v2 =	vshrl.u32 v6, $0x10;
	v1 =	vadd.s32 $0x7FFF, v1;
	v0 =	vshrl.u32 v0, $0x10  }
0x74: {  	v62 =	vld [tilespmem:s19+$0x8260];
	v2 =	vand.u32 $0x1, v2;
	v11 =	vshrl.u32 v9, $0x10;
	v1 =	vand.u32 $0xFFFF0000, v1  }
0x75: {  	v2 =	vadd.s32 v2, v6;
	v0 =	vor.u32 v0, v1;
	v1 =	vadd.f32 v4, v5  }
0x76: {  	v4 =	vshrl.u32 v7, $0x10;
	v5 =	vand.u32 $0x1, v11;
	v2 =	vadd.s32 $0x7FFF, v2  }
0x77: {  	v4 =	vand.u32 $0x1, v4;
	v5 =	vadd.s32 v5, v9;
	v6 =	vshrl.u32 v1, $0x10  }
0x78: {  	v3 =	vadd.f32 v3, v10;
	v2 =	vshrl.u32 v2, $0x10;
	v6 =	vand.u32 $0x1, v6  }
0x79: {  	v4 =	vadd.s32 v4, v7;
	v1 =	vadd.s32 v6, v1;
	v6 =	vadd.f32 v62, v8  }
0x7a: {  	v5 =	vadd.s32 $0x7FFF, v5;
	v7 =	vshrl.u32 v3, $0x10;
	v4 =	vadd.s32 $0x7FFF, v4  }
0x7b: {  	v5 =	vand.u32 $0xFFFF0000, v5;
	v7 =	vand.u32 $0x1, v7;
	v8 =	vshrl.u32 v6, $0x10  }
0x7c: {  	v4 =	vshrl.u32 v4, $0x10;
	v3 =	vadd.s32 v7, v3;
	v7 =	vand.u32 $0x1, v8  }
0x7d: {  	v1 =	vadd.s32 $0x7FFF, v1;
	v3 =	vadd.s32 $0x7FFF, v3;
	v6 =	vadd.s32 v7, v6  }
0x7e: {  	[tilespmem:s19+$0x10230] =	vst v0;
	v0 =	vand.u32 $0xFFFF0000, v1;
	v1 =	vor.u32 v2, v5;
	v2 =	vadd.s32 $0x7FFF, v6  }
0x7f: {  	s20 =	sadd.s32 s8, s0;
	v3 =	vshrl.u32 v3, $0x10;
	[tilespmem:s19+$0x10200] =	vst v1;
	v0 =	vor.u32 v4, v0;
	v1 =	vand.u32 $0xFFFF0000, v2  }
0x80: {  	s4 =	sshll.u32 s20, $0xB;
	[tilespmem:s19+$0x10210] =	vst v0;
	v1 =	vor.u32 v3, v1  }
0x81: {  	s4 =	sadd.s32 s7, s4;
	[tilespmem:s19+$0x10220] =	vst v1  }
0x82: {  	[hbm4b:s4+s6] =	stream.linear.scatter [tilespmem:s23], [sflag:$0x5], $0x4000, $0x38;
	[tilespmem:$0x18200] =	vst v63  }
0x83: {  	s4 =	simm.s32 @!p0 $0x5  }
0x84: {  	_ =	swait.ge @!p0 [sflag:s4], $0x4000  }
0x85: {  	[sflag:s4] =	ssyncset.done @!p0 $0x0  }
0x86: {  	[sflag:s4] =	ssyncadd.s32 @!p0 $0xFFFFC000;
	s4 =	simm.s32 @!p0 $0x1  }
0x87: {  	_ =	swait.ge @!p0 [sflag:s4], $0x80  }
0x88: {  	[sflag:s4] =	ssyncset.done @!p0 $0x0  }
0x89: {  	[sflag:s4] =	ssyncadd.s32 @!p0 $0xFFFFFF80  }
0x8a: {  	_ =	swait.ge @!p0 [sflag:s4], $0x80  }
0x8b: {  	s20 =	simm.s32 @!p0 $0x200;
	[sflag:s4] =	ssyncset.done @!p0 $0x0  }
0x8c: {  	s19 =	simm.s32 @!p0 $0x0;
	[sflag:s4] =	ssyncadd.s32 @!p0 $0xFFFFFF80;
	s4 =	simm.s32 @!p0 $0x80  }
0x8d: {  	[tilespmem:s20], [sflag:$0x3] =	stream.indirect.gather @!p0 [hbm4b:s1+s4], $0x80, s19, s4, $0xb8;
	[tilespmem:$0x18200] =	vst v63  }
0x8e: {  	s0 =	sadd.s32 $0x3, s0;
	s19 =	simm.s32 @!p0 $0x100;
	s20 =	simm.s32 @!p0 $0x8200  }
0x8f: {  	[tilespmem:s20], [sflag:$0x3] =	stream.indirect.gather @!p0 [hbm4b:s2+s4], $0x80, s19, s4, $0xb8;
	[tilespmem:$0x18200] =	vst v63  }
0x90: {  	p0 =	sge.u32 s0, s9  }
0x91: {  	_ =	swait.ge [sflag:s24], $0x4000;
	s4 =	sadd.s32 @!p0 s8, s0  }
0x92: {  	s0 =	sshll.u32 @!p0 s0, $0x7;
	[sflag:s24] =	ssyncset.done $0x0;
	s4 =	sshll.u32 @!p0 s4, $0x7  }
0x93: {  	s0 =	sand.u32 @!p0 $0x380, s0;
	[sflag:s24] =	ssyncadd.s32 $0xFFFFC000;
	s4 =	sand.u32 @!p0 $0x7FFFFC00, s4  }
0x94: {  	_ =	swait.ge [sflag:s24], $0x4000;
	s0 =	sor.u32 @!p0 s0, s4  }
0x95: {  	s19 =	simm.s32 @!p0 $0x0;
	[sflag:s24] =	ssyncset.done $0x0;
	s0 =	sshrl.u32 @!p0 s0, $0x3  }
0x96: {  	s20 =	simm.s32 @!p0 $0x80;
	[sflag:s24] =	ssyncadd.s32 $0xFFFFC000;
	s4 =	sadd.s32 @!p0 s3, s0  }
0x97: {  	[tilespmem:s20], [sflag:$0x2] =	stream.linear.gather @!p0 [hbm4b:s4+s19], $0x80, $0x38;
	[tilespmem:$0x18200] =	vst v63  }
0x98: {  	s0 =	sadd.s32 @!p0 s5, s0;
	s4 =	simm.s32 @!p0 $0x180  }
0x99: {  	[tilespmem:s4], [sflag:$0x2] =	stream.linear.gather @!p0 [hbm4b:s0+s19], $0x80, $0x38;
	[tilespmem:$0x18200] =	vst v63  }
0x9a: {  	s0 =	simm.s32 $0x0  }
0x9b: {  	v0 =	vld [tilespmem:s0+$0x4230]  }
0x9c: {  	v1 =	vld [tilespmem:s0+$0xC230]  }
0x9d: {  	v2 =	vld [tilespmem:s0+$0x4270]  }
0x9e: {  	v3 =	vld [tilespmem:s0+$0xC270]  }
0x9f: {  	v4 =	vld [tilespmem:s0+$0x4200]  }
0xa0: {  	v5 =	vld [tilespmem:s0+$0xC200]  }
0xa1: {  	v6 =	vld [tilespmem:s0+$0x4240]  }
0xa2: {  	v7 =	vld [tilespmem:s0+$0xC240]  }
0xa3: {  	v8 =	vld [tilespmem:s0+$0x4210]  }
0xa4: {  	v0 =	vadd.f32 v1, v0;
	v1 =	vadd.f32 v3, v2;
	v2 =	vld [tilespmem:s0+$0xC210]  }
0xa5: {  	v3 =	vld [tilespmem:s0+$0x4250]  }
0xa6: {  	v4 =	vadd.f32 v5, v4;
	v5 =	vld [tilespmem:s0+$0xC250];
	v9 =	vshrl.u32 v0, $0x10;
	v10 =	vshrl.u32 v1, $0x10  }
0xa7: {  	v9 =	vand.u32 $0x1, v9;
	v10 =	vand.u32 $0x1, v10  }
0xa8: {  	v6 =	vadd.f32 v7, v6;
	v7 =	vld [tilespmem:s0+$0x4220];
	v0 =	vadd.s32 v9, v0;
	v1 =	vadd.s32 v10, v1  }
0xa9: {  	v9 =	vshrl.u32 v4, $0x10;
	v10 =	vld [tilespmem:s0+$0xC220];
	v0 =	vadd.s32 $0x7FFF, v0;
	v1 =	vadd.s32 $0x7FFF, v1  }
0xaa: {  	v11 =	vld [tilespmem:s0+$0x4260];
	v2 =	vadd.f32 v2, v8;
	v8 =	vand.u32 $0x1, v9;
	v9 =	vshrl.u32 v6, $0x10  }
0xab: {  	v63 =	vld [tilespmem:s0+$0xC260];
	v3 =	vadd.f32 v5, v3;
	v0 =	vshrl.u32 v0, $0x10;
	v1 =	vand.u32 $0xFFFF0000, v1  }
0xac: {  	v0 =	vor.u32 v0, v1;
	v1 =	vand.u32 $0x1, v9;
	v5 =	vshrl.u32 v2, $0x10  }
0xad: {  	s4 =	simm.s32 $0x80;
	v8 =	vadd.s32 v8, v4;
	[tilespmem:s0+$0x14230] =	vst v0;
	v9 =	vadd.s32 v1, v6;
	v1 =	vand.u32 $0x1, v5  }
0xae: {  	v0 =	vld [tilespmem:s4+$0x4230];
	v6 =	vadd.s32 v1, v2;
	v2 =	vshrl.u32 v3, $0x10;
	v4 =	vadd.f32 v10, v7  }
0xaf: {  	v1 =	vld [tilespmem:s4+$0xC230];
	v7 =	vadd.s32 $0x7FFF, v8;
	v5 =	vadd.s32 $0x7FFF, v9;
	v8 =	vand.u32 $0x1, v2  }
0xb0: {  	s19 =	simm.s32 $0x400;
	v2 =	vld [tilespmem:s4+$0x4270];
	v8 =	vadd.s32 v8, v3;
	v3 =	vadd.f32 v63, v11;
	v9 =	vshrl.u32 v4, $0x10  }
.LBB2_5:
0xb1: {  	p0 =	sne.s32 s19, $0xFE00;
	v10 =	vld [tilespmem:s4+$0xC270];
	v6 =	vadd.s32 $0x7FFF, v6;
	v8 =	vadd.s32 $0x7FFF, v8;
	v9 =	vand.u32 $0x1, v9  }
0xb2: {  	v7 =	vshrl.u32 v7, $0x10;
	v11 =	vld [tilespmem:s4+$0x4200];
	v4 =	vadd.s32 v9, v4;
	v9 =	vshrl.u32 v3, $0x10  }
0xb3: {  	v5 =	vand.u32 $0xFFFF0000, v5;
	v12 =	vld [tilespmem:s4+$0xC200];
	v4 =	vadd.s32 $0x7FFF, v4;
	v9 =	vand.u32 $0x1, v9  }
0xb4: {  	v6 =	vshrl.u32 v6, $0x10;
	v8 =	vand.u32 $0xFFFF0000, v8;
	v13 =	vld [tilespmem:s4+$0x4240];
	v3 =	vadd.s32 v9, v3  }
0xb5: {  	v5 =	vor.u32 v7, v5;
	v4 =	vshrl.u32 v4, $0x10;
	v9 =	vld [tilespmem:s4+$0xC240];
	v3 =	vadd.s32 $0x7FFF, v3  }
0xb6: {  	v0 =	vadd.f32 v1, v0;
	v7 =	vld [tilespmem:s4+$0x4210];
	v1 =	vadd.f32 v10, v2;
	[tilespmem:s0+$0x14200] =	vst v5;
	v2 =	vand.u32 $0xFFFF0000, v3  }
0xb7: {  	v5 =	vor.u32 v6, v8;
	v3 =	vld [tilespmem:s4+$0xC210];
	v2 =	vor.u32 v4, v2  }
0xb8: {  	v8 =	vshrl.u32 v0, $0x10;
	v4 =	vadd.f32 v12, v11;
	v6 =	vld [tilespmem:s4+$0x4250];
	v10 =	vshrl.u32 v1, $0x10;
	[tilespmem:s0+$0x14210] =	vst v5  }
0xb9: {  	v8 =	vand.u32 $0x1, v8;
	v5 =	vld [tilespmem:s4+$0xC250];
	v10 =	vand.u32 $0x1, v10;
	[tilespmem:s0+$0x14220] =	vst v2;
	s0 =	smov.u32 s4  }
0xba: {  	v0 =	vadd.s32 v8, v0;
	v2 =	vadd.f32 v9, v13;
	v9 =	vld [tilespmem:s0+$0x4220];
	v1 =	vadd.s32 v10, v1  }
0xbb: {  	v0 =	vadd.s32 $0x7FFF, v0;
	v8 =	vshrl.u32 v4, $0x10;
	v10 =	vld [tilespmem:s0+$0xC220];
	v1 =	vadd.s32 $0x7FFF, v1  }
0xbc: {  	v0 =	vshrl.u32 v0, $0x10;
	v3 =	vadd.f32 v3, v7;
	v11 =	vld [tilespmem:s0+$0x4260];
	v1 =	vand.u32 $0xFFFF0000, v1  }
0xbd: {  	v7 =	vand.u32 $0x1, v8;
	v8 =	vshrl.u32 v2, $0x10;
	v12 =	vld [tilespmem:s0+$0xC260];
	v0 =	vor.u32 v0, v1  }
.Ltmp1:
0xbe: {  	v1 =	vand.u32 $0x1, v8;
	v8 =	vadd.f32 v5, v6;
	v5 =	vshrl.u32 v3, $0x10;
	[tilespmem:s0+$0x14230] =	vst v0;
	(pc) =	sbr.rel @p0 .LBB2_5-.Ltmp1, $4  }
0xbf: {  	s4 =	sshra.s32 s19, $0x2;
	v7 =	vadd.s32 v7, v4;
	v2 =	vadd.s32 v1, v2;
	v1 =	vand.u32 $0x1, v5  }
0xc0: {  	v0 =	vld [tilespmem:s4+$0x4230];
	v6 =	vadd.s32 v1, v3;
	v3 =	vshrl.u32 v8, $0x10;
	v4 =	vadd.f32 v10, v9  }
0xc1: {  	v7 =	vadd.s32 $0x7FFF, v7;
	v5 =	vadd.s32 $0x7FFF, v2;
	v1 =	vld [tilespmem:s4+$0xC230];
	v3 =	vand.u32 $0x1, v3  }
0xc2: {  	s19 =	sadd.s32 $0x200, s19;
	v2 =	vld [tilespmem:s4+$0x4270];
	v8 =	vadd.s32 v3, v8;
	v3 =	vadd.f32 v12, v11;
	v9 =	vshrl.u32 v4, $0x10  }
0xc3: {  	v10 =	vld [tilespmem:s4+$0xC270]  }
0xc4: {  	v11 =	vld [tilespmem:s4+$0x4200];
	v6 =	vadd.s32 $0x7FFF, v6  }
0xc5: {  	v12 =	vld [tilespmem:s4+$0xC200];
	v9 =	vand.u32 $0x1, v9;
	v7 =	vshrl.u32 v7, $0x10;
	v5 =	vand.u32 $0xFFFF0000, v5  }
0xc6: {  	v13 =	vld [tilespmem:s4+$0x4240];
	v34 =	vadd.s32 $0x7FFF, v8;
	v4 =	vadd.s32 v9, v4;
	v32 =	vshrl.u32 v3, $0x10  }
0xc7: {  	v14 =	vld [tilespmem:s4+$0xC240];
	v5 =	vor.u32 v7, v5;
	v6 =	vshrl.u32 v6, $0x10;
	v35 =	vand.u32 $0x1, v32  }
0xc8: {  	v33 =	vld [tilespmem:s4+$0x4210];
	[tilespmem:s0+$0x14200] =	vst v5;
	v4 =	vadd.s32 $0x7FFF, v4;
	v5 =	vand.u32 $0xFFFF0000, v34;
	v36 =	vadd.s32 v35, v3  }
0xc9: {  	v0 =	vadd.f32 v1, v0;
	v38 =	vor.u32 v6, v5;
	v3 =	vadd.s32 $0x7FFF, v36  }
0xca: {  	v37 =	vld [tilespmem:s4+$0xC210];
	v4 =	vshrl.u32 v4, $0x10;
	v2 =	vadd.f32 v10, v2;
	v3 =	vand.u32 $0xFFFF0000, v3  }
0xcb: {  	v39 =	vld [tilespmem:s4+$0x4250];
	[tilespmem:s0+$0x14210] =	vst v38;
	v41 =	vshrl.u32 v0, $0x10;
	v43 =	vadd.f32 v12, v11;
	v40 =	vor.u32 v4, v3  }
0xcc: {  	v42 =	vld [tilespmem:s4+$0xC250];
	v46 =	vadd.f32 v14, v13;
	v3 =	vand.u32 $0x1, v41;
	[tilespmem:s0+$0x14220] =	vst v40  }
0xcd: {  	v44 =	vshrl.u32 v2, $0x10;
	v0 =	vadd.s32 v3, v0;
	v48 =	vshrl.u32 v43, $0x10;
	v47 =	vld [tilespmem:s4+$0x4220]  }
0xce: {  	v51 =	vshrl.u32 v46, $0x10;
	v45 =	vand.u32 $0x1, v44;
	v49 =	vld [tilespmem:s4+$0xC220];
	v0 =	vadd.s32 $0x7FFF, v0  }
0xcf: {  	v7 =	vadd.f32 v37, v33;
	v50 =	vld [tilespmem:s4+$0x4260];
	v55 =	vand.u32 $0x1, v51;
	v1 =	vadd.s32 v45, v2  }
0xd0: {  	v52 =	vld [tilespmem:s4+$0xC260];
	v0 =	vshrl.u32 v0, $0x10;
	v2 =	vand.u32 $0x1, v48;
	v5 =	vadd.s32 v55, v46  }
0xd1: {  	v1 =	vadd.s32 $0x7FFF, v1;
	v53 =	vadd.f32 v42, v39;
	v54 =	vshrl.u32 v7, $0x10  }
0xd2: {  	v2 =	vadd.s32 v2, v43;
	v5 =	vadd.s32 $0x7FFF, v5;
	v1 =	vand.u32 $0xFFFF0000, v1  }
0xd3: {  	v4 =	vand.u32 $0x1, v54;
	v2 =	vadd.s32 $0x7FFF, v2;
	v5 =	vand.u32 $0xFFFF0000, v5  }
0xd4: {  	v0 =	vor.u32 v0, v1;
	v4 =	vadd.s32 v4, v7;
	v56 =	vshrl.u32 v53, $0x10  }
0xd5: {  	v2 =	vshrl.u32 v2, $0x10;
	v3 =	vadd.f32 v49, v47;
	v57 =	vadd.f32 v52, v50  }
0xd6: {  	v6 =	vand.u32 $0x1, v56;
	v4 =	vadd.s32 $0x7FFF, v4;
	v61 =	vor.u32 v2, v5  }
0xd7: {  	v1 =	vadd.s32 v6, v53;
	v58 =	vshrl.u32 v3, $0x10;
	v8 =	vshrl.u32 v57, $0x10  }
0xd8: {  	v4 =	vshrl.u32 v4, $0x10;
	v7 =	vand.u32 $0x1, v58;
	v59 =	vand.u32 $0x1, v8  }
0xd9: {  	p0 =	sne.s32 s30, s15;
	v1 =	vadd.s32 $0x7FFF, v1;
	v3 =	vadd.s32 v7, v3;
	v6 =	vadd.s32 v59, v57  }
.Ltmp2:
0xda: {  	s20 =	sadd.s32 s8, s31;
	[tilespmem:s4+$0x14230] =	vst v0;
	v60 =	vand.u32 $0xFFFF0000, v1;
	v3 =	vadd.s32 $0x7FFF, v3;
	v62 =	vadd.s32 $0x7FFF, v6;
	(pc) =	sbr.rel @p0 .LBB2_2-.Ltmp2, $4  }
0xdb: {  	s0 =	sshll.u32 s20, $0xB;
	[tilespmem:s4+$0x14200] =	vst v61;
	v0 =	vor.u32 v4, v60;
	v3 =	vshrl.u32 v3, $0x10;
	v63 =	vand.u32 $0xFFFF0000, v62  }
0xdc: {  	s31 =	sadd.s32 $0x1, s30;
	s0 =	sand.u32 $0x1FFFF800, s0;
	[tilespmem:s4+$0x14210] =	vst v0;
	v1 =	vor.u32 v3, v63  }
0xdd: {  	s30 =	smov.u32 s31;
	s0 =	sadd.s32 s7, s0;
	[tilespmem:s4+$0x14220] =	vst v1  }
0xde: {  	[hbm4b:s0+s6] =	stream.linear.scatter [tilespmem:s25], [sflag:$0x6], $0x4000, $0x38;
	[tilespmem:$0x18200] =	vst v63  }
0xdf: {  	s29 =	sadd.s32 $0x1, s29  }
0xe0: {  	_ =	swait.ge [sflag:s26], $0x4000;
	p0 =	sne.s32 s29, s14  }
.Ltmp3:
0xe1: {  	[sflag:s26] =	ssyncset.done $0x0;
	(pc) =	sbr.rel @p0 .LBB2_1-.Ltmp3, $4  }
0xe2: {  	[sflag:s26] =	ssyncadd.s32 $0xFFFFC000  }
0xe3: {  	_ =	swait.ge [sflag:s28], $0x4000  }
0xe4: {  	[sflag:s28] =	ssyncset.done $0x0  }
0xe5: {  	[sflag:s28] =	ssyncadd.s32 $0xFFFFC000  }
0xe6: {  	_ =	sfence.sel $0x180000  }
0xe7: {  	[bflag:$0x0] =	sbarrier.arrive $0xFFFF  }
0xe8: {  	_ =	strace $0x90000047  }
0xe9: {  	s0 =	stileid.u32;
	[bflag:$0x2] =	sbarrier.arrive $0xFFFF  }
0xea: {  	p0 =	sne.s32 s0, $0x0;
	s0 =	rddreg [dreg:$0x5]  }
0xeb: {  	s0 =	sadd.s32 @!p0 $0x100000, s0  }
0xec: {  	[sflag:s0] =	ssyncadd.tile.s32 @!p0 $0x1;
	_ =	shalt  }
.Lfunc_end2:
_tile_overlayer_lowered:
.L_overlay_start_2:
0xed: {  	(tag) =	ssettag $0x2  }
0xee: {  	s0 =	rddreg [dreg:$0x0];
	s2 =	stileid.u32  }
0xef: {  	s1 =	rddreg [dreg:$0x1];
	p0 =	sne.s32 s2, $0x0  }
0xf0: {  	s3 =	rddreg [dreg:$0x2];
	[bflag:$0x3] =	sbarrier.arrive $0xFFFF;
	s2 =	simm.s32 @!p0 $0x1C07  }
0xf1: {  	[timem:s3], [sflag:s2] =	dma.local @!p0 [hbm:s0], s1  }
0xf2: {  	s0 =	simm.s32 @!p0 $0x7  }
0xf3: {  	_ =	swait.ge @!p0 [sflag:s0], s1  }
0xf4: {  	s1 =	ssub.s32 @!p0 $0x0, s1;
	[sflag:s0] =	ssyncset.done @!p0 $0x0  }
0xf5: {  	[sflag:s0] =	ssyncadd.s32 @!p0 s1  }
0xf6: {  	[bflag:$0x3] =	sbarrier.arrive $0xFFFF  }
0xf7: {  	_ =	shalt  }

</sc_bundles>
